<compile_context>
chip_gen: v7x
topology: tpu7x:2x2x1
jax: 0.10.2.dev20260603
libtpu: 0.0.44.dev20260713+nightly
codegen_flags: <defaults>
</compile_context>

<pallas_src>
import jax
import jax.numpy as jnp
from jax import lax
from jax.experimental import pallas as pl
from jax.experimental.pallas import tpu as pltpu
from jax.experimental.pallas import tpu_sc as plsc

N = 10000
E = 320000
D_IN = 128
D_HID = 128
D_OUT = 64
PROP = 8
ALPHA = 0.5

NC = 2
NS = 16
NW = NC * NS
LANE = 128

NPAD = 10240
RPS = NPAD // NS
EPT = 10112
NROW = EPT // LANE
EPAD = EPT * NW

BN = 2048
GRID = NPAD // BN

_mesh = plsc.VectorSubcoreMesh(core_axis_name="c", subcore_axis_name="s")



def _mlp_bef_body(x_ref, w_ref, b_ref, o_ref):
    i = pl.program_id(0)
    h = jnp.maximum(jnp.dot(x_ref[...], w_ref[...],
                            preferred_element_type=jnp.float32) + b_ref[...],
                    0.0)
    row = i * BN + lax.broadcasted_iota(jnp.int32, (BN, 1), 0)
    o_ref[...] = jnp.where(row < N, h, 0.0)


def _mlp_bef(xp, w, b):
    return pl.pallas_call(
        _mlp_bef_body,
        grid=(GRID,),
        in_specs=[
            pl.BlockSpec((BN, D_IN), lambda i: (i, 0)),
            pl.BlockSpec((D_IN, D_HID), lambda i: (0, 0)),
            pl.BlockSpec((1, D_HID), lambda i: (0, 0)),
        ],
        out_specs=pl.BlockSpec((BN, D_HID), lambda i: (i, 0)),
        out_shape=jax.ShapeDtypeStruct((NPAD, D_HID), jnp.float32),
    )(xp, w, b)


def _finalize_body(degp_ref, h0_ref, norm_ref, norm2_ref, g0_ref):
    deg = degp_ref[0, :] + degp_ref[1, :]
    nrm = lax.rsqrt(jnp.clip(deg, 1.0, None))
    ncol = jnp.reshape(nrm, (NPAD, 1))
    norm_ref[...] = ncol
    norm2_ref[...] = ncol * ncol
    g0_ref[...] = ncol * h0_ref[...]


def _finalize(degp, h0p):
    return pl.pallas_call(
        _finalize_body,
        out_shape=(
            jax.ShapeDtypeStruct((NPAD, 1), jnp.float32),
            jax.ShapeDtypeStruct((NPAD, 1), jnp.float32),
            jax.ShapeDtypeStruct((NPAD, D_HID), jnp.float32),
        ),
    )(degp, h0p)


def _combine_body(aggp_ref, n2_ref, g0_ref, u_ref):
    s = aggp_ref[0] + aggp_ref[1]
    u_ref[...] = (1.0 - ALPHA) * n2_ref[...] * s + ALPHA * g0_ref[...]


def _combine(aggp, norm2c, g0):
    return pl.pallas_call(
        _combine_body,
        grid=(GRID,),
        in_specs=[
            pl.BlockSpec((NC, BN, D_HID), lambda i: (0, i, 0)),
            pl.BlockSpec((BN, 1), lambda i: (i, 0)),
            pl.BlockSpec((BN, D_HID), lambda i: (i, 0)),
        ],
        out_specs=pl.BlockSpec((BN, D_HID), lambda i: (i, 0)),
        out_shape=jax.ShapeDtypeStruct((NPAD, D_HID), jnp.float32),
    )(aggp, norm2c, g0)


def _mlp_aft_body(aggp_ref, n_ref, h0_ref, w_ref, b_ref, o_ref):
    s = aggp_ref[0] + aggp_ref[1]
    h = (1.0 - ALPHA) * n_ref[...] * s + ALPHA * h0_ref[...]
    o_ref[...] = jnp.dot(h, w_ref[...],
                         preferred_element_type=jnp.float32) + b_ref[...]


def _mlp_aft(aggp, normc, h0p, w, b):
    return pl.pallas_call(
        _mlp_aft_body,
        grid=(GRID,),
        in_specs=[
            pl.BlockSpec((NC, BN, D_HID), lambda i: (0, i, 0)),
            pl.BlockSpec((BN, 1), lambda i: (i, 0)),
            pl.BlockSpec((BN, D_HID), lambda i: (i, 0)),
            pl.BlockSpec((D_HID, D_OUT), lambda i: (0, 0)),
            pl.BlockSpec((1, D_OUT), lambda i: (0, 0)),
        ],
        out_specs=pl.BlockSpec((BN, D_OUT), lambda i: (i, 0)),
        out_shape=jax.ShapeDtypeStruct((NPAD, D_OUT), jnp.float32),
    )(aggp, normc, h0p, w, b)



def _deg_body(src_hbm, dst_hbm, zeros1_hbm, degp_hbm,
              ones_v, idxs_v, idxd_v, deg_sh):
    c = lax.axis_index("c")
    s = lax.axis_index("s")
    wid = c * NS + s
    for i in range(LANE // 16):
        ones_v[pl.ds(16 * i, 16)] = jnp.full((16,), 1.0, jnp.float32)
    pltpu.sync_copy(zeros1_hbm.at[pl.ds(s * RPS, RPS)],
                    deg_sh.at[pl.ds(s * RPS, RPS)])
    plsc.subcore_barrier()
    pltpu.sync_copy(src_hbm.at[wid], idxs_v)
    pltpu.sync_copy(dst_hbm.at[wid], idxd_v)

    def body(j, carry):
        pltpu.sync_copy(ones_v, deg_sh.at[idxs_v.at[j]], add=True)
        pltpu.sync_copy(ones_v, deg_sh.at[idxd_v.at[j]], add=True)
        return carry

    lax.fori_loop(0, NROW, body, 0)
    plsc.subcore_barrier()
    pltpu.sync_copy(deg_sh.at[pl.ds(s * RPS, RPS)],
                    degp_hbm.at[c, pl.ds(s * RPS, RPS)])


_deg_call = pl.kernel(
    _deg_body,
    out_type=jax.ShapeDtypeStruct((NC, NPAD), jnp.float32),
    mesh=_mesh,
    scratch_types=[
        pltpu.VMEM((LANE,), jnp.float32),
        pltpu.VMEM((NROW, LANE), jnp.int32),
        pltpu.VMEM((NROW, LANE), jnp.int32),
        pltpu.VMEM_SHARED((NPAD,), jnp.float32),
    ],
)


def _round_body(u_hbm, src_hbm, dst_hbm, zeros2_hbm, aggp_hbm,
                idxs_v, idxd_v, rows_v, agg_sh, sem):
    c = lax.axis_index("c")
    s = lax.axis_index("s")
    wid = c * NS + s
    pltpu.sync_copy(zeros2_hbm.at[pl.ds(s * RPS, RPS)],
                    agg_sh.at[pl.ds(s * RPS, RPS)])
    plsc.subcore_barrier()
    pltpu.sync_copy(src_hbm.at[wid], idxs_v)
    pltpu.sync_copy(dst_hbm.at[wid], idxd_v)

    def body(j, carry):
        pltpu.async_copy(u_hbm.at[idxs_v.at[j]], rows_v, sem).wait()
        pltpu.sync_copy(rows_v, agg_sh.at[idxd_v.at[j]], add=True)
        return carry

    lax.fori_loop(0, NROW, body, 0)
    plsc.subcore_barrier()
    pltpu.sync_copy(agg_sh.at[pl.ds(s * RPS, RPS)],
                    aggp_hbm.at[c, pl.ds(s * RPS, RPS)])


_round_call = pl.kernel(
    _round_body,
    out_type=jax.ShapeDtypeStruct((NC, NPAD, D_HID), jnp.float32),
    mesh=_mesh,
    scratch_types=[
        pltpu.VMEM((NROW, LANE), jnp.int32),
        pltpu.VMEM((NROW, LANE), jnp.int32),
        pltpu.VMEM((LANE, D_HID), jnp.float32),
        pltpu.VMEM_SHARED((NPAD, D_HID), jnp.float32),
        pltpu.SemaphoreType.DMA,
    ],
)



@jax.jit
def kernel(x, edge_index, W_bef, b_bef, W_aft, b_aft):
    src = edge_index[0].astype(jnp.int32)
    dst = edge_index[1].astype(jnp.int32)
    pad = EPAD - E
    fill = jnp.full((pad,), N, jnp.int32)
    srcp = jnp.concatenate([src, fill]).reshape(NW, NROW, LANE)
    dstp = jnp.concatenate([dst, fill]).reshape(NW, NROW, LANE)
    xp = jnp.pad(x, ((0, NPAD - N), (0, 0)))
    zeros1 = jnp.zeros((NPAD,), jnp.float32)
    zeros2 = jnp.zeros((NPAD, D_HID), jnp.float32)

    h0p = _mlp_bef(xp, W_bef, b_bef.reshape(1, D_HID))
    degp = _deg_call(srcp, dstp, zeros1)
    normc, norm2c, g0 = _finalize(degp, h0p)

    u = g0
    for _ in range(PROP - 1):
        aggp = _round_call(u, srcp, dstp, zeros2)
        u = _combine(aggp, norm2c, g0)
    aggp = _round_call(u, srcp, dstp, zeros2)
    outp = _mlp_aft(aggp, normc, h0p, W_aft, b_aft.reshape(1, D_OUT))
    return outp[:N]

# --- scband reference (transcript-rebuilt; emitter-appended) ---
"""Pipeline reference for scband-gnnmodel-43293270343694 (READ-ONLY COPY).

The authoritative reference and input builder live on the scoring server;
editing this copy changes nothing except your own understanding.
"""

import jax, jax.numpy as jnp
import numpy as np

N = 10000
E = 320000
D_IN = 128
D_HID = 128
D_OUT = 64
PROP_STEP = 8
ALPHA = 0.5


def setup_inputs(seed: int = 0) -> dict:
    key = jax.random.key(seed)
    k1, k2, k3, k4, k5, k6 = jax.random.split(key, 6)
    x = jax.random.normal(k1, (N, D_IN), dtype=jnp.float32)
    edge_index = jax.random.randint(k2, (2, E), 0, N, dtype=jnp.int64)
    # MLP-before (1 layer) and MLP-after (1 layer) parameters
    W_bef = jax.random.normal(k3, (D_IN, D_HID), dtype=jnp.float32) * (1.0 / np.sqrt(D_IN))
    b_bef = jnp.zeros((D_HID,), dtype=jnp.float32)
    W_aft = jax.random.normal(k4, (D_HID, D_OUT), dtype=jnp.float32) * (1.0 / np.sqrt(D_HID))
    b_aft = jnp.zeros((D_OUT,), dtype=jnp.float32)
    return {"x": x, "edge_index": edge_index, "W_bef": W_bef, "b_bef": b_bef, "W_aft": W_aft, "b_aft": b_aft}


def reference(x, edge_index, W_bef, b_bef, W_aft, b_aft):
    # mlp_bef: single linear + relu (num_mlp_before = 1)
    h = jax.nn.relu(x @ W_bef + b_bef)
    src = edge_index[0]
    dst = edge_index[1]
    # symmetric degree normalization
    deg = jnp.zeros((N,), dtype=jnp.float32).at[dst].add(jnp.ones((E,), dtype=jnp.float32))
    deg = jnp.zeros((N,), dtype=jnp.float32).at[src].add(jnp.ones((E,), dtype=jnp.float32)) + deg
    norm = jax.lax.rsqrt(jnp.clip(deg, 1.0, None))
    coef = norm[src] * norm[dst]  # [E]
    # unfolding: prop_step rounds of normalized propagation with residual to h0
    h0 = h
    for _ in range(PROP_STEP):
        msg = h[src] * coef[:, None]  # gather + scale, [E, D_HID]
        agg = jnp.zeros((N, D_HID), dtype=jnp.float32).at[dst].add(msg)  # scatter-add
        h = (1.0 - ALPHA) * agg + ALPHA * h0
    # mlp_aft: single linear (num_mlp_after = 1)
    out = h @ W_aft + b_aft
    return out

if __name__ == "__main__":
    import jax
    _d = setup_inputs()
    print(jax.jit(kernel)(*tuple(_d.values())))

</pallas_src>

<mosaic_0001>
#map = affine_map<(d0, d1) -> (0, 0)>
#map1 = affine_map<(d0, d1) -> (0, 0, 0)>
module attributes {stable_mosaic.version = 14 : i64} {
  func.func @_round_body(%arg0: i32, %arg1: i32, %arg2: memref<10240x128xf32, #tpu.memory_space<hbm>>, %arg3: memref<32x79x128xi32, #tpu.memory_space<hbm>>, %arg4: memref<32x79x128xi32, #tpu.memory_space<hbm>>, %arg5: memref<10240x128xf32, #tpu.memory_space<hbm>>, %arg6: memref<2x10240x128xf32, #tpu.memory_space<hbm>>, %arg7: memref<79x128xi32, #tpu.memory_space<vmem>>, %arg8: memref<79x128xi32, #tpu.memory_space<vmem>>, %arg9: memref<128x128xf32, #tpu.memory_space<vmem>>, %arg10: memref<10240x128xf32, #tpu.memory_space<vmem_shared>>, %arg11: memref<!tpu.dma_semaphore, #tpu.memory_space<semaphore_mem>>) attributes {dimension_semantics = [#tpu.dimension_semantics<core_parallel>, #tpu.dimension_semantics<subcore_parallel>], iteration_bounds = array<i64: 2, 16>, scalar_prefetch = 0 : i64, scratch_operands = 5 : i64, tpu.core_type = #tpu.core_type<sc_vector_subcore>, window_params = [{transform_indices = #map}, {transform_indices = #map1}, {transform_indices = #map1}, {transform_indices = #map}, {transform_indices = #map1}]} {
    %mul3A = arith.constant 16 : i32
    %mul3A_0 = arith.muli %arg0, %mul3A : i32
    %add3A = arith.addi %mul3A_0, %arg1 : i32
    %mul3A_1 = arith.constant 640 : i32
    %mul3A_2 = arith.muli %arg1, %mul3A_1 : i32
    %mul3A_3 = arith.constant 640 : i32
    %mul3A_4 = arith.muli %arg1, %mul3A_3 : i32
    "tpu.region"() ({
      %run_scoped3A = tpu.sem_alloc : memref<!tpu.dma_semaphore, #tpu.memory_space<semaphore_mem>>
      %dma_start3A = arith.constant 0 : i32
      %dma_start3A_15 = tpu.memref_slice %arg10[%mul3A_4, %dma_start3A] : memref<10240x128xf32, #tpu.memory_space<vmem_shared>> -> memref<640x128xf32, #tpu.memory_space<vmem_shared>>
      %dma_start3A_16 = arith.constant 0 : i32
      %dma_start3A_17 = tpu.memref_slice %arg5[%mul3A_2, %dma_start3A_16] : memref<10240x128xf32, #tpu.memory_space<hbm>> -> memref<640x128xf32, #tpu.memory_space<hbm>>
      tpu.enqueue_dma source(%dma_start3A_17 : memref<640x128xf32, #tpu.memory_space<hbm>>) target(%dma_start3A_15 : memref<640x128xf32, #tpu.memory_space<vmem_shared>>) target_semaphore(%run_scoped3A : memref<!tpu.dma_semaphore, #tpu.memory_space<semaphore_mem>>)
      %dma_wait3A = arith.constant 0 : i32
      %dma_wait3A_18 = tpu.memref_slice %arg10[%mul3A_4, %dma_wait3A] : memref<10240x128xf32, #tpu.memory_space<vmem_shared>> -> memref<640x128xf32, #tpu.memory_space<vmem_shared>>
      %dma_wait3A_19 = arith.constant 0 : i32
      %dma_wait3A_20 = tpu.memref_slice %arg5[%mul3A_2, %dma_wait3A_19] : memref<10240x128xf32, #tpu.memory_space<hbm>> -> memref<640x128xf32, #tpu.memory_space<hbm>>
      tpu.wait_dma2 semaphore(%run_scoped3A : memref<!tpu.dma_semaphore, #tpu.memory_space<semaphore_mem>>) src(%dma_wait3A_20 : memref<640x128xf32, #tpu.memory_space<hbm>>) dst(%dma_wait3A_18 : memref<640x128xf32, #tpu.memory_space<vmem_shared>>)
      tpu.yield
    }) : () -> ()
    %barrier3A = arith.constant 0 : index
    tpu.barrier barrier_id(%barrier3A)
    "tpu.region"() ({
      %run_scoped3A = tpu.sem_alloc : memref<!tpu.dma_semaphore, #tpu.memory_space<semaphore_mem>>
      %dma_start3A = arith.constant 0 : i32
      %dma_start3A_15 = arith.constant 0 : i32
      %dma_start3A_16 = tpu.memref_slice %arg3[%add3A, %dma_start3A, %dma_start3A_15] : memref<32x79x128xi32, #tpu.memory_space<hbm>> -> memref<1x79x128xi32, #tpu.memory_space<hbm>>
      %dma_start3A_17 = tpu.memref_squeeze %dma_start3A_16 : memref<1x79x128xi32, #tpu.memory_space<hbm>> -> memref<79x128xi32, #tpu.memory_space<hbm>>
      %dma_start3A_18 = arith.constant 0 : i32
      %dma_start3A_19 = arith.constant 0 : i32
      %dma_start3A_20 = tpu.memref_slice %arg3[%add3A, %dma_start3A_18, %dma_start3A_19] : memref<32x79x128xi32, #tpu.memory_space<hbm>> -> memref<1x79x128xi32, #tpu.memory_space<hbm>>
      %dma_start3A_21 = tpu.memref_squeeze %dma_start3A_20 : memref<1x79x128xi32, #tpu.memory_space<hbm>> -> memref<79x128xi32, #tpu.memory_space<hbm>>
      tpu.enqueue_dma source(%dma_start3A_21 : memref<79x128xi32, #tpu.memory_space<hbm>>) target(%arg7 : memref<79x128xi32, #tpu.memory_space<vmem>>) target_semaphore(%run_scoped3A : memref<!tpu.dma_semaphore, #tpu.memory_space<semaphore_mem>>)
      %dma_wait3A = arith.constant 0 : i32
      %dma_wait3A_22 = arith.constant 0 : i32
      %dma_wait3A_23 = tpu.memref_slice %arg3[%add3A, %dma_wait3A, %dma_wait3A_22] : memref<32x79x128xi32, #tpu.memory_space<hbm>> -> memref<1x79x128xi32, #tpu.memory_space<hbm>>
      %dma_wait3A_24 = tpu.memref_squeeze %dma_wait3A_23 : memref<1x79x128xi32, #tpu.memory_space<hbm>> -> memref<79x128xi32, #tpu.memory_space<hbm>>
      %dma_wait3A_25 = arith.constant 0 : i32
      %dma_wait3A_26 = arith.constant 0 : i32
      %dma_wait3A_27 = tpu.memref_slice %arg3[%add3A, %dma_wait3A_25, %dma_wait3A_26] : memref<32x79x128xi32, #tpu.memory_space<hbm>> -> memref<1x79x128xi32, #tpu.memory_space<hbm>>
      %dma_wait3A_28 = tpu.memref_squeeze %dma_wait3A_27 : memref<1x79x128xi32, #tpu.memory_space<hbm>> -> memref<79x128xi32, #tpu.memory_space<hbm>>
      tpu.wait_dma2 semaphore(%run_scoped3A : memref<!tpu.dma_semaphore, #tpu.memory_space<semaphore_mem>>) src(%dma_wait3A_28 : memref<79x128xi32, #tpu.memory_space<hbm>>) dst(%arg7 : memref<79x128xi32, #tpu.memory_space<vmem>>)
      tpu.yield
    }) : () -> ()
    "tpu.region"() ({
      %run_scoped3A = tpu.sem_alloc : memref<!tpu.dma_semaphore, #tpu.memory_space<semaphore_mem>>
      %dma_start3A = arith.constant 0 : i32
      %dma_start3A_15 = arith.constant 0 : i32
      %dma_start3A_16 = tpu.memref_slice %arg4[%add3A, %dma_start3A, %dma_start3A_15] : memref<32x79x128xi32, #tpu.memory_space<hbm>> -> memref<1x79x128xi32, #tpu.memory_space<hbm>>
      %dma_start3A_17 = tpu.memref_squeeze %dma_start3A_16 : memref<1x79x128xi32, #tpu.memory_space<hbm>> -> memref<79x128xi32, #tpu.memory_space<hbm>>
      %dma_start3A_18 = arith.constant 0 : i32
      %dma_start3A_19 = arith.constant 0 : i32
      %dma_start3A_20 = tpu.memref_slice %arg4[%add3A, %dma_start3A_18, %dma_start3A_19] : memref<32x79x128xi32, #tpu.memory_space<hbm>> -> memref<1x79x128xi32, #tpu.memory_space<hbm>>
      %dma_start3A_21 = tpu.memref_squeeze %dma_start3A_20 : memref<1x79x128xi32, #tpu.memory_space<hbm>> -> memref<79x128xi32, #tpu.memory_space<hbm>>
      tpu.enqueue_dma source(%dma_start3A_21 : memref<79x128xi32, #tpu.memory_space<hbm>>) target(%arg8 : memref<79x128xi32, #tpu.memory_space<vmem>>) target_semaphore(%run_scoped3A : memref<!tpu.dma_semaphore, #tpu.memory_space<semaphore_mem>>)
      %dma_wait3A = arith.constant 0 : i32
      %dma_wait3A_22 = arith.constant 0 : i32
      %dma_wait3A_23 = tpu.memref_slice %arg4[%add3A, %dma_wait3A, %dma_wait3A_22] : memref<32x79x128xi32, #tpu.memory_space<hbm>> -> memref<1x79x128xi32, #tpu.memory_space<hbm>>
      %dma_wait3A_24 = tpu.memref_squeeze %dma_wait3A_23 : memref<1x79x128xi32, #tpu.memory_space<hbm>> -> memref<79x128xi32, #tpu.memory_space<hbm>>
      %dma_wait3A_25 = arith.constant 0 : i32
      %dma_wait3A_26 = arith.constant 0 : i32
      %dma_wait3A_27 = tpu.memref_slice %arg4[%add3A, %dma_wait3A_25, %dma_wait3A_26] : memref<32x79x128xi32, #tpu.memory_space<hbm>> -> memref<1x79x128xi32, #tpu.memory_space<hbm>>
      %dma_wait3A_28 = tpu.memref_squeeze %dma_wait3A_27 : memref<1x79x128xi32, #tpu.memory_space<hbm>> -> memref<79x128xi32, #tpu.memory_space<hbm>>
      tpu.wait_dma2 semaphore(%run_scoped3A : memref<!tpu.dma_semaphore, #tpu.memory_space<semaphore_mem>>) src(%dma_wait3A_28 : memref<79x128xi32, #tpu.memory_space<hbm>>) dst(%arg8 : memref<79x128xi32, #tpu.memory_space<vmem>>)
      tpu.yield
    }) : () -> ()
    %scan3A = arith.constant 0 : i32
    %scan3A_5 = arith.constant 0 : i32
    %scan3A_6 = arith.constant 79 : i32
    %scan3A_7 = arith.addi %scan3A_5, %scan3A_6 : i32
    %scan3A_8 = arith.constant 1 : i32
    scf.for %scan3A_15 = %scan3A_5 to %scan3A_7 step %scan3A_8  : i32 {
      %dma_start3A = arith.constant 0 : i32
      %dma_start3A_16 = tpu.memref_slice %arg7[%scan3A_15, %dma_start3A] : memref<79x128xi32, #tpu.memory_space<vmem>> -> memref<1x128xi32, #tpu.memory_space<vmem>>
      %dma_start3A_17 = tpu.memref_squeeze %dma_start3A_16 : memref<1x128xi32, #tpu.memory_space<vmem>> -> memref<128xi32, #tpu.memory_space<vmem>>
      %dma_start3A_18 = arith.constant 0 : i32
      %dma_start3A_19 = arith.constant 0 : i32
      %dma_start3A_20 = tpu.memref_slice %arg2[%dma_start3A_18, %dma_start3A_19] : memref<10240x128xf32, #tpu.memory_space<hbm>> -> memref<10240x128xf32, #tpu.memory_space<hbm>>
      tpu.enqueue_indirect_dma source(%dma_start3A_20 : memref<10240x128xf32, #tpu.memory_space<hbm>>) target(%arg9 : memref<128x128xf32, #tpu.memory_space<vmem>>) offsets(%dma_start3A_17 : memref<128xi32, #tpu.memory_space<vmem>>) semaphore(%arg11 : memref<!tpu.dma_semaphore, #tpu.memory_space<semaphore_mem>>)
      %dma_wait3A = arith.constant 0 : i32
      %dma_wait3A_21 = tpu.memref_slice %arg7[%scan3A_15, %dma_wait3A] : memref<79x128xi32, #tpu.memory_space<vmem>> -> memref<1x128xi32, #tpu.memory_space<vmem>>
      %dma_wait3A_22 = tpu.memref_squeeze %dma_wait3A_21 : memref<1x128xi32, #tpu.memory_space<vmem>> -> memref<128xi32, #tpu.memory_space<vmem>>
      %dma_wait3A_23 = arith.constant 0 : i32
      %dma_wait3A_24 = arith.constant 0 : i32
      %dma_wait3A_25 = tpu.memref_slice %arg2[%dma_wait3A_23, %dma_wait3A_24] : memref<10240x128xf32, #tpu.memory_space<hbm>> -> memref<10240x128xf32, #tpu.memory_space<hbm>>
      tpu.wait_indirect_dma semaphore(%arg11 : memref<!tpu.dma_semaphore, #tpu.memory_space<semaphore_mem>>) src(%dma_wait3A_25 : memref<10240x128xf32, #tpu.memory_space<hbm>>) dst(%arg9 : memref<128x128xf32, #tpu.memory_space<vmem>>)
      "tpu.region"() ({
        %run_scoped3A = tpu.sem_alloc : memref<!tpu.dma_semaphore, #tpu.memory_space<semaphore_mem>>
        %dma_start3A_26 = arith.constant 0 : i32
        %dma_start3A_27 = tpu.memref_slice %arg8[%scan3A_15, %dma_start3A_26] : memref<79x128xi32, #tpu.memory_space<vmem>> -> memref<1x128xi32, #tpu.memory_space<vmem>>
        %dma_start3A_28 = tpu.memref_squeeze %dma_start3A_27 : memref<1x128xi32, #tpu.memory_space<vmem>> -> memref<128xi32, #tpu.memory_space<vmem>>
        %dma_start3A_29 = arith.constant 0 : i32
        %dma_start3A_30 = arith.constant 0 : i32
        %dma_start3A_31 = tpu.memref_slice %arg10[%dma_start3A_29, %dma_start3A_30] : memref<10240x128xf32, #tpu.memory_space<vmem_shared>> -> memref<10240x128xf32, #tpu.memory_space<vmem_shared>>
        tpu.enqueue_indirect_dma source(%arg9 : memref<128x128xf32, #tpu.memory_space<vmem>>) target(%dma_start3A_31 : memref<10240x128xf32, #tpu.memory_space<vmem_shared>>) offsets(%dma_start3A_28 : memref<128xi32, #tpu.memory_space<vmem>>) semaphore(%run_scoped3A : memref<!tpu.dma_semaphore, #tpu.memory_space<semaphore_mem>>) {add = true}
        %dma_wait3A_32 = arith.constant 0 : i32
        %dma_wait3A_33 = tpu.memref_slice %arg8[%scan3A_15, %dma_wait3A_32] : memref<79x128xi32, #tpu.memory_space<vmem>> -> memref<1x128xi32, #tpu.memory_space<vmem>>
        %dma_wait3A_34 = tpu.memref_squeeze %dma_wait3A_33 : memref<1x128xi32, #tpu.memory_space<vmem>> -> memref<128xi32, #tpu.memory_space<vmem>>
        %dma_wait3A_35 = arith.constant 0 : i32
        %dma_wait3A_36 = arith.constant 0 : i32
        %dma_wait3A_37 = tpu.memref_slice %arg10[%dma_wait3A_35, %dma_wait3A_36] : memref<10240x128xf32, #tpu.memory_space<vmem_shared>> -> memref<10240x128xf32, #tpu.memory_space<vmem_shared>>
        tpu.wait_indirect_dma semaphore(%run_scoped3A : memref<!tpu.dma_semaphore, #tpu.memory_space<semaphore_mem>>) src(%arg9 : memref<128x128xf32, #tpu.memory_space<vmem>>) dst(%dma_wait3A_37 : memref<10240x128xf32, #tpu.memory_space<vmem_shared>>)
        tpu.yield
      }) : () -> ()
    }
    %scan3A_9 = arith.constant 79 : i32
    %barrier3A_10 = arith.constant 0 : index
    tpu.barrier barrier_id(%barrier3A_10)
    %mul3A_11 = arith.constant 640 : i32
    %mul3A_12 = arith.muli %arg1, %mul3A_11 : i32
    %mul3A_13 = arith.constant 640 : i32
    %mul3A_14 = arith.muli %arg1, %mul3A_13 : i32
    "tpu.region"() ({
      %run_scoped3A = tpu.sem_alloc : memref<!tpu.dma_semaphore, #tpu.memory_space<semaphore_mem>>
      %dma_start3A = arith.constant 0 : i32
      %dma_start3A_15 = tpu.memref_slice %arg6[%arg0, %mul3A_14, %dma_start3A] : memref<2x10240x128xf32, #tpu.memory_space<hbm>> -> memref<1x640x128xf32, #tpu.memory_space<hbm>>
      %dma_start3A_16 = tpu.memref_squeeze %dma_start3A_15 : memref<1x640x128xf32, #tpu.memory_space<hbm>> -> memref<640x128xf32, #tpu.memory_space<hbm>>
      %dma_start3A_17 = arith.constant 0 : i32
      %dma_start3A_18 = tpu.memref_slice %arg10[%mul3A_12, %dma_start3A_17] : memref<10240x128xf32, #tpu.memory_space<vmem_shared>> -> memref<640x128xf32, #tpu.memory_space<vmem_shared>>
      tpu.enqueue_dma source(%dma_start3A_18 : memref<640x128xf32, #tpu.memory_space<vmem_shared>>) target(%dma_start3A_16 : memref<640x128xf32, #tpu.memory_space<hbm>>) target_semaphore(%run_scoped3A : memref<!tpu.dma_semaphore, #tpu.memory_space<semaphore_mem>>)
      %dma_wait3A = arith.constant 0 : i32
      %dma_wait3A_19 = tpu.memref_slice %arg6[%arg0, %mul3A_14, %dma_wait3A] : memref<2x10240x128xf32, #tpu.memory_space<hbm>> -> memref<1x640x128xf32, #tpu.memory_space<hbm>>
      %dma_wait3A_20 = tpu.memref_squeeze %dma_wait3A_19 : memref<1x640x128xf32, #tpu.memory_space<hbm>> -> memref<640x128xf32, #tpu.memory_space<hbm>>
      %dma_wait3A_21 = arith.constant 0 : i32
      %dma_wait3A_22 = tpu.memref_slice %arg10[%mul3A_12, %dma_wait3A_21] : memref<10240x128xf32, #tpu.memory_space<vmem_shared>> -> memref<640x128xf32, #tpu.memory_space<vmem_shared>>
      tpu.wait_dma2 semaphore(%run_scoped3A : memref<!tpu.dma_semaphore, #tpu.memory_space<semaphore_mem>>) src(%dma_wait3A_22 : memref<640x128xf32, #tpu.memory_space<vmem_shared>>) dst(%dma_wait3A_20 : memref<640x128xf32, #tpu.memory_space<hbm>>)
      tpu.yield
    }) : () -> ()
    return
  }
}

#map = affine_map<(d0, d1) -> (0, 0)>
#map1 = affine_map<(d0, d1) -> (0, 0, 0)>
module attributes {stable_mosaic.version = 14 : i64} {
  func.func @_round_body(%arg0: i32, %arg1: i32, %arg2: memref<10240x128xf32, #tpu.memory_space<hbm>>, %arg3: memref<32x79x128xi32, #tpu.memory_space<hbm>>, %arg4: memref<32x79x128xi32, #tpu.memory_space<hbm>>, %arg5: memref<10240x128xf32, #tpu.memory_space<hbm>>, %arg6: memref<2x10240x128xf32, #tpu.memory_space<hbm>>, %arg7: memref<79x128xi32, #tpu.memory_space<vmem>>, %arg8: memref<79x128xi32, #tpu.memory_space<vmem>>, %arg9: memref<128x128xf32, #tpu.memory_space<vmem>>, %arg10: memref<10240x128xf32, #tpu.memory_space<vmem_shared>>, %arg11: memref<!tpu.dma_semaphore, #tpu.memory_space<semaphore_mem>>) attributes {dimension_semantics = [#tpu.dimension_semantics<core_parallel>, #tpu.dimension_semantics<subcore_parallel>], iteration_bounds = array<i64: 2, 16>, scalar_prefetch = 0 : i64, scratch_operands = 5 : i64, tpu.core_type = #tpu.core_type<sc_vector_subcore>, window_params = [{transform_indices = #map}, {transform_indices = #map1}, {transform_indices = #map1}, {transform_indices = #map}, {transform_indices = #map1}]} {
    %mul3A = arith.constant 16 : i32
    %mul3A_0 = arith.muli %arg0, %mul3A : i32
    %add3A = arith.addi %mul3A_0, %arg1 : i32
    %mul3A_1 = arith.constant 640 : i32
    %mul3A_2 = arith.muli %arg1, %mul3A_1 : i32
    %mul3A_3 = arith.constant 640 : i32
    %mul3A_4 = arith.muli %arg1, %mul3A_3 : i32
    "tpu.region"() ({
      %run_scoped3A = tpu.sem_alloc : memref<!tpu.dma_semaphore, #tpu.memory_space<semaphore_mem>>
      %dma_start3A = arith.constant 0 : i32
      %dma_start3A_15 = tpu.memref_slice %arg10[%mul3A_4, %dma_start3A] : memref<10240x128xf32, #tpu.memory_space<vmem_shared>> -> memref<640x128xf32, #tpu.memory_space<vmem_shared>>
      %dma_start3A_16 = arith.constant 0 : i32
      %dma_start3A_17 = tpu.memref_slice %arg5[%mul3A_2, %dma_start3A_16] : memref<10240x128xf32, #tpu.memory_space<hbm>> -> memref<640x128xf32, #tpu.memory_space<hbm>>
      tpu.enqueue_dma source(%dma_start3A_17 : memref<640x128xf32, #tpu.memory_space<hbm>>) target(%dma_start3A_15 : memref<640x128xf32, #tpu.memory_space<vmem_shared>>) target_semaphore(%run_scoped3A : memref<!tpu.dma_semaphore, #tpu.memory_space<semaphore_mem>>)
      %dma_wait3A = arith.constant 0 : i32
      %dma_wait3A_18 = tpu.memref_slice %arg10[%mul3A_4, %dma_wait3A] : memref<10240x128xf32, #tpu.memory_space<vmem_shared>> -> memref<640x128xf32, #tpu.memory_space<vmem_shared>>
      %dma_wait3A_19 = arith.constant 0 : i32
      %dma_wait3A_20 = tpu.memref_slice %arg5[%mul3A_2, %dma_wait3A_19] : memref<10240x128xf32, #tpu.memory_space<hbm>> -> memref<640x128xf32, #tpu.memory_space<hbm>>
      tpu.wait_dma2 semaphore(%run_scoped3A : memref<!tpu.dma_semaphore, #tpu.memory_space<semaphore_mem>>) src(%dma_wait3A_20 : memref<640x128xf32, #tpu.memory_space<hbm>>) dst(%dma_wait3A_18 : memref<640x128xf32, #tpu.memory_space<vmem_shared>>)
      tpu.yield
    }) : () -> ()
    %barrier3A = arith.constant 0 : index
    tpu.barrier barrier_id(%barrier3A)
    "tpu.region"() ({
      %run_scoped3A = tpu.sem_alloc : memref<!tpu.dma_semaphore, #tpu.memory_space<semaphore_mem>>
      %dma_start3A = arith.constant 0 : i32
      %dma_start3A_15 = arith.constant 0 : i32
      %dma_start3A_16 = tpu.memref_slice %arg3[%add3A, %dma_start3A, %dma_start3A_15] : memref<32x79x128xi32, #tpu.memory_space<hbm>> -> memref<1x79x128xi32, #tpu.memory_space<hbm>>
      %dma_start3A_17 = tpu.memref_squeeze %dma_start3A_16 : memref<1x79x128xi32, #tpu.memory_space<hbm>> -> memref<79x128xi32, #tpu.memory_space<hbm>>
      %dma_start3A_18 = arith.constant 0 : i32
      %dma_start3A_19 = arith.constant 0 : i32
      %dma_start3A_20 = tpu.memref_slice %arg3[%add3A, %dma_start3A_18, %dma_start3A_19] : memref<32x79x128xi32, #tpu.memory_space<hbm>> -> memref<1x79x128xi32, #tpu.memory_space<hbm>>
      %dma_start3A_21 = tpu.memref_squeeze %dma_start3A_20 : memref<1x79x128xi32, #tpu.memory_space<hbm>> -> memref<79x128xi32, #tpu.memory_space<hbm>>
      tpu.enqueue_dma source(%dma_start3A_21 : memref<79x128xi32, #tpu.memory_space<hbm>>) target(%arg7 : memref<79x128xi32, #tpu.memory_space<vmem>>) target_semaphore(%run_scoped3A : memref<!tpu.dma_semaphore, #tpu.memory_space<semaphore_mem>>)
      %dma_wait3A = arith.constant 0 : i32
      %dma_wait3A_22 = arith.constant 0 : i32
      %dma_wait3A_23 = tpu.memref_slice %arg3[%add3A, %dma_wait3A, %dma_wait3A_22] : memref<32x79x128xi32, #tpu.memory_space<hbm>> -> memref<1x79x128xi32, #tpu.memory_space<hbm>>
      %dma_wait3A_24 = tpu.memref_squeeze %dma_wait3A_23 : memref<1x79x128xi32, #tpu.memory_space<hbm>> -> memref<79x128xi32, #tpu.memory_space<hbm>>
      %dma_wait3A_25 = arith.constant 0 : i32
      %dma_wait3A_26 = arith.constant 0 : i32
      %dma_wait3A_27 = tpu.memref_slice %arg3[%add3A, %dma_wait3A_25, %dma_wait3A_26] : memref<32x79x128xi32, #tpu.memory_space<hbm>> -> memref<1x79x128xi32, #tpu.memory_space<hbm>>
      %dma_wait3A_28 = tpu.memref_squeeze %dma_wait3A_27 : memref<1x79x128xi32, #tpu.memory_space<hbm>> -> memref<79x128xi32, #tpu.memory_space<hbm>>
      tpu.wait_dma2 semaphore(%run_scoped3A : memref<!tpu.dma_semaphore, #tpu.memory_space<semaphore_mem>>) src(%dma_wait3A_28 : memref<79x128xi32, #tpu.memory_space<hbm>>) dst(%arg7 : memref<79x128xi32, #tpu.memory_space<vmem>>)
      tpu.yield
    }) : () -> ()
    "tpu.region"() ({
      %run_scoped3A = tpu.sem_alloc : memref<!tpu.dma_semaphore, #tpu.memory_space<semaphore_mem>>
      %dma_start3A = arith.constant 0 : i32
      %dma_start3A_15 = arith.constant 0 : i32
      %dma_start3A_16 = tpu.memref_slice %arg4[%add3A, %dma_start3A, %dma_start3A_15] : memref<32x79x128xi32, #tpu.memory_space<hbm>> -> memref<1x79x128xi32, #tpu.memory_space<hbm>>
      %dma_start3A_17 = tpu.memref_squeeze %dma_start3A_16 : memref<1x79x128xi32, #tpu.memory_space<hbm>> -> memref<79x128xi32, #tpu.memory_space<hbm>>
      %dma_start3A_18 = arith.constant 0 : i32
      %dma_start3A_19 = arith.constant 0 : i32
      %dma_start3A_20 = tpu.memref_slice %arg4[%add3A, %dma_start3A_18, %dma_start3A_19] : memref<32x79x128xi32, #tpu.memory_space<hbm>> -> memref<1x79x128xi32, #tpu.memory_space<hbm>>
      %dma_start3A_21 = tpu.memref_squeeze %dma_start3A_20 : memref<1x79x128xi32, #tpu.memory_space<hbm>> -> memref<79x128xi32, #tpu.memory_space<hbm>>
      tpu.enqueue_dma source(%dma_start3A_21 : memref<79x128xi32, #tpu.memory_space<hbm>>) target(%arg8 : memref<79x128xi32, #tpu.memory_space<vmem>>) target_semaphore(%run_scoped3A : memref<!tpu.dma_semaphore, #tpu.memory_space<semaphore_mem>>)
      %dma_wait3A = arith.constant 0 : i32
      %dma_wait3A_22 = arith.constant 0 : i32
      %dma_wait3A_23 = tpu.memref_slice %arg4[%add3A, %dma_wait3A, %dma_wait3A_22] : memref<32x79x128xi32, #tpu.memory_space<hbm>> -> memref<1x79x128xi32, #tpu.memory_space<hbm>>
      %dma_wait3A_24 = tpu.memref_squeeze %dma_wait3A_23 : memref<1x79x128xi32, #tpu.memory_space<hbm>> -> memref<79x128xi32, #tpu.memory_space<hbm>>
      %dma_wait3A_25 = arith.constant 0 : i32
      %dma_wait3A_26 = arith.constant 0 : i32
      %dma_wait3A_27 = tpu.memref_slice %arg4[%add3A, %dma_wait3A_25, %dma_wait3A_26] : memref<32x79x128xi32, #tpu.memory_space<hbm>> -> memref<1x79x128xi32, #tpu.memory_space<hbm>>
      %dma_wait3A_28 = tpu.memref_squeeze %dma_wait3A_27 : memref<1x79x128xi32, #tpu.memory_space<hbm>> -> memref<79x128xi32, #tpu.memory_space<hbm>>
      tpu.wait_dma2 semaphore(%run_scoped3A : memref<!tpu.dma_semaphore, #tpu.memory_space<semaphore_mem>>) src(%dma_wait3A_28 : memref<79x128xi32, #tpu.memory_space<hbm>>) dst(%arg8 : memref<79x128xi32, #tpu.memory_space<vmem>>)
      tpu.yield
    }) : () -> ()
    %scan3A = arith.constant 0 : i32
    %scan3A_5 = arith.constant 0 : i32
    %scan3A_6 = arith.constant 79 : i32
    %scan3A_7 = arith.addi %scan3A_5, %scan3A_6 : i32
    %scan3A_8 = arith.constant 1 : i32
    scf.for %scan3A_15 = %scan3A_5 to %scan3A_7 step %scan3A_8  : i32 {
      %dma_start3A = arith.constant 0 : i32
      %dma_start3A_16 = tpu.memref_slice %arg7[%scan3A_15, %dma_start3A] : memref<79x128xi32, #tpu.memory_space<vmem>> -> memref<1x128xi32, #tpu.memory_space<vmem>>
      %dma_start3A_17 = tpu.memref_squeeze %dma_start3A_16 : memref<1x128xi32, #tpu.memory_space<vmem>> -> memref<128xi32, #tpu.memory_space<vmem>>
      %dma_start3A_18 = arith.constant 0 : i32
      %dma_start3A_19 = arith.constant 0 : i32
      %dma_start3A_20 = tpu.memref_slice %arg2[%dma_start3A_18, %dma_start3A_19] : memref<10240x128xf32, #tpu.memory_space<hbm>> -> memref<10240x128xf32, #tpu.memory_space<hbm>>
      tpu.enqueue_indirect_dma source(%dma_start3A_20 : memref<10240x128xf32, #tpu.memory_space<hbm>>) target(%arg9 : memref<128x128xf32, #tpu.memory_space<vmem>>) offsets(%dma_start3A_17 : memref<128xi32, #tpu.memory_space<vmem>>) semaphore(%arg11 : memref<!tpu.dma_semaphore, #tpu.memory_space<semaphore_mem>>)
      %dma_wait3A = arith.constant 0 : i32
      %dma_wait3A_21 = tpu.memref_slice %arg7[%scan3A_15, %dma_wait3A] : memref<79x128xi32, #tpu.memory_space<vmem>> -> memref<1x128xi32, #tpu.memory_space<vmem>>
      %dma_wait3A_22 = tpu.memref_squeeze %dma_wait3A_21 : memref<1x128xi32, #tpu.memory_space<vmem>> -> memref<128xi32, #tpu.memory_space<vmem>>
      %dma_wait3A_23 = arith.constant 0 : i32
      %dma_wait3A_24 = arith.constant 0 : i32
      %dma_wait3A_25 = tpu.memref_slice %arg2[%dma_wait3A_23, %dma_wait3A_24] : memref<10240x128xf32, #tpu.memory_space<hbm>> -> memref<10240x128xf32, #tpu.memory_space<hbm>>
      tpu.wait_indirect_dma semaphore(%arg11 : memref<!tpu.dma_semaphore, #tpu.memory_space<semaphore_mem>>) src(%dma_wait3A_25 : memref<10240x128xf32, #tpu.memory_space<hbm>>) dst(%arg9 : memref<128x128xf32, #tpu.memory_space<vmem>>)
      "tpu.region"() ({
        %run_scoped3A = tpu.sem_alloc : memref<!tpu.dma_semaphore, #tpu.memory_space<semaphore_mem>>
        %dma_start3A_26 = arith.constant 0 : i32
        %dma_start3A_27 = tpu.memref_slice %arg8[%scan3A_15, %dma_start3A_26] : memref<79x128xi32, #tpu.memory_space<vmem>> -> memref<1x128xi32, #tpu.memory_space<vmem>>
        %dma_start3A_28 = tpu.memref_squeeze %dma_start3A_27 : memref<1x128xi32, #tpu.memory_space<vmem>> -> memref<128xi32, #tpu.memory_space<vmem>>
        %dma_start3A_29 = arith.constant 0 : i32
        %dma_start3A_30 = arith.constant 0 : i32
        %dma_start3A_31 = tpu.memref_slice %arg10[%dma_start3A_29, %dma_start3A_30] : memref<10240x128xf32, #tpu.memory_space<vmem_shared>> -> memref<10240x128xf32, #tpu.memory_space<vmem_shared>>
        tpu.enqueue_indirect_dma source(%arg9 : memref<128x128xf32, #tpu.memory_space<vmem>>) target(%dma_start3A_31 : memref<10240x128xf32, #tpu.memory_space<vmem_shared>>) offsets(%dma_start3A_28 : memref<128xi32, #tpu.memory_space<vmem>>) semaphore(%run_scoped3A : memref<!tpu.dma_semaphore, #tpu.memory_space<semaphore_mem>>) {add = true}
        %dma_wait3A_32 = arith.constant 0 : i32
        %dma_wait3A_33 = tpu.memref_slice %arg8[%scan3A_15, %dma_wait3A_32] : memref<79x128xi32, #tpu.memory_space<vmem>> -> memref<1x128xi32, #tpu.memory_space<vmem>>
        %dma_wait3A_34 = tpu.memref_squeeze %dma_wait3A_33 : memref<1x128xi32, #tpu.memory_space<vmem>> -> memref<128xi32, #tpu.memory_space<vmem>>
        %dma_wait3A_35 = arith.constant 0 : i32
        %dma_wait3A_36 = arith.constant 0 : i32
        %dma_wait3A_37 = tpu.memref_slice %arg10[%dma_wait3A_35, %dma_wait3A_36] : memref<10240x128xf32, #tpu.memory_space<vmem_shared>> -> memref<10240x128xf32, #tpu.memory_space<vmem_shared>>
        tpu.wait_indirect_dma semaphore(%run_scoped3A : memref<!tpu.dma_semaphore, #tpu.memory_space<semaphore_mem>>) src(%arg9 : memref<128x128xf32, #tpu.memory_space<vmem>>) dst(%dma_wait3A_37 : memref<10240x128xf32, #tpu.memory_space<vmem_shared>>)
        tpu.yield
      }) : () -> ()
    }
    %scan3A_9 = arith.constant 79 : i32
    %barrier3A_10 = arith.constant 0 : index
    tpu.barrier barrier_id(%barrier3A_10)
    %mul3A_11 = arith.constant 640 : i32
    %mul3A_12 = arith.muli %arg1, %mul3A_11 : i32
    %mul3A_13 = arith.constant 640 : i32
    %mul3A_14 = arith.muli %arg1, %mul3A_13 : i32
    "tpu.region"() ({
      %run_scoped3A = tpu.sem_alloc : memref<!tpu.dma_semaphore, #tpu.memory_space<semaphore_mem>>
      %dma_start3A = arith.constant 0 : i32
      %dma_start3A_15 = tpu.memref_slice %arg6[%arg0, %mul3A_14, %dma_start3A] : memref<2x10240x128xf32, #tpu.memory_space<hbm>> -> memref<1x640x128xf32, #tpu.memory_space<hbm>>
      %dma_start3A_16 = tpu.memref_squeeze %dma_start3A_15 : memref<1x640x128xf32, #tpu.memory_space<hbm>> -> memref<640x128xf32, #tpu.memory_space<hbm>>
      %dma_start3A_17 = arith.constant 0 : i32
      %dma_start3A_18 = tpu.memref_slice %arg10[%mul3A_12, %dma_start3A_17] : memref<10240x128xf32, #tpu.memory_space<vmem_shared>> -> memref<640x128xf32, #tpu.memory_space<vmem_shared>>
      tpu.enqueue_dma source(%dma_start3A_18 : memref<640x128xf32, #tpu.memory_space<vmem_shared>>) target(%dma_start3A_16 : memref<640x128xf32, #tpu.memory_space<hbm>>) target_semaphore(%run_scoped3A : memref<!tpu.dma_semaphore, #tpu.memory_space<semaphore_mem>>)
      %dma_wait3A = arith.constant 0 : i32
      %dma_wait3A_19 = tpu.memref_slice %arg6[%arg0, %mul3A_14, %dma_wait3A] : memref<2x10240x128xf32, #tpu.memory_space<hbm>> -> memref<1x640x128xf32, #tpu.memory_space<hbm>>
      %dma_wait3A_20 = tpu.memref_squeeze %dma_wait3A_19 : memref<1x640x128xf32, #tpu.memory_space<hbm>> -> memref<640x128xf32, #tpu.memory_space<hbm>>
      %dma_wait3A_21 = arith.constant 0 : i32
      %dma_wait3A_22 = tpu.memref_slice %arg10[%mul3A_12, %dma_wait3A_21] : memref<10240x128xf32, #tpu.memory_space<vmem_shared>> -> memref<640x128xf32, #tpu.memory_space<vmem_shared>>
      tpu.wait_dma2 semaphore(%run_scoped3A : memref<!tpu.dma_semaphore, #tpu.memory_space<semaphore_mem>>) src(%dma_wait3A_22 : memref<640x128xf32, #tpu.memory_space<vmem_shared>>) dst(%dma_wait3A_20 : memref<640x128xf32, #tpu.memory_space<hbm>>)
      tpu.yield
    }) : () -> ()
    return
  }
}

#map = affine_map<(d0, d1) -> (0, 0, 0)>
#map1 = affine_map<(d0, d1) -> (0)>
#map2 = affine_map<(d0, d1) -> (0, 0)>
module attributes {stable_mosaic.version = 14 : i64} {
  func.func @_deg_body(%arg0: i32, %arg1: i32, %arg2: memref<32x79x128xi32, #tpu.memory_space<hbm>>, %arg3: memref<32x79x128xi32, #tpu.memory_space<hbm>>, %arg4: memref<10240xf32, #tpu.memory_space<hbm>>, %arg5: memref<2x10240xf32, #tpu.memory_space<hbm>>, %arg6: memref<128xf32, #tpu.memory_space<vmem>>, %arg7: memref<79x128xi32, #tpu.memory_space<vmem>>, %arg8: memref<79x128xi32, #tpu.memory_space<vmem>>, %arg9: memref<10240xf32, #tpu.memory_space<vmem_shared>>) attributes {dimension_semantics = [#tpu.dimension_semantics<core_parallel>, #tpu.dimension_semantics<subcore_parallel>], iteration_bounds = array<i64: 2, 16>, scalar_prefetch = 0 : i64, scratch_operands = 4 : i64, tpu.core_type = #tpu.core_type<sc_vector_subcore>, window_params = [{transform_indices = #map}, {transform_indices = #map}, {transform_indices = #map1}, {transform_indices = #map2}]} {
    %mul3A = arith.constant 16 : i32
    %mul3A_0 = arith.muli %arg0, %mul3A : i32
    %add3A = arith.addi %mul3A_0, %arg1 : i32
    %broadcast_in_dim3A = arith.constant 1.000000e+00 : f32
    %broadcast_in_dim3A_1 = vector.broadcast %broadcast_in_dim3A : f32 to vector<16xf32>
    %swap3A = arith.constant 0 : index
    %swap3A_2 = tpu.vector_load %arg6[%swap3A] {strides = array<i32>} : memref<128xf32, #tpu.memory_space<vmem>>, vector<16xf32>,
    %swap3A_3 = vector.shape_cast %swap3A_2 : vector<16xf32> to vector<16xf32>
    %swap3A_4 = vector.shape_cast %broadcast_in_dim3A_1 : vector<16xf32> to vector<16xf32>
    tpu.vector_store %arg6[%swap3A], %swap3A_4 {strides = array<i32>} : memref<128xf32, #tpu.memory_space<vmem>>, vector<16xf32>,
    %broadcast_in_dim3A_5 = arith.constant 1.000000e+00 : f32
    %broadcast_in_dim3A_6 = vector.broadcast %broadcast_in_dim3A_5 : f32 to vector<16xf32>
    %swap3A_7 = arith.constant 16 : index
    %swap3A_8 = tpu.vector_load %arg6[%swap3A_7] {strides = array<i32>} : memref<128xf32, #tpu.memory_space<vmem>>, vector<16xf32>,
    %swap3A_9 = vector.shape_cast %swap3A_8 : vector<16xf32> to vector<16xf32>
    %swap3A_10 = vector.shape_cast %broadcast_in_dim3A_6 : vector<16xf32> to vector<16xf32>
    tpu.vector_store %arg6[%swap3A_7], %swap3A_10 {strides = array<i32>} : memref<128xf32, #tpu.memory_space<vmem>>, vector<16xf32>,
    %broadcast_in_dim3A_11 = arith.constant 1.000000e+00 : f32
    %broadcast_in_dim3A_12 = vector.broadcast %broadcast_in_dim3A_11 : f32 to vector<16xf32>
    %swap3A_13 = arith.constant 32 : index
    %swap3A_14 = tpu.vector_load %arg6[%swap3A_13] {strides = array<i32>} : memref<128xf32, #tpu.memory_space<vmem>>, vector<16xf32>,
    %swap3A_15 = vector.shape_cast %swap3A_14 : vector<16xf32> to vector<16xf32>
    %swap3A_16 = vector.shape_cast %broadcast_in_dim3A_12 : vector<16xf32> to vector<16xf32>
    tpu.vector_store %arg6[%swap3A_13], %swap3A_16 {strides = array<i32>} : memref<128xf32, #tpu.memory_space<vmem>>, vector<16xf32>,
    %broadcast_in_dim3A_17 = arith.constant 1.000000e+00 : f32
    %broadcast_in_dim3A_18 = vector.broadcast %broadcast_in_dim3A_17 : f32 to vector<16xf32>
    %swap3A_19 = arith.constant 48 : index
    %swap3A_20 = tpu.vector_load %arg6[%swap3A_19] {strides = array<i32>} : memref<128xf32, #tpu.memory_space<vmem>>, vector<16xf32>,
    %swap3A_21 = vector.shape_cast %swap3A_20 : vector<16xf32> to vector<16xf32>
    %swap3A_22 = vector.shape_cast %broadcast_in_dim3A_18 : vector<16xf32> to vector<16xf32>
    tpu.vector_store %arg6[%swap3A_19], %swap3A_22 {strides = array<i32>} : memref<128xf32, #tpu.memory_space<vmem>>, vector<16xf32>,
    %broadcast_in_dim3A_23 = arith.constant 1.000000e+00 : f32
    %broadcast_in_dim3A_24 = vector.broadcast %broadcast_in_dim3A_23 : f32 to vector<16xf32>
    %swap3A_25 = arith.constant 64 : index
    %swap3A_26 = tpu.vector_load %arg6[%swap3A_25] {strides = array<i32>} : memref<128xf32, #tpu.memory_space<vmem>>, vector<16xf32>,
    %swap3A_27 = vector.shape_cast %swap3A_26 : vector<16xf32> to vector<16xf32>
    %swap3A_28 = vector.shape_cast %broadcast_in_dim3A_24 : vector<16xf32> to vector<16xf32>
    tpu.vector_store %arg6[%swap3A_25], %swap3A_28 {strides = array<i32>} : memref<128xf32, #tpu.memory_space<vmem>>, vector<16xf32>,
    %broadcast_in_dim3A_29 = arith.constant 1.000000e+00 : f32
    %broadcast_in_dim3A_30 = vector.broadcast %broadcast_in_dim3A_29 : f32 to vector<16xf32>
    %swap3A_31 = arith.constant 80 : index
    %swap3A_32 = tpu.vector_load %arg6[%swap3A_31] {strides = array<i32>} : memref<128xf32, #tpu.memory_space<vmem>>, vector<16xf32>,
    %swap3A_33 = vector.shape_cast %swap3A_32 : vector<16xf32> to vector<16xf32>
    %swap3A_34 = vector.shape_cast %broadcast_in_dim3A_30 : vector<16xf32> to vector<16xf32>
    tpu.vector_store %arg6[%swap3A_31], %swap3A_34 {strides = array<i32>} : memref<128xf32, #tpu.memory_space<vmem>>, vector<16xf32>,
    %broadcast_in_dim3A_35 = arith.constant 1.000000e+00 : f32
    %broadcast_in_dim3A_36 = vector.broadcast %broadcast_in_dim3A_35 : f32 to vector<16xf32>
    %swap3A_37 = arith.constant 96 : index
    %swap3A_38 = tpu.vector_load %arg6[%swap3A_37] {strides = array<i32>} : memref<128xf32, #tpu.memory_space<vmem>>, vector<16xf32>,
    %swap3A_39 = vector.shape_cast %swap3A_38 : vector<16xf32> to vector<16xf32>
    %swap3A_40 = vector.shape_cast %broadcast_in_dim3A_36 : vector<16xf32> to vector<16xf32>
    tpu.vector_store %arg6[%swap3A_37], %swap3A_40 {strides = array<i32>} : memref<128xf32, #tpu.memory_space<vmem>>, vector<16xf32>,
    %broadcast_in_dim3A_41 = arith.constant 1.000000e+00 : f32
    %broadcast_in_dim3A_42 = vector.broadcast %broadcast_in_dim3A_41 : f32 to vector<16xf32>
    %swap3A_43 = arith.constant 112 : index
    %swap3A_44 = tpu.vector_load %arg6[%swap3A_43] {strides = array<i32>} : memref<128xf32, #tpu.memory_space<vmem>>, vector<16xf32>,
    %swap3A_45 = vector.shape_cast %swap3A_44 : vector<16xf32> to vector<16xf32>
    %swap3A_46 = vector.shape_cast %broadcast_in_dim3A_42 : vector<16xf32> to vector<16xf32>
    tpu.vector_store %arg6[%swap3A_43], %swap3A_46 {strides = array<i32>} : memref<128xf32, #tpu.memory_space<vmem>>, vector<16xf32>,
    %mul3A_47 = arith.constant 640 : i32
    %mul3A_48 = arith.muli %arg1, %mul3A_47 : i32
    %mul3A_49 = arith.constant 640 : i32
    %mul3A_50 = arith.muli %arg1, %mul3A_49 : i32
    "tpu.region"() ({
      %run_scoped3A = tpu.sem_alloc : memref<!tpu.dma_semaphore, #tpu.memory_space<semaphore_mem>>
      %dma_start3A = tpu.memref_slice %arg9[%mul3A_50] : memref<10240xf32, #tpu.memory_space<vmem_shared>> -> memref<640xf32, #tpu.memory_space<vmem_shared>>
      %dma_start3A_61 = tpu.memref_slice %arg4[%mul3A_48] : memref<10240xf32, #tpu.memory_space<hbm>> -> memref<640xf32, #tpu.memory_space<hbm>>
      tpu.enqueue_dma source(%dma_start3A_61 : memref<640xf32, #tpu.memory_space<hbm>>) target(%dma_start3A : memref<640xf32, #tpu.memory_space<vmem_shared>>) target_semaphore(%run_scoped3A : memref<!tpu.dma_semaphore, #tpu.memory_space<semaphore_mem>>)
      %dma_wait3A = tpu.memref_slice %arg9[%mul3A_50] : memref<10240xf32, #tpu.memory_space<vmem_shared>> -> memref<640xf32, #tpu.memory_space<vmem_shared>>
      %dma_wait3A_62 = tpu.memref_slice %arg4[%mul3A_48] : memref<10240xf32, #tpu.memory_space<hbm>> -> memref<640xf32, #tpu.memory_space<hbm>>
      tpu.wait_dma2 semaphore(%run_scoped3A : memref<!tpu.dma_semaphore, #tpu.memory_space<semaphore_mem>>) src(%dma_wait3A_62 : memref<640xf32, #tpu.memory_space<hbm>>) dst(%dma_wait3A : memref<640xf32, #tpu.memory_space<vmem_shared>>)
      tpu.yield
    }) : () -> ()
    %barrier3A = arith.constant 0 : index
    tpu.barrier barrier_id(%barrier3A)
    "tpu.region"() ({
      %run_scoped3A = tpu.sem_alloc : memref<!tpu.dma_semaphore, #tpu.memory_space<semaphore_mem>>
      %dma_start3A = arith.constant 0 : i32
      %dma_start3A_61 = arith.constant 0 : i32
      %dma_start3A_62 = tpu.memref_slice %arg2[%add3A, %dma_start3A, %dma_start3A_61] : memref<32x79x128xi32, #tpu.memory_space<hbm>> -> memref<1x79x128xi32, #tpu.memory_space<hbm>>
      %dma_start3A_63 = tpu.memref_squeeze %dma_start3A_62 : memref<1x79x128xi32, #tpu.memory_space<hbm>> -> memref<79x128xi32, #tpu.memory_space<hbm>>
      %dma_start3A_64 = arith.constant 0 : i32
      %dma_start3A_65 = arith.constant 0 : i32
      %dma_start3A_66 = tpu.memref_slice %arg2[%add3A, %dma_start3A_64, %dma_start3A_65] : memref<32x79x128xi32, #tpu.memory_space<hbm>> -> memref<1x79x128xi32, #tpu.memory_space<hbm>>
      %dma_start3A_67 = tpu.memref_squeeze %dma_start3A_66 : memref<1x79x128xi32, #tpu.memory_space<hbm>> -> memref<79x128xi32, #tpu.memory_space<hbm>>
      tpu.enqueue_dma source(%dma_start3A_67 : memref<79x128xi32, #tpu.memory_space<hbm>>) target(%arg7 : memref<79x128xi32, #tpu.memory_space<vmem>>) target_semaphore(%run_scoped3A : memref<!tpu.dma_semaphore, #tpu.memory_space<semaphore_mem>>)
      %dma_wait3A = arith.constant 0 : i32
      %dma_wait3A_68 = arith.constant 0 : i32
      %dma_wait3A_69 = tpu.memref_slice %arg2[%add3A, %dma_wait3A, %dma_wait3A_68] : memref<32x79x128xi32, #tpu.memory_space<hbm>> -> memref<1x79x128xi32, #tpu.memory_space<hbm>>
      %dma_wait3A_70 = tpu.memref_squeeze %dma_wait3A_69 : memref<1x79x128xi32, #tpu.memory_space<hbm>> -> memref<79x128xi32, #tpu.memory_space<hbm>>
      %dma_wait3A_71 = arith.constant 0 : i32
      %dma_wait3A_72 = arith.constant 0 : i32
      %dma_wait3A_73 = tpu.memref_slice %arg2[%add3A, %dma_wait3A_71, %dma_wait3A_72] : memref<32x79x128xi32, #tpu.memory_space<hbm>> -> memref<1x79x128xi32, #tpu.memory_space<hbm>>
      %dma_wait3A_74 = tpu.memref_squeeze %dma_wait3A_73 : memref<1x79x128xi32, #tpu.memory_space<hbm>> -> memref<79x128xi32, #tpu.memory_space<hbm>>
      tpu.wait_dma2 semaphore(%run_scoped3A : memref<!tpu.dma_semaphore, #tpu.memory_space<semaphore_mem>>) src(%dma_wait3A_74 : memref<79x128xi32, #tpu.memory_space<hbm>>) dst(%arg7 : memref<79x128xi32, #tpu.memory_space<vmem>>)
      tpu.yield
    }) : () -> ()
    "tpu.region"() ({
      %run_scoped3A = tpu.sem_alloc : memref<!tpu.dma_semaphore, #tpu.memory_space<semaphore_mem>>
      %dma_start3A = arith.constant 0 : i32
      %dma_start3A_61 = arith.constant 0 : i32
      %dma_start3A_62 = tpu.memref_slice %arg3[%add3A, %dma_start3A, %dma_start3A_61] : memref<32x79x128xi32, #tpu.memory_space<hbm>> -> memref<1x79x128xi32, #tpu.memory_space<hbm>>
      %dma_start3A_63 = tpu.memref_squeeze %dma_start3A_62 : memref<1x79x128xi32, #tpu.memory_space<hbm>> -> memref<79x128xi32, #tpu.memory_space<hbm>>
      %dma_start3A_64 = arith.constant 0 : i32
      %dma_start3A_65 = arith.constant 0 : i32
      %dma_start3A_66 = tpu.memref_slice %arg3[%add3A, %dma_start3A_64, %dma_start3A_65] : memref<32x79x128xi32, #tpu.memory_space<hbm>> -> memref<1x79x128xi32, #tpu.memory_space<hbm>>
      %dma_start3A_67 = tpu.memref_squeeze %dma_start3A_66 : memref<1x79x128xi32, #tpu.memory_space<hbm>> -> memref<79x128xi32, #tpu.memory_space<hbm>>
      tpu.enqueue_dma source(%dma_start3A_67 : memref<79x128xi32, #tpu.memory_space<hbm>>) target(%arg8 : memref<79x128xi32, #tpu.memory_space<vmem>>) target_semaphore(%run_scoped3A : memref<!tpu.dma_semaphore, #tpu.memory_space<semaphore_mem>>)
      %dma_wait3A = arith.constant 0 : i32
      %dma_wait3A_68 = arith.constant 0 : i32
      %dma_wait3A_69 = tpu.memref_slice %arg3[%add3A, %dma_wait3A, %dma_wait3A_68] : memref<32x79x128xi32, #tpu.memory_space<hbm>> -> memref<1x79x128xi32, #tpu.memory_space<hbm>>
      %dma_wait3A_70 = tpu.memref_squeeze %dma_wait3A_69 : memref<1x79x128xi32, #tpu.memory_space<hbm>> -> memref<79x128xi32, #tpu.memory_space<hbm>>
      %dma_wait3A_71 = arith.constant 0 : i32
      %dma_wait3A_72 = arith.constant 0 : i32
      %dma_wait3A_73 = tpu.memref_slice %arg3[%add3A, %dma_wait3A_71, %dma_wait3A_72] : memref<32x79x128xi32, #tpu.memory_space<hbm>> -> memref<1x79x128xi32, #tpu.memory_space<hbm>>
      %dma_wait3A_74 = tpu.memref_squeeze %dma_wait3A_73 : memref<1x79x128xi32, #tpu.memory_space<hbm>> -> memref<79x128xi32, #tpu.memory_space<hbm>>
      tpu.wait_dma2 semaphore(%run_scoped3A : memref<!tpu.dma_semaphore, #tpu.memory_space<semaphore_mem>>) src(%dma_wait3A_74 : memref<79x128xi32, #tpu.memory_space<hbm>>) dst(%arg8 : memref<79x128xi32, #tpu.memory_space<vmem>>)
      tpu.yield
    }) : () -> ()
    %scan3A = arith.constant 0 : i32
    %scan3A_51 = arith.constant 0 : i32
    %scan3A_52 = arith.constant 79 : i32
    %scan3A_53 = arith.addi %scan3A_51, %scan3A_52 : i32
    %scan3A_54 = arith.constant 1 : i32
    scf.for %scan3A_61 = %scan3A_51 to %scan3A_53 step %scan3A_54  : i32 {
      "tpu.region"() ({
        %run_scoped3A = tpu.sem_alloc : memref<!tpu.dma_semaphore, #tpu.memory_space<semaphore_mem>>
        %dma_start3A = arith.constant 0 : i32
        %dma_start3A_62 = tpu.memref_slice %arg7[%scan3A_61, %dma_start3A] : memref<79x128xi32, #tpu.memory_space<vmem>> -> memref<1x128xi32, #tpu.memory_space<vmem>>
        %dma_start3A_63 = tpu.memref_squeeze %dma_start3A_62 : memref<1x128xi32, #tpu.memory_space<vmem>> -> memref<128xi32, #tpu.memory_space<vmem>>
        %dma_start3A_64 = arith.constant 0 : i32
        %dma_start3A_65 = tpu.memref_slice %arg9[%dma_start3A_64] : memref<10240xf32, #tpu.memory_space<vmem_shared>> -> memref<10240xf32, #tpu.memory_space<vmem_shared>>
        tpu.enqueue_indirect_dma source(%arg6 : memref<128xf32, #tpu.memory_space<vmem>>) target(%dma_start3A_65 : memref<10240xf32, #tpu.memory_space<vmem_shared>>) offsets(%dma_start3A_63 : memref<128xi32, #tpu.memory_space<vmem>>) semaphore(%run_scoped3A : memref<!tpu.dma_semaphore, #tpu.memory_space<semaphore_mem>>) {add = true}
        %dma_wait3A = arith.constant 0 : i32
        %dma_wait3A_66 = tpu.memref_slice %arg7[%scan3A_61, %dma_wait3A] : memref<79x128xi32, #tpu.memory_space<vmem>> -> memref<1x128xi32, #tpu.memory_space<vmem>>
        %dma_wait3A_67 = tpu.memref_squeeze %dma_wait3A_66 : memref<1x128xi32, #tpu.memory_space<vmem>> -> memref<128xi32, #tpu.memory_space<vmem>>
        %dma_wait3A_68 = arith.constant 0 : i32
        %dma_wait3A_69 = tpu.memref_slice %arg9[%dma_wait3A_68] : memref<10240xf32, #tpu.memory_space<vmem_shared>> -> memref<10240xf32, #tpu.memory_space<vmem_shared>>
        tpu.wait_indirect_dma semaphore(%run_scoped3A : memref<!tpu.dma_semaphore, #tpu.memory_space<semaphore_mem>>) src(%arg6 : memref<128xf32, #tpu.memory_space<vmem>>) dst(%dma_wait3A_69 : memref<10240xf32, #tpu.memory_space<vmem_shared>>)
        tpu.yield
      }) : () -> ()
      "tpu.region"() ({
        %run_scoped3A = tpu.sem_alloc : memref<!tpu.dma_semaphore, #tpu.memory_space<semaphore_mem>>
        %dma_start3A = arith.constant 0 : i32
        %dma_start3A_62 = tpu.memref_slice %arg8[%scan3A_61, %dma_start3A] : memref<79x128xi32, #tpu.memory_space<vmem>> -> memref<1x128xi32, #tpu.memory_space<vmem>>
        %dma_start3A_63 = tpu.memref_squeeze %dma_start3A_62 : memref<1x128xi32, #tpu.memory_space<vmem>> -> memref<128xi32, #tpu.memory_space<vmem>>
        %dma_start3A_64 = arith.constant 0 : i32
        %dma_start3A_65 = tpu.memref_slice %arg9[%dma_start3A_64] : memref<10240xf32, #tpu.memory_space<vmem_shared>> -> memref<10240xf32, #tpu.memory_space<vmem_shared>>
        tpu.enqueue_indirect_dma source(%arg6 : memref<128xf32, #tpu.memory_space<vmem>>) target(%dma_start3A_65 : memref<10240xf32, #tpu.memory_space<vmem_shared>>) offsets(%dma_start3A_63 : memref<128xi32, #tpu.memory_space<vmem>>) semaphore(%run_scoped3A : memref<!tpu.dma_semaphore, #tpu.memory_space<semaphore_mem>>) {add = true}
        %dma_wait3A = arith.constant 0 : i32
        %dma_wait3A_66 = tpu.memref_slice %arg8[%scan3A_61, %dma_wait3A] : memref<79x128xi32, #tpu.memory_space<vmem>> -> memref<1x128xi32, #tpu.memory_space<vmem>>
        %dma_wait3A_67 = tpu.memref_squeeze %dma_wait3A_66 : memref<1x128xi32, #tpu.memory_space<vmem>> -> memref<128xi32, #tpu.memory_space<vmem>>
        %dma_wait3A_68 = arith.constant 0 : i32
        %dma_wait3A_69 = tpu.memref_slice %arg9[%dma_wait3A_68] : memref<10240xf32, #tpu.memory_space<vmem_shared>> -> memref<10240xf32, #tpu.memory_space<vmem_shared>>
        tpu.wait_indirect_dma semaphore(%run_scoped3A : memref<!tpu.dma_semaphore, #tpu.memory_space<semaphore_mem>>) src(%arg6 : memref<128xf32, #tpu.memory_space<vmem>>) dst(%dma_wait3A_69 : memref<10240xf32, #tpu.memory_space<vmem_shared>>)
        tpu.yield
      }) : () -> ()
    }
    %scan3A_55 = arith.constant 79 : i32
    %barrier3A_56 = arith.constant 0 : index
    tpu.barrier barrier_id(%barrier3A_56)
    %mul3A_57 = arith.constant 640 : i32
    %mul3A_58 = arith.muli %arg1, %mul3A_57 : i32
    %mul3A_59 = arith.constant 640 : i32
    %mul3A_60 = arith.muli %arg1, %mul3A_59 : i32
    "tpu.region"() ({
      %run_scoped3A = tpu.sem_alloc : memref<!tpu.dma_semaphore, #tpu.memory_space<semaphore_mem>>
      %dma_start3A = tpu.memref_slice %arg5[%arg0, %mul3A_60] : memref<2x10240xf32, #tpu.memory_space<hbm>> -> memref<1x640xf32, #tpu.memory_space<hbm>>
      %dma_start3A_61 = tpu.memref_squeeze %dma_start3A : memref<1x640xf32, #tpu.memory_space<hbm>> -> memref<640xf32, #tpu.memory_space<hbm>>
      %dma_start3A_62 = tpu.memref_slice %arg9[%mul3A_58] : memref<10240xf32, #tpu.memory_space<vmem_shared>> -> memref<640xf32, #tpu.memory_space<vmem_shared>>
      tpu.enqueue_dma source(%dma_start3A_62 : memref<640xf32, #tpu.memory_space<vmem_shared>>) target(%dma_start3A_61 : memref<640xf32, #tpu.memory_space<hbm>>) target_semaphore(%run_scoped3A : memref<!tpu.dma_semaphore, #tpu.memory_space<semaphore_mem>>)
      %dma_wait3A = tpu.memref_slice %arg5[%arg0, %mul3A_60] : memref<2x10240xf32, #tpu.memory_space<hbm>> -> memref<1x640xf32, #tpu.memory_space<hbm>>
      %dma_wait3A_63 = tpu.memref_squeeze %dma_wait3A : memref<1x640xf32, #tpu.memory_space<hbm>> -> memref<640xf32, #tpu.memory_space<hbm>>
      %dma_wait3A_64 = tpu.memref_slice %arg9[%mul3A_58] : memref<10240xf32, #tpu.memory_space<vmem_shared>> -> memref<640xf32, #tpu.memory_space<vmem_shared>>
      tpu.wait_dma2 semaphore(%run_scoped3A : memref<!tpu.dma_semaphore, #tpu.memory_space<semaphore_mem>>) src(%dma_wait3A_64 : memref<640xf32, #tpu.memory_space<vmem_shared>>) dst(%dma_wait3A_63 : memref<640xf32, #tpu.memory_space<hbm>>)
      tpu.yield
    }) : () -> ()
    return
  }
}

#map = affine_map<(d0, d1) -> (0, 0)>
#map1 = affine_map<(d0, d1) -> (0, 0, 0)>
module attributes {stable_mosaic.version = 14 : i64} {
  func.func @_round_body(%arg0: i32, %arg1: i32, %arg2: memref<10240x128xf32, #tpu.memory_space<hbm>>, %arg3: memref<32x79x128xi32, #tpu.memory_space<hbm>>, %arg4: memref<32x79x128xi32, #tpu.memory_space<hbm>>, %arg5: memref<10240x128xf32, #tpu.memory_space<hbm>>, %arg6: memref<2x10240x128xf32, #tpu.memory_space<hbm>>, %arg7: memref<79x128xi32, #tpu.memory_space<vmem>>, %arg8: memref<79x128xi32, #tpu.memory_space<vmem>>, %arg9: memref<128x128xf32, #tpu.memory_space<vmem>>, %arg10: memref<10240x128xf32, #tpu.memory_space<vmem_shared>>, %arg11: memref<!tpu.dma_semaphore, #tpu.memory_space<semaphore_mem>>) attributes {dimension_semantics = [#tpu.dimension_semantics<core_parallel>, #tpu.dimension_semantics<subcore_parallel>], iteration_bounds = array<i64: 2, 16>, scalar_prefetch = 0 : i64, scratch_operands = 5 : i64, tpu.core_type = #tpu.core_type<sc_vector_subcore>, window_params = [{transform_indices = #map}, {transform_indices = #map1}, {transform_indices = #map1}, {transform_indices = #map}, {transform_indices = #map1}]} {
    %mul3A = arith.constant 16 : i32
    %mul3A_0 = arith.muli %arg0, %mul3A : i32
    %add3A = arith.addi %mul3A_0, %arg1 : i32
    %mul3A_1 = arith.constant 640 : i32
    %mul3A_2 = arith.muli %arg1, %mul3A_1 : i32
    %mul3A_3 = arith.constant 640 : i32
    %mul3A_4 = arith.muli %arg1, %mul3A_3 : i32
    "tpu.region"() ({
      %run_scoped3A = tpu.sem_alloc : memref<!tpu.dma_semaphore, #tpu.memory_space<semaphore_mem>>
      %dma_start3A = arith.constant 0 : i32
      %dma_start3A_15 = tpu.memref_slice %arg10[%mul3A_4, %dma_start3A] : memref<10240x128xf32, #tpu.memory_space<vmem_shared>> -> memref<640x128xf32, #tpu.memory_space<vmem_shared>>
      %dma_start3A_16 = arith.constant 0 : i32
      %dma_start3A_17 = tpu.memref_slice %arg5[%mul3A_2, %dma_start3A_16] : memref<10240x128xf32, #tpu.memory_space<hbm>> -> memref<640x128xf32, #tpu.memory_space<hbm>>
      tpu.enqueue_dma source(%dma_start3A_17 : memref<640x128xf32, #tpu.memory_space<hbm>>) target(%dma_start3A_15 : memref<640x128xf32, #tpu.memory_space<vmem_shared>>) target_semaphore(%run_scoped3A : memref<!tpu.dma_semaphore, #tpu.memory_space<semaphore_mem>>)
      %dma_wait3A = arith.constant 0 : i32
      %dma_wait3A_18 = tpu.memref_slice %arg10[%mul3A_4, %dma_wait3A] : memref<10240x128xf32, #tpu.memory_space<vmem_shared>> -> memref<640x128xf32, #tpu.memory_space<vmem_shared>>
      %dma_wait3A_19 = arith.constant 0 : i32
      %dma_wait3A_20 = tpu.memref_slice %arg5[%mul3A_2, %dma_wait3A_19] : memref<10240x128xf32, #tpu.memory_space<hbm>> -> memref<640x128xf32, #tpu.memory_space<hbm>>
      tpu.wait_dma2 semaphore(%run_scoped3A : memref<!tpu.dma_semaphore, #tpu.memory_space<semaphore_mem>>) src(%dma_wait3A_20 : memref<640x128xf32, #tpu.memory_space<hbm>>) dst(%dma_wait3A_18 : memref<640x128xf32, #tpu.memory_space<vmem_shared>>)
      tpu.yield
    }) : () -> ()
    %barrier3A = arith.constant 0 : index
    tpu.barrier barrier_id(%barrier3A)
    "tpu.region"() ({
      %run_scoped3A = tpu.sem_alloc : memref<!tpu.dma_semaphore, #tpu.memory_space<semaphore_mem>>
      %dma_start3A = arith.constant 0 : i32
      %dma_start3A_15 = arith.constant 0 : i32
      %dma_start3A_16 = tpu.memref_slice %arg3[%add3A, %dma_start3A, %dma_start3A_15] : memref<32x79x128xi32, #tpu.memory_space<hbm>> -> memref<1x79x128xi32, #tpu.memory_space<hbm>>
      %dma_start3A_17 = tpu.memref_squeeze %dma_start3A_16 : memref<1x79x128xi32, #tpu.memory_space<hbm>> -> memref<79x128xi32, #tpu.memory_space<hbm>>
      %dma_start3A_18 = arith.constant 0 : i32
      %dma_start3A_19 = arith.constant 0 : i32
      %dma_start3A_20 = tpu.memref_slice %arg3[%add3A, %dma_start3A_18, %dma_start3A_19] : memref<32x79x128xi32, #tpu.memory_space<hbm>> -> memref<1x79x128xi32, #tpu.memory_space<hbm>>
      %dma_start3A_21 = tpu.memref_squeeze %dma_start3A_20 : memref<1x79x128xi32, #tpu.memory_space<hbm>> -> memref<79x128xi32, #tpu.memory_space<hbm>>
      tpu.enqueue_dma source(%dma_start3A_21 : memref<79x128xi32, #tpu.memory_space<hbm>>) target(%arg7 : memref<79x128xi32, #tpu.memory_space<vmem>>) target_semaphore(%run_scoped3A : memref<!tpu.dma_semaphore, #tpu.memory_space<semaphore_mem>>)
      %dma_wait3A = arith.constant 0 : i32
      %dma_wait3A_22 = arith.constant 0 : i32
      %dma_wait3A_23 = tpu.memref_slice %arg3[%add3A, %dma_wait3A, %dma_wait3A_22] : memref<32x79x128xi32, #tpu.memory_space<hbm>> -> memref<1x79x128xi32, #tpu.memory_space<hbm>>
      %dma_wait3A_24 = tpu.memref_squeeze %dma_wait3A_23 : memref<1x79x128xi32, #tpu.memory_space<hbm>> -> memref<79x128xi32, #tpu.memory_space<hbm>>
      %dma_wait3A_25 = arith.constant 0 : i32
      %dma_wait3A_26 = arith.constant 0 : i32
      %dma_wait3A_27 = tpu.memref_slice %arg3[%add3A, %dma_wait3A_25, %dma_wait3A_26] : memref<32x79x128xi32, #tpu.memory_space<hbm>> -> memref<1x79x128xi32, #tpu.memory_space<hbm>>
      %dma_wait3A_28 = tpu.memref_squeeze %dma_wait3A_27 : memref<1x79x128xi32, #tpu.memory_space<hbm>> -> memref<79x128xi32, #tpu.memory_space<hbm>>
      tpu.wait_dma2 semaphore(%run_scoped3A : memref<!tpu.dma_semaphore, #tpu.memory_space<semaphore_mem>>) src(%dma_wait3A_28 : memref<79x128xi32, #tpu.memory_space<hbm>>) dst(%arg7 : memref<79x128xi32, #tpu.memory_space<vmem>>)
      tpu.yield
    }) : () -> ()
    "tpu.region"() ({
      %run_scoped3A = tpu.sem_alloc : memref<!tpu.dma_semaphore, #tpu.memory_space<semaphore_mem>>
      %dma_start3A = arith.constant 0 : i32
      %dma_start3A_15 = arith.constant 0 : i32
      %dma_start3A_16 = tpu.memref_slice %arg4[%add3A, %dma_start3A, %dma_start3A_15] : memref<32x79x128xi32, #tpu.memory_space<hbm>> -> memref<1x79x128xi32, #tpu.memory_space<hbm>>
      %dma_start3A_17 = tpu.memref_squeeze %dma_start3A_16 : memref<1x79x128xi32, #tpu.memory_space<hbm>> -> memref<79x128xi32, #tpu.memory_space<hbm>>
      %dma_start3A_18 = arith.constant 0 : i32
      %dma_start3A_19 = arith.constant 0 : i32
      %dma_start3A_20 = tpu.memref_slice %arg4[%add3A, %dma_start3A_18, %dma_start3A_19] : memref<32x79x128xi32, #tpu.memory_space<hbm>> -> memref<1x79x128xi32, #tpu.memory_space<hbm>>
      %dma_start3A_21 = tpu.memref_squeeze %dma_start3A_20 : memref<1x79x128xi32, #tpu.memory_space<hbm>> -> memref<79x128xi32, #tpu.memory_space<hbm>>
      tpu.enqueue_dma source(%dma_start3A_21 : memref<79x128xi32, #tpu.memory_space<hbm>>) target(%arg8 : memref<79x128xi32, #tpu.memory_space<vmem>>) target_semaphore(%run_scoped3A : memref<!tpu.dma_semaphore, #tpu.memory_space<semaphore_mem>>)
      %dma_wait3A = arith.constant 0 : i32
      %dma_wait3A_22 = arith.constant 0 : i32
      %dma_wait3A_23 = tpu.memref_slice %arg4[%add3A, %dma_wait3A, %dma_wait3A_22] : memref<32x79x128xi32, #tpu.memory_space<hbm>> -> memref<1x79x128xi32, #tpu.memory_space<hbm>>
      %dma_wait3A_24 = tpu.memref_squeeze %dma_wait3A_23 : memref<1x79x128xi32, #tpu.memory_space<hbm>> -> memref<79x128xi32, #tpu.memory_space<hbm>>
      %dma_wait3A_25 = arith.constant 0 : i32
      %dma_wait3A_26 = arith.constant 0 : i32
      %dma_wait3A_27 = tpu.memref_slice %arg4[%add3A, %dma_wait3A_25, %dma_wait3A_26] : memref<32x79x128xi32, #tpu.memory_space<hbm>> -> memref<1x79x128xi32, #tpu.memory_space<hbm>>
      %dma_wait3A_28 = tpu.memref_squeeze %dma_wait3A_27 : memref<1x79x128xi32, #tpu.memory_space<hbm>> -> memref<79x128xi32, #tpu.memory_space<hbm>>
      tpu.wait_dma2 semaphore(%run_scoped3A : memref<!tpu.dma_semaphore, #tpu.memory_space<semaphore_mem>>) src(%dma_wait3A_28 : memref<79x128xi32, #tpu.memory_space<hbm>>) dst(%arg8 : memref<79x128xi32, #tpu.memory_space<vmem>>)
      tpu.yield
    }) : () -> ()
    %scan3A = arith.constant 0 : i32
    %scan3A_5 = arith.constant 0 : i32
    %scan3A_6 = arith.constant 79 : i32
    %scan3A_7 = arith.addi %scan3A_5, %scan3A_6 : i32
    %scan3A_8 = arith.constant 1 : i32
    scf.for %scan3A_15 = %scan3A_5 to %scan3A_7 step %scan3A_8  : i32 {
      %dma_start3A = arith.constant 0 : i32
      %dma_start3A_16 = tpu.memref_slice %arg7[%scan3A_15, %dma_start3A] : memref<79x128xi32, #tpu.memory_space<vmem>> -> memref<1x128xi32, #tpu.memory_space<vmem>>
      %dma_start3A_17 = tpu.memref_squeeze %dma_start3A_16 : memref<1x128xi32, #tpu.memory_space<vmem>> -> memref<128xi32, #tpu.memory_space<vmem>>
      %dma_start3A_18 = arith.constant 0 : i32
      %dma_start3A_19 = arith.constant 0 : i32
      %dma_start3A_20 = tpu.memref_slice %arg2[%dma_start3A_18, %dma_start3A_19] : memref<10240x128xf32, #tpu.memory_space<hbm>> -> memref<10240x128xf32, #tpu.memory_space<hbm>>
      tpu.enqueue_indirect_dma source(%dma_start3A_20 : memref<10240x128xf32, #tpu.memory_space<hbm>>) target(%arg9 : memref<128x128xf32, #tpu.memory_space<vmem>>) offsets(%dma_start3A_17 : memref<128xi32, #tpu.memory_space<vmem>>) semaphore(%arg11 : memref<!tpu.dma_semaphore, #tpu.memory_space<semaphore_mem>>)
      %dma_wait3A = arith.constant 0 : i32
      %dma_wait3A_21 = tpu.memref_slice %arg7[%scan3A_15, %dma_wait3A] : memref<79x128xi32, #tpu.memory_space<vmem>> -> memref<1x128xi32, #tpu.memory_space<vmem>>
      %dma_wait3A_22 = tpu.memref_squeeze %dma_wait3A_21 : memref<1x128xi32, #tpu.memory_space<vmem>> -> memref<128xi32, #tpu.memory_space<vmem>>
      %dma_wait3A_23 = arith.constant 0 : i32
      %dma_wait3A_24 = arith.constant 0 : i32
      %dma_wait3A_25 = tpu.memref_slice %arg2[%dma_wait3A_23, %dma_wait3A_24] : memref<10240x128xf32, #tpu.memory_space<hbm>> -> memref<10240x128xf32, #tpu.memory_space<hbm>>
      tpu.wait_indirect_dma semaphore(%arg11 : memref<!tpu.dma_semaphore, #tpu.memory_space<semaphore_mem>>) src(%dma_wait3A_25 : memref<10240x128xf32, #tpu.memory_space<hbm>>) dst(%arg9 : memref<128x128xf32, #tpu.memory_space<vmem>>)
      "tpu.region"() ({
        %run_scoped3A = tpu.sem_alloc : memref<!tpu.dma_semaphore, #tpu.memory_space<semaphore_mem>>
        %dma_start3A_26 = arith.constant 0 : i32
        %dma_start3A_27 = tpu.memref_slice %arg8[%scan3A_15, %dma_start3A_26] : memref<79x128xi32, #tpu.memory_space<vmem>> -> memref<1x128xi32, #tpu.memory_space<vmem>>
        %dma_start3A_28 = tpu.memref_squeeze %dma_start3A_27 : memref<1x128xi32, #tpu.memory_space<vmem>> -> memref<128xi32, #tpu.memory_space<vmem>>
        %dma_start3A_29 = arith.constant 0 : i32
        %dma_start3A_30 = arith.constant 0 : i32
        %dma_start3A_31 = tpu.memref_slice %arg10[%dma_start3A_29, %dma_start3A_30] : memref<10240x128xf32, #tpu.memory_space<vmem_shared>> -> memref<10240x128xf32, #tpu.memory_space<vmem_shared>>
        tpu.enqueue_indirect_dma source(%arg9 : memref<128x128xf32, #tpu.memory_space<vmem>>) target(%dma_start3A_31 : memref<10240x128xf32, #tpu.memory_space<vmem_shared>>) offsets(%dma_start3A_28 : memref<128xi32, #tpu.memory_space<vmem>>) semaphore(%run_scoped3A : memref<!tpu.dma_semaphore, #tpu.memory_space<semaphore_mem>>) {add = true}
        %dma_wait3A_32 = arith.constant 0 : i32
        %dma_wait3A_33 = tpu.memref_slice %arg8[%scan3A_15, %dma_wait3A_32] : memref<79x128xi32, #tpu.memory_space<vmem>> -> memref<1x128xi32, #tpu.memory_space<vmem>>
        %dma_wait3A_34 = tpu.memref_squeeze %dma_wait3A_33 : memref<1x128xi32, #tpu.memory_space<vmem>> -> memref<128xi32, #tpu.memory_space<vmem>>
        %dma_wait3A_35 = arith.constant 0 : i32
        %dma_wait3A_36 = arith.constant 0 : i32
        %dma_wait3A_37 = tpu.memref_slice %arg10[%dma_wait3A_35, %dma_wait3A_36] : memref<10240x128xf32, #tpu.memory_space<vmem_shared>> -> memref<10240x128xf32, #tpu.memory_space<vmem_shared>>
        tpu.wait_indirect_dma semaphore(%run_scoped3A : memref<!tpu.dma_semaphore, #tpu.memory_space<semaphore_mem>>) src(%arg9 : memref<128x128xf32, #tpu.memory_space<vmem>>) dst(%dma_wait3A_37 : memref<10240x128xf32, #tpu.memory_space<vmem_shared>>)
        tpu.yield
      }) : () -> ()
    }
    %scan3A_9 = arith.constant 79 : i32
    %barrier3A_10 = arith.constant 0 : index
    tpu.barrier barrier_id(%barrier3A_10)
    %mul3A_11 = arith.constant 640 : i32
    %mul3A_12 = arith.muli %arg1, %mul3A_11 : i32
    %mul3A_13 = arith.constant 640 : i32
    %mul3A_14 = arith.muli %arg1, %mul3A_13 : i32
    "tpu.region"() ({
      %run_scoped3A = tpu.sem_alloc : memref<!tpu.dma_semaphore, #tpu.memory_space<semaphore_mem>>
      %dma_start3A = arith.constant 0 : i32
      %dma_start3A_15 = tpu.memref_slice %arg6[%arg0, %mul3A_14, %dma_start3A] : memref<2x10240x128xf32, #tpu.memory_space<hbm>> -> memref<1x640x128xf32, #tpu.memory_space<hbm>>
      %dma_start3A_16 = tpu.memref_squeeze %dma_start3A_15 : memref<1x640x128xf32, #tpu.memory_space<hbm>> -> memref<640x128xf32, #tpu.memory_space<hbm>>
      %dma_start3A_17 = arith.constant 0 : i32
      %dma_start3A_18 = tpu.memref_slice %arg10[%mul3A_12, %dma_start3A_17] : memref<10240x128xf32, #tpu.memory_space<vmem_shared>> -> memref<640x128xf32, #tpu.memory_space<vmem_shared>>
      tpu.enqueue_dma source(%dma_start3A_18 : memref<640x128xf32, #tpu.memory_space<vmem_shared>>) target(%dma_start3A_16 : memref<640x128xf32, #tpu.memory_space<hbm>>) target_semaphore(%run_scoped3A : memref<!tpu.dma_semaphore, #tpu.memory_space<semaphore_mem>>)
      %dma_wait3A = arith.constant 0 : i32
      %dma_wait3A_19 = tpu.memref_slice %arg6[%arg0, %mul3A_14, %dma_wait3A] : memref<2x10240x128xf32, #tpu.memory_space<hbm>> -> memref<1x640x128xf32, #tpu.memory_space<hbm>>
      %dma_wait3A_20 = tpu.memref_squeeze %dma_wait3A_19 : memref<1x640x128xf32, #tpu.memory_space<hbm>> -> memref<640x128xf32, #tpu.memory_space<hbm>>
      %dma_wait3A_21 = arith.constant 0 : i32
      %dma_wait3A_22 = tpu.memref_slice %arg10[%mul3A_12, %dma_wait3A_21] : memref<10240x128xf32, #tpu.memory_space<vmem_shared>> -> memref<640x128xf32, #tpu.memory_space<vmem_shared>>
      tpu.wait_dma2 semaphore(%run_scoped3A : memref<!tpu.dma_semaphore, #tpu.memory_space<semaphore_mem>>) src(%dma_wait3A_22 : memref<640x128xf32, #tpu.memory_space<vmem_shared>>) dst(%dma_wait3A_20 : memref<640x128xf32, #tpu.memory_space<hbm>>)
      tpu.yield
    }) : () -> ()
    return
  }
}

#map = affine_map<(d0, d1) -> (0, 0)>
#map1 = affine_map<(d0, d1) -> (0, 0, 0)>
module attributes {stable_mosaic.version = 14 : i64} {
  func.func @_round_body(%arg0: i32, %arg1: i32, %arg2: memref<10240x128xf32, #tpu.memory_space<hbm>>, %arg3: memref<32x79x128xi32, #tpu.memory_space<hbm>>, %arg4: memref<32x79x128xi32, #tpu.memory_space<hbm>>, %arg5: memref<10240x128xf32, #tpu.memory_space<hbm>>, %arg6: memref<2x10240x128xf32, #tpu.memory_space<hbm>>, %arg7: memref<79x128xi32, #tpu.memory_space<vmem>>, %arg8: memref<79x128xi32, #tpu.memory_space<vmem>>, %arg9: memref<128x128xf32, #tpu.memory_space<vmem>>, %arg10: memref<10240x128xf32, #tpu.memory_space<vmem_shared>>, %arg11: memref<!tpu.dma_semaphore, #tpu.memory_space<semaphore_mem>>) attributes {dimension_semantics = [#tpu.dimension_semantics<core_parallel>, #tpu.dimension_semantics<subcore_parallel>], iteration_bounds = array<i64: 2, 16>, scalar_prefetch = 0 : i64, scratch_operands = 5 : i64, tpu.core_type = #tpu.core_type<sc_vector_subcore>, window_params = [{transform_indices = #map}, {transform_indices = #map1}, {transform_indices = #map1}, {transform_indices = #map}, {transform_indices = #map1}]} {
    %mul3A = arith.constant 16 : i32
    %mul3A_0 = arith.muli %arg0, %mul3A : i32
    %add3A = arith.addi %mul3A_0, %arg1 : i32
    %mul3A_1 = arith.constant 640 : i32
    %mul3A_2 = arith.muli %arg1, %mul3A_1 : i32
    %mul3A_3 = arith.constant 640 : i32
    %mul3A_4 = arith.muli %arg1, %mul3A_3 : i32
    "tpu.region"() ({
      %run_scoped3A = tpu.sem_alloc : memref<!tpu.dma_semaphore, #tpu.memory_space<semaphore_mem>>
      %dma_start3A = arith.constant 0 : i32
      %dma_start3A_15 = tpu.memref_slice %arg10[%mul3A_4, %dma_start3A] : memref<10240x128xf32, #tpu.memory_space<vmem_shared>> -> memref<640x128xf32, #tpu.memory_space<vmem_shared>>
      %dma_start3A_16 = arith.constant 0 : i32
      %dma_start3A_17 = tpu.memref_slice %arg5[%mul3A_2, %dma_start3A_16] : memref<10240x128xf32, #tpu.memory_space<hbm>> -> memref<640x128xf32, #tpu.memory_space<hbm>>
      tpu.enqueue_dma source(%dma_start3A_17 : memref<640x128xf32, #tpu.memory_space<hbm>>) target(%dma_start3A_15 : memref<640x128xf32, #tpu.memory_space<vmem_shared>>) target_semaphore(%run_scoped3A : memref<!tpu.dma_semaphore, #tpu.memory_space<semaphore_mem>>)
      %dma_wait3A = arith.constant 0 : i32
      %dma_wait3A_18 = tpu.memref_slice %arg10[%mul3A_4, %dma_wait3A] : memref<10240x128xf32, #tpu.memory_space<vmem_shared>> -> memref<640x128xf32, #tpu.memory_space<vmem_shared>>
      %dma_wait3A_19 = arith.constant 0 : i32
      %dma_wait3A_20 = tpu.memref_slice %arg5[%mul3A_2, %dma_wait3A_19] : memref<10240x128xf32, #tpu.memory_space<hbm>> -> memref<640x128xf32, #tpu.memory_space<hbm>>
      tpu.wait_dma2 semaphore(%run_scoped3A : memref<!tpu.dma_semaphore, #tpu.memory_space<semaphore_mem>>) src(%dma_wait3A_20 : memref<640x128xf32, #tpu.memory_space<hbm>>) dst(%dma_wait3A_18 : memref<640x128xf32, #tpu.memory_space<vmem_shared>>)
      tpu.yield
    }) : () -> ()
    %barrier3A = arith.constant 0 : index
    tpu.barrier barrier_id(%barrier3A)
    "tpu.region"() ({
      %run_scoped3A = tpu.sem_alloc : memref<!tpu.dma_semaphore, #tpu.memory_space<semaphore_mem>>
      %dma_start3A = arith.constant 0 : i32
      %dma_start3A_15 = arith.constant 0 : i32
      %dma_start3A_16 = tpu.memref_slice %arg3[%add3A, %dma_start3A, %dma_start3A_15] : memref<32x79x128xi32, #tpu.memory_space<hbm>> -> memref<1x79x128xi32, #tpu.memory_space<hbm>>
      %dma_start3A_17 = tpu.memref_squeeze %dma_start3A_16 : memref<1x79x128xi32, #tpu.memory_space<hbm>> -> memref<79x128xi32, #tpu.memory_space<hbm>>
      %dma_start3A_18 = arith.constant 0 : i32
      %dma_start3A_19 = arith.constant 0 : i32
      %dma_start3A_20 = tpu.memref_slice %arg3[%add3A, %dma_start3A_18, %dma_start3A_19] : memref<32x79x128xi32, #tpu.memory_space<hbm>> -> memref<1x79x128xi32, #tpu.memory_space<hbm>>
      %dma_start3A_21 = tpu.memref_squeeze %dma_start3A_20 : memref<1x79x128xi32, #tpu.memory_space<hbm>> -> memref<79x128xi32, #tpu.memory_space<hbm>>
      tpu.enqueue_dma source(%dma_start3A_21 : memref<79x128xi32, #tpu.memory_space<hbm>>) target(%arg7 : memref<79x128xi32, #tpu.memory_space<vmem>>) target_semaphore(%run_scoped3A : memref<!tpu.dma_semaphore, #tpu.memory_space<semaphore_mem>>)
      %dma_wait3A = arith.constant 0 : i32
      %dma_wait3A_22 = arith.constant 0 : i32
      %dma_wait3A_23 = tpu.memref_slice %arg3[%add3A, %dma_wait3A, %dma_wait3A_22] : memref<32x79x128xi32, #tpu.memory_space<hbm>> -> memref<1x79x128xi32, #tpu.memory_space<hbm>>
      %dma_wait3A_24 = tpu.memref_squeeze %dma_wait3A_23 : memref<1x79x128xi32, #tpu.memory_space<hbm>> -> memref<79x128xi32, #tpu.memory_space<hbm>>
      %dma_wait3A_25 = arith.constant 0 : i32
      %dma_wait3A_26 = arith.constant 0 : i32
      %dma_wait3A_27 = tpu.memref_slice %arg3[%add3A, %dma_wait3A_25, %dma_wait3A_26] : memref<32x79x128xi32, #tpu.memory_space<hbm>> -> memref<1x79x128xi32, #tpu.memory_space<hbm>>
      %dma_wait3A_28 = tpu.memref_squeeze %dma_wait3A_27 : memref<1x79x128xi32, #tpu.memory_space<hbm>> -> memref<79x128xi32, #tpu.memory_space<hbm>>
      tpu.wait_dma2 semaphore(%run_scoped3A : memref<!tpu.dma_semaphore, #tpu.memory_space<semaphore_mem>>) src(%dma_wait3A_28 : memref<79x128xi32, #tpu.memory_space<hbm>>) dst(%arg7 : memref<79x128xi32, #tpu.memory_space<vmem>>)
      tpu.yield
    }) : () -> ()
    "tpu.region"() ({
      %run_scoped3A = tpu.sem_alloc : memref<!tpu.dma_semaphore, #tpu.memory_space<semaphore_mem>>
      %dma_start3A = arith.constant 0 : i32
      %dma_start3A_15 = arith.constant 0 : i32
      %dma_start3A_16 = tpu.memref_slice %arg4[%add3A, %dma_start3A, %dma_start3A_15] : memref<32x79x128xi32, #tpu.memory_space<hbm>> -> memref<1x79x128xi32, #tpu.memory_space<hbm>>
      %dma_start3A_17 = tpu.memref_squeeze %dma_start3A_16 : memref<1x79x128xi32, #tpu.memory_space<hbm>> -> memref<79x128xi32, #tpu.memory_space<hbm>>
      %dma_start3A_18 = arith.constant 0 : i32
      %dma_start3A_19 = arith.constant 0 : i32
      %dma_start3A_20 = tpu.memref_slice %arg4[%add3A, %dma_start3A_18, %dma_start3A_19] : memref<32x79x128xi32, #tpu.memory_space<hbm>> -> memref<1x79x128xi32, #tpu.memory_space<hbm>>
      %dma_start3A_21 = tpu.memref_squeeze %dma_start3A_20 : memref<1x79x128xi32, #tpu.memory_space<hbm>> -> memref<79x128xi32, #tpu.memory_space<hbm>>
      tpu.enqueue_dma source(%dma_start3A_21 : memref<79x128xi32, #tpu.memory_space<hbm>>) target(%arg8 : memref<79x128xi32, #tpu.memory_space<vmem>>) target_semaphore(%run_scoped3A : memref<!tpu.dma_semaphore, #tpu.memory_space<semaphore_mem>>)
      %dma_wait3A = arith.constant 0 : i32
      %dma_wait3A_22 = arith.constant 0 : i32
      %dma_wait3A_23 = tpu.memref_slice %arg4[%add3A, %dma_wait3A, %dma_wait3A_22] : memref<32x79x128xi32, #tpu.memory_space<hbm>> -> memref<1x79x128xi32, #tpu.memory_space<hbm>>
      %dma_wait3A_24 = tpu.memref_squeeze %dma_wait3A_23 : memref<1x79x128xi32, #tpu.memory_space<hbm>> -> memref<79x128xi32, #tpu.memory_space<hbm>>
      %dma_wait3A_25 = arith.constant 0 : i32
      %dma_wait3A_26 = arith.constant 0 : i32
      %dma_wait3A_27 = tpu.memref_slice %arg4[%add3A, %dma_wait3A_25, %dma_wait3A_26] : memref<32x79x128xi32, #tpu.memory_space<hbm>> -> memref<1x79x128xi32, #tpu.memory_space<hbm>>
      %dma_wait3A_28 = tpu.memref_squeeze %dma_wait3A_27 : memref<1x79x128xi32, #tpu.memory_space<hbm>> -> memref<79x128xi32, #tpu.memory_space<hbm>>
      tpu.wait_dma2 semaphore(%run_scoped3A : memref<!tpu.dma_semaphore, #tpu.memory_space<semaphore_mem>>) src(%dma_wait3A_28 : memref<79x128xi32, #tpu.memory_space<hbm>>) dst(%arg8 : memref<79x128xi32, #tpu.memory_space<vmem>>)
      tpu.yield
    }) : () -> ()
    %scan3A = arith.constant 0 : i32
    %scan3A_5 = arith.constant 0 : i32
    %scan3A_6 = arith.constant 79 : i32
    %scan3A_7 = arith.addi %scan3A_5, %scan3A_6 : i32
    %scan3A_8 = arith.constant 1 : i32
    scf.for %scan3A_15 = %scan3A_5 to %scan3A_7 step %scan3A_8  : i32 {
      %dma_start3A = arith.constant 0 : i32
      %dma_start3A_16 = tpu.memref_slice %arg7[%scan3A_15, %dma_start3A] : memref<79x128xi32, #tpu.memory_space<vmem>> -> memref<1x128xi32, #tpu.memory_space<vmem>>
      %dma_start3A_17 = tpu.memref_squeeze %dma_start3A_16 : memref<1x128xi32, #tpu.memory_space<vmem>> -> memref<128xi32, #tpu.memory_space<vmem>>
      %dma_start3A_18 = arith.constant 0 : i32
      %dma_start3A_19 = arith.constant 0 : i32
      %dma_start3A_20 = tpu.memref_slice %arg2[%dma_start3A_18, %dma_start3A_19] : memref<10240x128xf32, #tpu.memory_space<hbm>> -> memref<10240x128xf32, #tpu.memory_space<hbm>>
      tpu.enqueue_indirect_dma source(%dma_start3A_20 : memref<10240x128xf32, #tpu.memory_space<hbm>>) target(%arg9 : memref<128x128xf32, #tpu.memory_space<vmem>>) offsets(%dma_start3A_17 : memref<128xi32, #tpu.memory_space<vmem>>) semaphore(%arg11 : memref<!tpu.dma_semaphore, #tpu.memory_space<semaphore_mem>>)
      %dma_wait3A = arith.constant 0 : i32
      %dma_wait3A_21 = tpu.memref_slice %arg7[%scan3A_15, %dma_wait3A] : memref<79x128xi32, #tpu.memory_space<vmem>> -> memref<1x128xi32, #tpu.memory_space<vmem>>
      %dma_wait3A_22 = tpu.memref_squeeze %dma_wait3A_21 : memref<1x128xi32, #tpu.memory_space<vmem>> -> memref<128xi32, #tpu.memory_space<vmem>>
      %dma_wait3A_23 = arith.constant 0 : i32
      %dma_wait3A_24 = arith.constant 0 : i32
      %dma_wait3A_25 = tpu.memref_slice %arg2[%dma_wait3A_23, %dma_wait3A_24] : memref<10240x128xf32, #tpu.memory_space<hbm>> -> memref<10240x128xf32, #tpu.memory_space<hbm>>
      tpu.wait_indirect_dma semaphore(%arg11 : memref<!tpu.dma_semaphore, #tpu.memory_space<semaphore_mem>>) src(%dma_wait3A_25 : memref<10240x128xf32, #tpu.memory_space<hbm>>) dst(%arg9 : memref<128x128xf32, #tpu.memory_space<vmem>>)
      "tpu.region"() ({
        %run_scoped3A = tpu.sem_alloc : memref<!tpu.dma_semaphore, #tpu.memory_space<semaphore_mem>>
        %dma_start3A_26 = arith.constant 0 : i32
        %dma_start3A_27 = tpu.memref_slice %arg8[%scan3A_15, %dma_start3A_26] : memref<79x128xi32, #tpu.memory_space<vmem>> -> memref<1x128xi32, #tpu.memory_space<vmem>>
        %dma_start3A_28 = tpu.memref_squeeze %dma_start3A_27 : memref<1x128xi32, #tpu.memory_space<vmem>> -> memref<128xi32, #tpu.memory_space<vmem>>
        %dma_start3A_29 = arith.constant 0 : i32
        %dma_start3A_30 = arith.constant 0 : i32
        %dma_start3A_31 = tpu.memref_slice %arg10[%dma_start3A_29, %dma_start3A_30] : memref<10240x128xf32, #tpu.memory_space<vmem_shared>> -> memref<10240x128xf32, #tpu.memory_space<vmem_shared>>
        tpu.enqueue_indirect_dma source(%arg9 : memref<128x128xf32, #tpu.memory_space<vmem>>) target(%dma_start3A_31 : memref<10240x128xf32, #tpu.memory_space<vmem_shared>>) offsets(%dma_start3A_28 : memref<128xi32, #tpu.memory_space<vmem>>) semaphore(%run_scoped3A : memref<!tpu.dma_semaphore, #tpu.memory_space<semaphore_mem>>) {add = true}
        %dma_wait3A_32 = arith.constant 0 : i32
        %dma_wait3A_33 = tpu.memref_slice %arg8[%scan3A_15, %dma_wait3A_32] : memref<79x128xi32, #tpu.memory_space<vmem>> -> memref<1x128xi32, #tpu.memory_space<vmem>>
        %dma_wait3A_34 = tpu.memref_squeeze %dma_wait3A_33 : memref<1x128xi32, #tpu.memory_space<vmem>> -> memref<128xi32, #tpu.memory_space<vmem>>
        %dma_wait3A_35 = arith.constant 0 : i32
        %dma_wait3A_36 = arith.constant 0 : i32
        %dma_wait3A_37 = tpu.memref_slice %arg10[%dma_wait3A_35, %dma_wait3A_36] : memref<10240x128xf32, #tpu.memory_space<vmem_shared>> -> memref<10240x128xf32, #tpu.memory_space<vmem_shared>>
        tpu.wait_indirect_dma semaphore(%run_scoped3A : memref<!tpu.dma_semaphore, #tpu.memory_space<semaphore_mem>>) src(%arg9 : memref<128x128xf32, #tpu.memory_space<vmem>>) dst(%dma_wait3A_37 : memref<10240x128xf32, #tpu.memory_space<vmem_shared>>)
        tpu.yield
      }) : () -> ()
    }
    %scan3A_9 = arith.constant 79 : i32
    %barrier3A_10 = arith.constant 0 : index
    tpu.barrier barrier_id(%barrier3A_10)
    %mul3A_11 = arith.constant 640 : i32
    %mul3A_12 = arith.muli %arg1, %mul3A_11 : i32
    %mul3A_13 = arith.constant 640 : i32
    %mul3A_14 = arith.muli %arg1, %mul3A_13 : i32
    "tpu.region"() ({
      %run_scoped3A = tpu.sem_alloc : memref<!tpu.dma_semaphore, #tpu.memory_space<semaphore_mem>>
      %dma_start3A = arith.constant 0 : i32
      %dma_start3A_15 = tpu.memref_slice %arg6[%arg0, %mul3A_14, %dma_start3A] : memref<2x10240x128xf32, #tpu.memory_space<hbm>> -> memref<1x640x128xf32, #tpu.memory_space<hbm>>
      %dma_start3A_16 = tpu.memref_squeeze %dma_start3A_15 : memref<1x640x128xf32, #tpu.memory_space<hbm>> -> memref<640x128xf32, #tpu.memory_space<hbm>>
      %dma_start3A_17 = arith.constant 0 : i32
      %dma_start3A_18 = tpu.memref_slice %arg10[%mul3A_12, %dma_start3A_17] : memref<10240x128xf32, #tpu.memory_space<vmem_shared>> -> memref<640x128xf32, #tpu.memory_space<vmem_shared>>
      tpu.enqueue_dma source(%dma_start3A_18 : memref<640x128xf32, #tpu.memory_space<vmem_shared>>) target(%dma_start3A_16 : memref<640x128xf32, #tpu.memory_space<hbm>>) target_semaphore(%run_scoped3A : memref<!tpu.dma_semaphore, #tpu.memory_space<semaphore_mem>>)
      %dma_wait3A = arith.constant 0 : i32
      %dma_wait3A_19 = tpu.memref_slice %arg6[%arg0, %mul3A_14, %dma_wait3A] : memref<2x10240x128xf32, #tpu.memory_space<hbm>> -> memref<1x640x128xf32, #tpu.memory_space<hbm>>
      %dma_wait3A_20 = tpu.memref_squeeze %dma_wait3A_19 : memref<1x640x128xf32, #tpu.memory_space<hbm>> -> memref<640x128xf32, #tpu.memory_space<hbm>>
      %dma_wait3A_21 = arith.constant 0 : i32
      %dma_wait3A_22 = tpu.memref_slice %arg10[%mul3A_12, %dma_wait3A_21] : memref<10240x128xf32, #tpu.memory_space<vmem_shared>> -> memref<640x128xf32, #tpu.memory_space<vmem_shared>>
      tpu.wait_dma2 semaphore(%run_scoped3A : memref<!tpu.dma_semaphore, #tpu.memory_space<semaphore_mem>>) src(%dma_wait3A_22 : memref<640x128xf32, #tpu.memory_space<vmem_shared>>) dst(%dma_wait3A_20 : memref<640x128xf32, #tpu.memory_space<hbm>>)
      tpu.yield
    }) : () -> ()
    return
  }
}

#map = affine_map<(d0, d1) -> (0, 0)>
#map1 = affine_map<(d0, d1) -> (0, 0, 0)>
module attributes {stable_mosaic.version = 14 : i64} {
  func.func @_round_body(%arg0: i32, %arg1: i32, %arg2: memref<10240x128xf32, #tpu.memory_space<hbm>>, %arg3: memref<32x79x128xi32, #tpu.memory_space<hbm>>, %arg4: memref<32x79x128xi32, #tpu.memory_space<hbm>>, %arg5: memref<10240x128xf32, #tpu.memory_space<hbm>>, %arg6: memref<2x10240x128xf32, #tpu.memory_space<hbm>>, %arg7: memref<79x128xi32, #tpu.memory_space<vmem>>, %arg8: memref<79x128xi32, #tpu.memory_space<vmem>>, %arg9: memref<128x128xf32, #tpu.memory_space<vmem>>, %arg10: memref<10240x128xf32, #tpu.memory_space<vmem_shared>>, %arg11: memref<!tpu.dma_semaphore, #tpu.memory_space<semaphore_mem>>) attributes {dimension_semantics = [#tpu.dimension_semantics<core_parallel>, #tpu.dimension_semantics<subcore_parallel>], iteration_bounds = array<i64: 2, 16>, scalar_prefetch = 0 : i64, scratch_operands = 5 : i64, tpu.core_type = #tpu.core_type<sc_vector_subcore>, window_params = [{transform_indices = #map}, {transform_indices = #map1}, {transform_indices = #map1}, {transform_indices = #map}, {transform_indices = #map1}]} {
    %mul3A = arith.constant 16 : i32
    %mul3A_0 = arith.muli %arg0, %mul3A : i32
    %add3A = arith.addi %mul3A_0, %arg1 : i32
    %mul3A_1 = arith.constant 640 : i32
    %mul3A_2 = arith.muli %arg1, %mul3A_1 : i32
    %mul3A_3 = arith.constant 640 : i32
    %mul3A_4 = arith.muli %arg1, %mul3A_3 : i32
    "tpu.region"() ({
      %run_scoped3A = tpu.sem_alloc : memref<!tpu.dma_semaphore, #tpu.memory_space<semaphore_mem>>
      %dma_start3A = arith.constant 0 : i32
      %dma_start3A_15 = tpu.memref_slice %arg10[%mul3A_4, %dma_start3A] : memref<10240x128xf32, #tpu.memory_space<vmem_shared>> -> memref<640x128xf32, #tpu.memory_space<vmem_shared>>
      %dma_start3A_16 = arith.constant 0 : i32
      %dma_start3A_17 = tpu.memref_slice %arg5[%mul3A_2, %dma_start3A_16] : memref<10240x128xf32, #tpu.memory_space<hbm>> -> memref<640x128xf32, #tpu.memory_space<hbm>>
      tpu.enqueue_dma source(%dma_start3A_17 : memref<640x128xf32, #tpu.memory_space<hbm>>) target(%dma_start3A_15 : memref<640x128xf32, #tpu.memory_space<vmem_shared>>) target_semaphore(%run_scoped3A : memref<!tpu.dma_semaphore, #tpu.memory_space<semaphore_mem>>)
      %dma_wait3A = arith.constant 0 : i32
      %dma_wait3A_18 = tpu.memref_slice %arg10[%mul3A_4, %dma_wait3A] : memref<10240x128xf32, #tpu.memory_space<vmem_shared>> -> memref<640x128xf32, #tpu.memory_space<vmem_shared>>
      %dma_wait3A_19 = arith.constant 0 : i32
      %dma_wait3A_20 = tpu.memref_slice %arg5[%mul3A_2, %dma_wait3A_19] : memref<10240x128xf32, #tpu.memory_space<hbm>> -> memref<640x128xf32, #tpu.memory_space<hbm>>
      tpu.wait_dma2 semaphore(%run_scoped3A : memref<!tpu.dma_semaphore, #tpu.memory_space<semaphore_mem>>) src(%dma_wait3A_20 : memref<640x128xf32, #tpu.memory_space<hbm>>) dst(%dma_wait3A_18 : memref<640x128xf32, #tpu.memory_space<vmem_shared>>)
      tpu.yield
    }) : () -> ()
    %barrier3A = arith.constant 0 : index
    tpu.barrier barrier_id(%barrier3A)
    "tpu.region"() ({
      %run_scoped3A = tpu.sem_alloc : memref<!tpu.dma_semaphore, #tpu.memory_space<semaphore_mem>>
      %dma_start3A = arith.constant 0 : i32
      %dma_start3A_15 = arith.constant 0 : i32
      %dma_start3A_16 = tpu.memref_slice %arg3[%add3A, %dma_start3A, %dma_start3A_15] : memref<32x79x128xi32, #tpu.memory_space<hbm>> -> memref<1x79x128xi32, #tpu.memory_space<hbm>>
      %dma_start3A_17 = tpu.memref_squeeze %dma_start3A_16 : memref<1x79x128xi32, #tpu.memory_space<hbm>> -> memref<79x128xi32, #tpu.memory_space<hbm>>
      %dma_start3A_18 = arith.constant 0 : i32
      %dma_start3A_19 = arith.constant 0 : i32
      %dma_start3A_20 = tpu.memref_slice %arg3[%add3A, %dma_start3A_18, %dma_start3A_19] : memref<32x79x128xi32, #tpu.memory_space<hbm>> -> memref<1x79x128xi32, #tpu.memory_space<hbm>>
      %dma_start3A_21 = tpu.memref_squeeze %dma_start3A_20 : memref<1x79x128xi32, #tpu.memory_space<hbm>> -> memref<79x128xi32, #tpu.memory_space<hbm>>
      tpu.enqueue_dma source(%dma_start3A_21 : memref<79x128xi32, #tpu.memory_space<hbm>>) target(%arg7 : memref<79x128xi32, #tpu.memory_space<vmem>>) target_semaphore(%run_scoped3A : memref<!tpu.dma_semaphore, #tpu.memory_space<semaphore_mem>>)
      %dma_wait3A = arith.constant 0 : i32
      %dma_wait3A_22 = arith.constant 0 : i32
      %dma_wait3A_23 = tpu.memref_slice %arg3[%add3A, %dma_wait3A, %dma_wait3A_22] : memref<32x79x128xi32, #tpu.memory_space<hbm>> -> memref<1x79x128xi32, #tpu.memory_space<hbm>>
      %dma_wait3A_24 = tpu.memref_squeeze %dma_wait3A_23 : memref<1x79x128xi32, #tpu.memory_space<hbm>> -> memref<79x128xi32, #tpu.memory_space<hbm>>
      %dma_wait3A_25 = arith.constant 0 : i32
      %dma_wait3A_26 = arith.constant 0 : i32
      %dma_wait3A_27 = tpu.memref_slice %arg3[%add3A, %dma_wait3A_25, %dma_wait3A_26] : memref<32x79x128xi32, #tpu.memory_space<hbm>> -> memref<1x79x128xi32, #tpu.memory_space<hbm>>
      %dma_wait3A_28 = tpu.memref_squeeze %dma_wait3A_27 : memref<1x79x128xi32, #tpu.memory_space<hbm>> -> memref<79x128xi32, #tpu.memory_space<hbm>>
      tpu.wait_dma2 semaphore(%run_scoped3A : memref<!tpu.dma_semaphore, #tpu.memory_space<semaphore_mem>>) src(%dma_wait3A_28 : memref<79x128xi32, #tpu.memory_space<hbm>>) dst(%arg7 : memref<79x128xi32, #tpu.memory_space<vmem>>)
      tpu.yield
    }) : () -> ()
    "tpu.region"() ({
      %run_scoped3A = tpu.sem_alloc : memref<!tpu.dma_semaphore, #tpu.memory_space<semaphore_mem>>
      %dma_start3A = arith.constant 0 : i32
      %dma_start3A_15 = arith.constant 0 : i32
      %dma_start3A_16 = tpu.memref_slice %arg4[%add3A, %dma_start3A, %dma_start3A_15] : memref<32x79x128xi32, #tpu.memory_space<hbm>> -> memref<1x79x128xi32, #tpu.memory_space<hbm>>
      %dma_start3A_17 = tpu.memref_squeeze %dma_start3A_16 : memref<1x79x128xi32, #tpu.memory_space<hbm>> -> memref<79x128xi32, #tpu.memory_space<hbm>>
      %dma_start3A_18 = arith.constant 0 : i32
      %dma_start3A_19 = arith.constant 0 : i32
      %dma_start3A_20 = tpu.memref_slice %arg4[%add3A, %dma_start3A_18, %dma_start3A_19] : memref<32x79x128xi32, #tpu.memory_space<hbm>> -> memref<1x79x128xi32, #tpu.memory_space<hbm>>
      %dma_start3A_21 = tpu.memref_squeeze %dma_start3A_20 : memref<1x79x128xi32, #tpu.memory_space<hbm>> -> memref<79x128xi32, #tpu.memory_space<hbm>>
      tpu.enqueue_dma source(%dma_start3A_21 : memref<79x128xi32, #tpu.memory_space<hbm>>) target(%arg8 : memref<79x128xi32, #tpu.memory_space<vmem>>) target_semaphore(%run_scoped3A : memref<!tpu.dma_semaphore, #tpu.memory_space<semaphore_mem>>)
      %dma_wait3A = arith.constant 0 : i32
      %dma_wait3A_22 = arith.constant 0 : i32
      %dma_wait3A_23 = tpu.memref_slice %arg4[%add3A, %dma_wait3A, %dma_wait3A_22] : memref<32x79x128xi32, #tpu.memory_space<hbm>> -> memref<1x79x128xi32, #tpu.memory_space<hbm>>
      %dma_wait3A_24 = tpu.memref_squeeze %dma_wait3A_23 : memref<1x79x128xi32, #tpu.memory_space<hbm>> -> memref<79x128xi32, #tpu.memory_space<hbm>>
      %dma_wait3A_25 = arith.constant 0 : i32
      %dma_wait3A_26 = arith.constant 0 : i32
      %dma_wait3A_27 = tpu.memref_slice %arg4[%add3A, %dma_wait3A_25, %dma_wait3A_26] : memref<32x79x128xi32, #tpu.memory_space<hbm>> -> memref<1x79x128xi32, #tpu.memory_space<hbm>>
      %dma_wait3A_28 = tpu.memref_squeeze %dma_wait3A_27 : memref<1x79x128xi32, #tpu.memory_space<hbm>> -> memref<79x128xi32, #tpu.memory_space<hbm>>
      tpu.wait_dma2 semaphore(%run_scoped3A : memref<!tpu.dma_semaphore, #tpu.memory_space<semaphore_mem>>) src(%dma_wait3A_28 : memref<79x128xi32, #tpu.memory_space<hbm>>) dst(%arg8 : memref<79x128xi32, #tpu.memory_space<vmem>>)
      tpu.yield
    }) : () -> ()
    %scan3A = arith.constant 0 : i32
    %scan3A_5 = arith.constant 0 : i32
    %scan3A_6 = arith.constant 79 : i32
    %scan3A_7 = arith.addi %scan3A_5, %scan3A_6 : i32
    %scan3A_8 = arith.constant 1 : i32
    scf.for %scan3A_15 = %scan3A_5 to %scan3A_7 step %scan3A_8  : i32 {
      %dma_start3A = arith.constant 0 : i32
      %dma_start3A_16 = tpu.memref_slice %arg7[%scan3A_15, %dma_start3A] : memref<79x128xi32, #tpu.memory_space<vmem>> -> memref<1x128xi32, #tpu.memory_space<vmem>>
      %dma_start3A_17 = tpu.memref_squeeze %dma_start3A_16 : memref<1x128xi32, #tpu.memory_space<vmem>> -> memref<128xi32, #tpu.memory_space<vmem>>
      %dma_start3A_18 = arith.constant 0 : i32
      %dma_start3A_19 = arith.constant 0 : i32
      %dma_start3A_20 = tpu.memref_slice %arg2[%dma_start3A_18, %dma_start3A_19] : memref<10240x128xf32, #tpu.memory_space<hbm>> -> memref<10240x128xf32, #tpu.memory_space<hbm>>
      tpu.enqueue_indirect_dma source(%dma_start3A_20 : memref<10240x128xf32, #tpu.memory_space<hbm>>) target(%arg9 : memref<128x128xf32, #tpu.memory_space<vmem>>) offsets(%dma_start3A_17 : memref<128xi32, #tpu.memory_space<vmem>>) semaphore(%arg11 : memref<!tpu.dma_semaphore, #tpu.memory_space<semaphore_mem>>)
      %dma_wait3A = arith.constant 0 : i32
      %dma_wait3A_21 = tpu.memref_slice %arg7[%scan3A_15, %dma_wait3A] : memref<79x128xi32, #tpu.memory_space<vmem>> -> memref<1x128xi32, #tpu.memory_space<vmem>>
      %dma_wait3A_22 = tpu.memref_squeeze %dma_wait3A_21 : memref<1x128xi32, #tpu.memory_space<vmem>> -> memref<128xi32, #tpu.memory_space<vmem>>
      %dma_wait3A_23 = arith.constant 0 : i32
      %dma_wait3A_24 = arith.constant 0 : i32
      %dma_wait3A_25 = tpu.memref_slice %arg2[%dma_wait3A_23, %dma_wait3A_24] : memref<10240x128xf32, #tpu.memory_space<hbm>> -> memref<10240x128xf32, #tpu.memory_space<hbm>>
      tpu.wait_indirect_dma semaphore(%arg11 : memref<!tpu.dma_semaphore, #tpu.memory_space<semaphore_mem>>) src(%dma_wait3A_25 : memref<10240x128xf32, #tpu.memory_space<hbm>>) dst(%arg9 : memref<128x128xf32, #tpu.memory_space<vmem>>)
      "tpu.region"() ({
        %run_scoped3A = tpu.sem_alloc : memref<!tpu.dma_semaphore, #tpu.memory_space<semaphore_mem>>
        %dma_start3A_26 = arith.constant 0 : i32
        %dma_start3A_27 = tpu.memref_slice %arg8[%scan3A_15, %dma_start3A_26] : memref<79x128xi32, #tpu.memory_space<vmem>> -> memref<1x128xi32, #tpu.memory_space<vmem>>
        %dma_start3A_28 = tpu.memref_squeeze %dma_start3A_27 : memref<1x128xi32, #tpu.memory_space<vmem>> -> memref<128xi32, #tpu.memory_space<vmem>>
        %dma_start3A_29 = arith.constant 0 : i32
        %dma_start3A_30 = arith.constant 0 : i32
        %dma_start3A_31 = tpu.memref_slice %arg10[%dma_start3A_29, %dma_start3A_30] : memref<10240x128xf32, #tpu.memory_space<vmem_shared>> -> memref<10240x128xf32, #tpu.memory_space<vmem_shared>>
        tpu.enqueue_indirect_dma source(%arg9 : memref<128x128xf32, #tpu.memory_space<vmem>>) target(%dma_start3A_31 : memref<10240x128xf32, #tpu.memory_space<vmem_shared>>) offsets(%dma_start3A_28 : memref<128xi32, #tpu.memory_space<vmem>>) semaphore(%run_scoped3A : memref<!tpu.dma_semaphore, #tpu.memory_space<semaphore_mem>>) {add = true}
        %dma_wait3A_32 = arith.constant 0 : i32
        %dma_wait3A_33 = tpu.memref_slice %arg8[%scan3A_15, %dma_wait3A_32] : memref<79x128xi32, #tpu.memory_space<vmem>> -> memref<1x128xi32, #tpu.memory_space<vmem>>
        %dma_wait3A_34 = tpu.memref_squeeze %dma_wait3A_33 : memref<1x128xi32, #tpu.memory_space<vmem>> -> memref<128xi32, #tpu.memory_space<vmem>>
        %dma_wait3A_35 = arith.constant 0 : i32
        %dma_wait3A_36 = arith.constant 0 : i32
        %dma_wait3A_37 = tpu.memref_slice %arg10[%dma_wait3A_35, %dma_wait3A_36] : memref<10240x128xf32, #tpu.memory_space<vmem_shared>> -> memref<10240x128xf32, #tpu.memory_space<vmem_shared>>
        tpu.wait_indirect_dma semaphore(%run_scoped3A : memref<!tpu.dma_semaphore, #tpu.memory_space<semaphore_mem>>) src(%arg9 : memref<128x128xf32, #tpu.memory_space<vmem>>) dst(%dma_wait3A_37 : memref<10240x128xf32, #tpu.memory_space<vmem_shared>>)
        tpu.yield
      }) : () -> ()
    }
    %scan3A_9 = arith.constant 79 : i32
    %barrier3A_10 = arith.constant 0 : index
    tpu.barrier barrier_id(%barrier3A_10)
    %mul3A_11 = arith.constant 640 : i32
    %mul3A_12 = arith.muli %arg1, %mul3A_11 : i32
    %mul3A_13 = arith.constant 640 : i32
    %mul3A_14 = arith.muli %arg1, %mul3A_13 : i32
    "tpu.region"() ({
      %run_scoped3A = tpu.sem_alloc : memref<!tpu.dma_semaphore, #tpu.memory_space<semaphore_mem>>
      %dma_start3A = arith.constant 0 : i32
      %dma_start3A_15 = tpu.memref_slice %arg6[%arg0, %mul3A_14, %dma_start3A] : memref<2x10240x128xf32, #tpu.memory_space<hbm>> -> memref<1x640x128xf32, #tpu.memory_space<hbm>>
      %dma_start3A_16 = tpu.memref_squeeze %dma_start3A_15 : memref<1x640x128xf32, #tpu.memory_space<hbm>> -> memref<640x128xf32, #tpu.memory_space<hbm>>
      %dma_start3A_17 = arith.constant 0 : i32
      %dma_start3A_18 = tpu.memref_slice %arg10[%mul3A_12, %dma_start3A_17] : memref<10240x128xf32, #tpu.memory_space<vmem_shared>> -> memref<640x128xf32, #tpu.memory_space<vmem_shared>>
      tpu.enqueue_dma source(%dma_start3A_18 : memref<640x128xf32, #tpu.memory_space<vmem_shared>>) target(%dma_start3A_16 : memref<640x128xf32, #tpu.memory_space<hbm>>) target_semaphore(%run_scoped3A : memref<!tpu.dma_semaphore, #tpu.memory_space<semaphore_mem>>)
      %dma_wait3A = arith.constant 0 : i32
      %dma_wait3A_19 = tpu.memref_slice %arg6[%arg0, %mul3A_14, %dma_wait3A] : memref<2x10240x128xf32, #tpu.memory_space<hbm>> -> memref<1x640x128xf32, #tpu.memory_space<hbm>>
      %dma_wait3A_20 = tpu.memref_squeeze %dma_wait3A_19 : memref<1x640x128xf32, #tpu.memory_space<hbm>> -> memref<640x128xf32, #tpu.memory_space<hbm>>
      %dma_wait3A_21 = arith.constant 0 : i32
      %dma_wait3A_22 = tpu.memref_slice %arg10[%mul3A_12, %dma_wait3A_21] : memref<10240x128xf32, #tpu.memory_space<vmem_shared>> -> memref<640x128xf32, #tpu.memory_space<vmem_shared>>
      tpu.wait_dma2 semaphore(%run_scoped3A : memref<!tpu.dma_semaphore, #tpu.memory_space<semaphore_mem>>) src(%dma_wait3A_22 : memref<640x128xf32, #tpu.memory_space<vmem_shared>>) dst(%dma_wait3A_20 : memref<640x128xf32, #tpu.memory_space<hbm>>)
      tpu.yield
    }) : () -> ()
    return
  }
}

#map = affine_map<(d0, d1) -> (0, 0)>
#map1 = affine_map<(d0, d1) -> (0, 0, 0)>
module attributes {stable_mosaic.version = 14 : i64} {
  func.func @_round_body(%arg0: i32, %arg1: i32, %arg2: memref<10240x128xf32, #tpu.memory_space<hbm>>, %arg3: memref<32x79x128xi32, #tpu.memory_space<hbm>>, %arg4: memref<32x79x128xi32, #tpu.memory_space<hbm>>, %arg5: memref<10240x128xf32, #tpu.memory_space<hbm>>, %arg6: memref<2x10240x128xf32, #tpu.memory_space<hbm>>, %arg7: memref<79x128xi32, #tpu.memory_space<vmem>>, %arg8: memref<79x128xi32, #tpu.memory_space<vmem>>, %arg9: memref<128x128xf32, #tpu.memory_space<vmem>>, %arg10: memref<10240x128xf32, #tpu.memory_space<vmem_shared>>, %arg11: memref<!tpu.dma_semaphore, #tpu.memory_space<semaphore_mem>>) attributes {dimension_semantics = [#tpu.dimension_semantics<core_parallel>, #tpu.dimension_semantics<subcore_parallel>], iteration_bounds = array<i64: 2, 16>, scalar_prefetch = 0 : i64, scratch_operands = 5 : i64, tpu.core_type = #tpu.core_type<sc_vector_subcore>, window_params = [{transform_indices = #map}, {transform_indices = #map1}, {transform_indices = #map1}, {transform_indices = #map}, {transform_indices = #map1}]} {
    %mul3A = arith.constant 16 : i32
    %mul3A_0 = arith.muli %arg0, %mul3A : i32
    %add3A = arith.addi %mul3A_0, %arg1 : i32
    %mul3A_1 = arith.constant 640 : i32
    %mul3A_2 = arith.muli %arg1, %mul3A_1 : i32
    %mul3A_3 = arith.constant 640 : i32
    %mul3A_4 = arith.muli %arg1, %mul3A_3 : i32
    "tpu.region"() ({
      %run_scoped3A = tpu.sem_alloc : memref<!tpu.dma_semaphore, #tpu.memory_space<semaphore_mem>>
      %dma_start3A = arith.constant 0 : i32
      %dma_start3A_15 = tpu.memref_slice %arg10[%mul3A_4, %dma_start3A] : memref<10240x128xf32, #tpu.memory_space<vmem_shared>> -> memref<640x128xf32, #tpu.memory_space<vmem_shared>>
      %dma_start3A_16 = arith.constant 0 : i32
      %dma_start3A_17 = tpu.memref_slice %arg5[%mul3A_2, %dma_start3A_16] : memref<10240x128xf32, #tpu.memory_space<hbm>> -> memref<640x128xf32, #tpu.memory_space<hbm>>
      tpu.enqueue_dma source(%dma_start3A_17 : memref<640x128xf32, #tpu.memory_space<hbm>>) target(%dma_start3A_15 : memref<640x128xf32, #tpu.memory_space<vmem_shared>>) target_semaphore(%run_scoped3A : memref<!tpu.dma_semaphore, #tpu.memory_space<semaphore_mem>>)
      %dma_wait3A = arith.constant 0 : i32
      %dma_wait3A_18 = tpu.memref_slice %arg10[%mul3A_4, %dma_wait3A] : memref<10240x128xf32, #tpu.memory_space<vmem_shared>> -> memref<640x128xf32, #tpu.memory_space<vmem_shared>>
      %dma_wait3A_19 = arith.constant 0 : i32
      %dma_wait3A_20 = tpu.memref_slice %arg5[%mul3A_2, %dma_wait3A_19] : memref<10240x128xf32, #tpu.memory_space<hbm>> -> memref<640x128xf32, #tpu.memory_space<hbm>>
      tpu.wait_dma2 semaphore(%run_scoped3A : memref<!tpu.dma_semaphore, #tpu.memory_space<semaphore_mem>>) src(%dma_wait3A_20 : memref<640x128xf32, #tpu.memory_space<hbm>>) dst(%dma_wait3A_18 : memref<640x128xf32, #tpu.memory_space<vmem_shared>>)
      tpu.yield
    }) : () -> ()
    %barrier3A = arith.constant 0 : index
    tpu.barrier barrier_id(%barrier3A)
    "tpu.region"() ({
      %run_scoped3A = tpu.sem_alloc : memref<!tpu.dma_semaphore, #tpu.memory_space<semaphore_mem>>
      %dma_start3A = arith.constant 0 : i32
      %dma_start3A_15 = arith.constant 0 : i32
      %dma_start3A_16 = tpu.memref_slice %arg3[%add3A, %dma_start3A, %dma_start3A_15] : memref<32x79x128xi32, #tpu.memory_space<hbm>> -> memref<1x79x128xi32, #tpu.memory_space<hbm>>
      %dma_start3A_17 = tpu.memref_squeeze %dma_start3A_16 : memref<1x79x128xi32, #tpu.memory_space<hbm>> -> memref<79x128xi32, #tpu.memory_space<hbm>>
      %dma_start3A_18 = arith.constant 0 : i32
      %dma_start3A_19 = arith.constant 0 : i32
      %dma_start3A_20 = tpu.memref_slice %arg3[%add3A, %dma_start3A_18, %dma_start3A_19] : memref<32x79x128xi32, #tpu.memory_space<hbm>> -> memref<1x79x128xi32, #tpu.memory_space<hbm>>
      %dma_start3A_21 = tpu.memref_squeeze %dma_start3A_20 : memref<1x79x128xi32, #tpu.memory_space<hbm>> -> memref<79x128xi32, #tpu.memory_space<hbm>>
      tpu.enqueue_dma source(%dma_start3A_21 : memref<79x128xi32, #tpu.memory_space<hbm>>) target(%arg7 : memref<79x128xi32, #tpu.memory_space<vmem>>) target_semaphore(%run_scoped3A : memref<!tpu.dma_semaphore, #tpu.memory_space<semaphore_mem>>)
      %dma_wait3A = arith.constant 0 : i32
      %dma_wait3A_22 = arith.constant 0 : i32
      %dma_wait3A_23 = tpu.memref_slice %arg3[%add3A, %dma_wait3A, %dma_wait3A_22] : memref<32x79x128xi32, #tpu.memory_space<hbm>> -> memref<1x79x128xi32, #tpu.memory_space<hbm>>
      %dma_wait3A_24 = tpu.memref_squeeze %dma_wait3A_23 : memref<1x79x128xi32, #tpu.memory_space<hbm>> -> memref<79x128xi32, #tpu.memory_space<hbm>>
      %dma_wait3A_25 = arith.constant 0 : i32
      %dma_wait3A_26 = arith.constant 0 : i32
      %dma_wait3A_27 = tpu.memref_slice %arg3[%add3A, %dma_wait3A_25, %dma_wait3A_26] : memref<32x79x128xi32, #tpu.memory_space<hbm>> -> memref<1x79x128xi32, #tpu.memory_space<hbm>>
      %dma_wait3A_28 = tpu.memref_squeeze %dma_wait3A_27 : memref<1x79x128xi32, #tpu.memory_space<hbm>> -> memref<79x128xi32, #tpu.memory_space<hbm>>
      tpu.wait_dma2 semaphore(%run_scoped3A : memref<!tpu.dma_semaphore, #tpu.memory_space<semaphore_mem>>) src(%dma_wait3A_28 : memref<79x128xi32, #tpu.memory_space<hbm>>) dst(%arg7 : memref<79x128xi32, #tpu.memory_space<vmem>>)
      tpu.yield
    }) : () -> ()
    "tpu.region"() ({
      %run_scoped3A = tpu.sem_alloc : memref<!tpu.dma_semaphore, #tpu.memory_space<semaphore_mem>>
      %dma_start3A = arith.constant 0 : i32
      %dma_start3A_15 = arith.constant 0 : i32
      %dma_start3A_16 = tpu.memref_slice %arg4[%add3A, %dma_start3A, %dma_start3A_15] : memref<32x79x128xi32, #tpu.memory_space<hbm>> -> memref<1x79x128xi32, #tpu.memory_space<hbm>>
      %dma_start3A_17 = tpu.memref_squeeze %dma_start3A_16 : memref<1x79x128xi32, #tpu.memory_space<hbm>> -> memref<79x128xi32, #tpu.memory_space<hbm>>
      %dma_start3A_18 = arith.constant 0 : i32
      %dma_start3A_19 = arith.constant 0 : i32
      %dma_start3A_20 = tpu.memref_slice %arg4[%add3A, %dma_start3A_18, %dma_start3A_19] : memref<32x79x128xi32, #tpu.memory_space<hbm>> -> memref<1x79x128xi32, #tpu.memory_space<hbm>>
      %dma_start3A_21 = tpu.memref_squeeze %dma_start3A_20 : memref<1x79x128xi32, #tpu.memory_space<hbm>> -> memref<79x128xi32, #tpu.memory_space<hbm>>
      tpu.enqueue_dma source(%dma_start3A_21 : memref<79x128xi32, #tpu.memory_space<hbm>>) target(%arg8 : memref<79x128xi32, #tpu.memory_space<vmem>>) target_semaphore(%run_scoped3A : memref<!tpu.dma_semaphore, #tpu.memory_space<semaphore_mem>>)
      %dma_wait3A = arith.constant 0 : i32
      %dma_wait3A_22 = arith.constant 0 : i32
      %dma_wait3A_23 = tpu.memref_slice %arg4[%add3A, %dma_wait3A, %dma_wait3A_22] : memref<32x79x128xi32, #tpu.memory_space<hbm>> -> memref<1x79x128xi32, #tpu.memory_space<hbm>>
      %dma_wait3A_24 = tpu.memref_squeeze %dma_wait3A_23 : memref<1x79x128xi32, #tpu.memory_space<hbm>> -> memref<79x128xi32, #tpu.memory_space<hbm>>
      %dma_wait3A_25 = arith.constant 0 : i32
      %dma_wait3A_26 = arith.constant 0 : i32
      %dma_wait3A_27 = tpu.memref_slice %arg4[%add3A, %dma_wait3A_25, %dma_wait3A_26] : memref<32x79x128xi32, #tpu.memory_space<hbm>> -> memref<1x79x128xi32, #tpu.memory_space<hbm>>
      %dma_wait3A_28 = tpu.memref_squeeze %dma_wait3A_27 : memref<1x79x128xi32, #tpu.memory_space<hbm>> -> memref<79x128xi32, #tpu.memory_space<hbm>>
      tpu.wait_dma2 semaphore(%run_scoped3A : memref<!tpu.dma_semaphore, #tpu.memory_space<semaphore_mem>>) src(%dma_wait3A_28 : memref<79x128xi32, #tpu.memory_space<hbm>>) dst(%arg8 : memref<79x128xi32, #tpu.memory_space<vmem>>)
      tpu.yield
    }) : () -> ()
    %scan3A = arith.constant 0 : i32
    %scan3A_5 = arith.constant 0 : i32
    %scan3A_6 = arith.constant 79 : i32
    %scan3A_7 = arith.addi %scan3A_5, %scan3A_6 : i32
    %scan3A_8 = arith.constant 1 : i32
    scf.for %scan3A_15 = %scan3A_5 to %scan3A_7 step %scan3A_8  : i32 {
      %dma_start3A = arith.constant 0 : i32
      %dma_start3A_16 = tpu.memref_slice %arg7[%scan3A_15, %dma_start3A] : memref<79x128xi32, #tpu.memory_space<vmem>> -> memref<1x128xi32, #tpu.memory_space<vmem>>
      %dma_start3A_17 = tpu.memref_squeeze %dma_start3A_16 : memref<1x128xi32, #tpu.memory_space<vmem>> -> memref<128xi32, #tpu.memory_space<vmem>>
      %dma_start3A_18 = arith.constant 0 : i32
      %dma_start3A_19 = arith.constant 0 : i32
      %dma_start3A_20 = tpu.memref_slice %arg2[%dma_start3A_18, %dma_start3A_19] : memref<10240x128xf32, #tpu.memory_space<hbm>> -> memref<10240x128xf32, #tpu.memory_space<hbm>>
      tpu.enqueue_indirect_dma source(%dma_start3A_20 : memref<10240x128xf32, #tpu.memory_space<hbm>>) target(%arg9 : memref<128x128xf32, #tpu.memory_space<vmem>>) offsets(%dma_start3A_17 : memref<128xi32, #tpu.memory_space<vmem>>) semaphore(%arg11 : memref<!tpu.dma_semaphore, #tpu.memory_space<semaphore_mem>>)
      %dma_wait3A = arith.constant 0 : i32
      %dma_wait3A_21 = tpu.memref_slice %arg7[%scan3A_15, %dma_wait3A] : memref<79x128xi32, #tpu.memory_space<vmem>> -> memref<1x128xi32, #tpu.memory_space<vmem>>
      %dma_wait3A_22 = tpu.memref_squeeze %dma_wait3A_21 : memref<1x128xi32, #tpu.memory_space<vmem>> -> memref<128xi32, #tpu.memory_space<vmem>>
      %dma_wait3A_23 = arith.constant 0 : i32
      %dma_wait3A_24 = arith.constant 0 : i32
      %dma_wait3A_25 = tpu.memref_slice %arg2[%dma_wait3A_23, %dma_wait3A_24] : memref<10240x128xf32, #tpu.memory_space<hbm>> -> memref<10240x128xf32, #tpu.memory_space<hbm>>
      tpu.wait_indirect_dma semaphore(%arg11 : memref<!tpu.dma_semaphore, #tpu.memory_space<semaphore_mem>>) src(%dma_wait3A_25 : memref<10240x128xf32, #tpu.memory_space<hbm>>) dst(%arg9 : memref<128x128xf32, #tpu.memory_space<vmem>>)
      "tpu.region"() ({
        %run_scoped3A = tpu.sem_alloc : memref<!tpu.dma_semaphore, #tpu.memory_space<semaphore_mem>>
        %dma_start3A_26 = arith.constant 0 : i32
        %dma_start3A_27 = tpu.memref_slice %arg8[%scan3A_15, %dma_start3A_26] : memref<79x128xi32, #tpu.memory_space<vmem>> -> memref<1x128xi32, #tpu.memory_space<vmem>>
        %dma_start3A_28 = tpu.memref_squeeze %dma_start3A_27 : memref<1x128xi32, #tpu.memory_space<vmem>> -> memref<128xi32, #tpu.memory_space<vmem>>
        %dma_start3A_29 = arith.constant 0 : i32
        %dma_start3A_30 = arith.constant 0 : i32
        %dma_start3A_31 = tpu.memref_slice %arg10[%dma_start3A_29, %dma_start3A_30] : memref<10240x128xf32, #tpu.memory_space<vmem_shared>> -> memref<10240x128xf32, #tpu.memory_space<vmem_shared>>
        tpu.enqueue_indirect_dma source(%arg9 : memref<128x128xf32, #tpu.memory_space<vmem>>) target(%dma_start3A_31 : memref<10240x128xf32, #tpu.memory_space<vmem_shared>>) offsets(%dma_start3A_28 : memref<128xi32, #tpu.memory_space<vmem>>) semaphore(%run_scoped3A : memref<!tpu.dma_semaphore, #tpu.memory_space<semaphore_mem>>) {add = true}
        %dma_wait3A_32 = arith.constant 0 : i32
        %dma_wait3A_33 = tpu.memref_slice %arg8[%scan3A_15, %dma_wait3A_32] : memref<79x128xi32, #tpu.memory_space<vmem>> -> memref<1x128xi32, #tpu.memory_space<vmem>>
        %dma_wait3A_34 = tpu.memref_squeeze %dma_wait3A_33 : memref<1x128xi32, #tpu.memory_space<vmem>> -> memref<128xi32, #tpu.memory_space<vmem>>
        %dma_wait3A_35 = arith.constant 0 : i32
        %dma_wait3A_36 = arith.constant 0 : i32
        %dma_wait3A_37 = tpu.memref_slice %arg10[%dma_wait3A_35, %dma_wait3A_36] : memref<10240x128xf32, #tpu.memory_space<vmem_shared>> -> memref<10240x128xf32, #tpu.memory_space<vmem_shared>>
        tpu.wait_indirect_dma semaphore(%run_scoped3A : memref<!tpu.dma_semaphore, #tpu.memory_space<semaphore_mem>>) src(%arg9 : memref<128x128xf32, #tpu.memory_space<vmem>>) dst(%dma_wait3A_37 : memref<10240x128xf32, #tpu.memory_space<vmem_shared>>)
        tpu.yield
      }) : () -> ()
    }
    %scan3A_9 = arith.constant 79 : i32
    %barrier3A_10 = arith.constant 0 : index
    tpu.barrier barrier_id(%barrier3A_10)
    %mul3A_11 = arith.constant 640 : i32
    %mul3A_12 = arith.muli %arg1, %mul3A_11 : i32
    %mul3A_13 = arith.constant 640 : i32
    %mul3A_14 = arith.muli %arg1, %mul3A_13 : i32
    "tpu.region"() ({
      %run_scoped3A = tpu.sem_alloc : memref<!tpu.dma_semaphore, #tpu.memory_space<semaphore_mem>>
      %dma_start3A = arith.constant 0 : i32
      %dma_start3A_15 = tpu.memref_slice %arg6[%arg0, %mul3A_14, %dma_start3A] : memref<2x10240x128xf32, #tpu.memory_space<hbm>> -> memref<1x640x128xf32, #tpu.memory_space<hbm>>
      %dma_start3A_16 = tpu.memref_squeeze %dma_start3A_15 : memref<1x640x128xf32, #tpu.memory_space<hbm>> -> memref<640x128xf32, #tpu.memory_space<hbm>>
      %dma_start3A_17 = arith.constant 0 : i32
      %dma_start3A_18 = tpu.memref_slice %arg10[%mul3A_12, %dma_start3A_17] : memref<10240x128xf32, #tpu.memory_space<vmem_shared>> -> memref<640x128xf32, #tpu.memory_space<vmem_shared>>
      tpu.enqueue_dma source(%dma_start3A_18 : memref<640x128xf32, #tpu.memory_space<vmem_shared>>) target(%dma_start3A_16 : memref<640x128xf32, #tpu.memory_space<hbm>>) target_semaphore(%run_scoped3A : memref<!tpu.dma_semaphore, #tpu.memory_space<semaphore_mem>>)
      %dma_wait3A = arith.constant 0 : i32
      %dma_wait3A_19 = tpu.memref_slice %arg6[%arg0, %mul3A_14, %dma_wait3A] : memref<2x10240x128xf32, #tpu.memory_space<hbm>> -> memref<1x640x128xf32, #tpu.memory_space<hbm>>
      %dma_wait3A_20 = tpu.memref_squeeze %dma_wait3A_19 : memref<1x640x128xf32, #tpu.memory_space<hbm>> -> memref<640x128xf32, #tpu.memory_space<hbm>>
      %dma_wait3A_21 = arith.constant 0 : i32
      %dma_wait3A_22 = tpu.memref_slice %arg10[%mul3A_12, %dma_wait3A_21] : memref<10240x128xf32, #tpu.memory_space<vmem_shared>> -> memref<640x128xf32, #tpu.memory_space<vmem_shared>>
      tpu.wait_dma2 semaphore(%run_scoped3A : memref<!tpu.dma_semaphore, #tpu.memory_space<semaphore_mem>>) src(%dma_wait3A_22 : memref<640x128xf32, #tpu.memory_space<vmem_shared>>) dst(%dma_wait3A_20 : memref<640x128xf32, #tpu.memory_space<hbm>>)
      tpu.yield
    }) : () -> ()
    return
  }
}

#map = affine_map<(d0, d1) -> (0, 0)>
#map1 = affine_map<(d0, d1) -> (0, 0, 0)>
module attributes {stable_mosaic.version = 14 : i64} {
  func.func @_round_body(%arg0: i32, %arg1: i32, %arg2: memref<10240x128xf32, #tpu.memory_space<hbm>>, %arg3: memref<32x79x128xi32, #tpu.memory_space<hbm>>, %arg4: memref<32x79x128xi32, #tpu.memory_space<hbm>>, %arg5: memref<10240x128xf32, #tpu.memory_space<hbm>>, %arg6: memref<2x10240x128xf32, #tpu.memory_space<hbm>>, %arg7: memref<79x128xi32, #tpu.memory_space<vmem>>, %arg8: memref<79x128xi32, #tpu.memory_space<vmem>>, %arg9: memref<128x128xf32, #tpu.memory_space<vmem>>, %arg10: memref<10240x128xf32, #tpu.memory_space<vmem_shared>>, %arg11: memref<!tpu.dma_semaphore, #tpu.memory_space<semaphore_mem>>) attributes {dimension_semantics = [#tpu.dimension_semantics<core_parallel>, #tpu.dimension_semantics<subcore_parallel>], iteration_bounds = array<i64: 2, 16>, scalar_prefetch = 0 : i64, scratch_operands = 5 : i64, tpu.core_type = #tpu.core_type<sc_vector_subcore>, window_params = [{transform_indices = #map}, {transform_indices = #map1}, {transform_indices = #map1}, {transform_indices = #map}, {transform_indices = #map1}]} {
    %mul3A = arith.constant 16 : i32
    %mul3A_0 = arith.muli %arg0, %mul3A : i32
    %add3A = arith.addi %mul3A_0, %arg1 : i32
    %mul3A_1 = arith.constant 640 : i32
    %mul3A_2 = arith.muli %arg1, %mul3A_1 : i32
    %mul3A_3 = arith.constant 640 : i32
    %mul3A_4 = arith.muli %arg1, %mul3A_3 : i32
    "tpu.region"() ({
      %run_scoped3A = tpu.sem_alloc : memref<!tpu.dma_semaphore, #tpu.memory_space<semaphore_mem>>
      %dma_start3A = arith.constant 0 : i32
      %dma_start3A_15 = tpu.memref_slice %arg10[%mul3A_4, %dma_start3A] : memref<10240x128xf32, #tpu.memory_space<vmem_shared>> -> memref<640x128xf32, #tpu.memory_space<vmem_shared>>
      %dma_start3A_16 = arith.constant 0 : i32
      %dma_start3A_17 = tpu.memref_slice %arg5[%mul3A_2, %dma_start3A_16] : memref<10240x128xf32, #tpu.memory_space<hbm>> -> memref<640x128xf32, #tpu.memory_space<hbm>>
      tpu.enqueue_dma source(%dma_start3A_17 : memref<640x128xf32, #tpu.memory_space<hbm>>) target(%dma_start3A_15 : memref<640x128xf32, #tpu.memory_space<vmem_shared>>) target_semaphore(%run_scoped3A : memref<!tpu.dma_semaphore, #tpu.memory_space<semaphore_mem>>)
      %dma_wait3A = arith.constant 0 : i32
      %dma_wait3A_18 = tpu.memref_slice %arg10[%mul3A_4, %dma_wait3A] : memref<10240x128xf32, #tpu.memory_space<vmem_shared>> -> memref<640x128xf32, #tpu.memory_space<vmem_shared>>
      %dma_wait3A_19 = arith.constant 0 : i32
      %dma_wait3A_20 = tpu.memref_slice %arg5[%mul3A_2, %dma_wait3A_19] : memref<10240x128xf32, #tpu.memory_space<hbm>> -> memref<640x128xf32, #tpu.memory_space<hbm>>
      tpu.wait_dma2 semaphore(%run_scoped3A : memref<!tpu.dma_semaphore, #tpu.memory_space<semaphore_mem>>) src(%dma_wait3A_20 : memref<640x128xf32, #tpu.memory_space<hbm>>) dst(%dma_wait3A_18 : memref<640x128xf32, #tpu.memory_space<vmem_shared>>)
      tpu.yield
    }) : () -> ()
    %barrier3A = arith.constant 0 : index
    tpu.barrier barrier_id(%barrier3A)
    "tpu.region"() ({
      %run_scoped3A = tpu.sem_alloc : memref<!tpu.dma_semaphore, #tpu.memory_space<semaphore_mem>>
      %dma_start3A = arith.constant 0 : i32
      %dma_start3A_15 = arith.constant 0 : i32
      %dma_start3A_16 = tpu.memref_slice %arg3[%add3A, %dma_start3A, %dma_start3A_15] : memref<32x79x128xi32, #tpu.memory_space<hbm>> -> memref<1x79x128xi32, #tpu.memory_space<hbm>>
      %dma_start3A_17 = tpu.memref_squeeze %dma_start3A_16 : memref<1x79x128xi32, #tpu.memory_space<hbm>> -> memref<79x128xi32, #tpu.memory_space<hbm>>
      %dma_start3A_18 = arith.constant 0 : i32
      %dma_start3A_19 = arith.constant 0 : i32
      %dma_start3A_20 = tpu.memref_slice %arg3[%add3A, %dma_start3A_18, %dma_start3A_19] : memref<32x79x128xi32, #tpu.memory_space<hbm>> -> memref<1x79x128xi32, #tpu.memory_space<hbm>>
      %dma_start3A_21 = tpu.memref_squeeze %dma_start3A_20 : memref<1x79x128xi32, #tpu.memory_space<hbm>> -> memref<79x128xi32, #tpu.memory_space<hbm>>
      tpu.enqueue_dma source(%dma_start3A_21 : memref<79x128xi32, #tpu.memory_space<hbm>>) target(%arg7 : memref<79x128xi32, #tpu.memory_space<vmem>>) target_semaphore(%run_scoped3A : memref<!tpu.dma_semaphore, #tpu.memory_space<semaphore_mem>>)
      %dma_wait3A = arith.constant 0 : i32
      %dma_wait3A_22 = arith.constant 0 : i32
      %dma_wait3A_23 = tpu.memref_slice %arg3[%add3A, %dma_wait3A, %dma_wait3A_22] : memref<32x79x128xi32, #tpu.memory_space<hbm>> -> memref<1x79x128xi32, #tpu.memory_space<hbm>>
      %dma_wait3A_24 = tpu.memref_squeeze %dma_wait3A_23 : memref<1x79x128xi32, #tpu.memory_space<hbm>> -> memref<79x128xi32, #tpu.memory_space<hbm>>
      %dma_wait3A_25 = arith.constant 0 : i32
      %dma_wait3A_26 = arith.constant 0 : i32
      %dma_wait3A_27 = tpu.memref_slice %arg3[%add3A, %dma_wait3A_25, %dma_wait3A_26] : memref<32x79x128xi32, #tpu.memory_space<hbm>> -> memref<1x79x128xi32, #tpu.memory_space<hbm>>
      %dma_wait3A_28 = tpu.memref_squeeze %dma_wait3A_27 : memref<1x79x128xi32, #tpu.memory_space<hbm>> -> memref<79x128xi32, #tpu.memory_space<hbm>>
      tpu.wait_dma2 semaphore(%run_scoped3A : memref<!tpu.dma_semaphore, #tpu.memory_space<semaphore_mem>>) src(%dma_wait3A_28 : memref<79x128xi32, #tpu.memory_space<hbm>>) dst(%arg7 : memref<79x128xi32, #tpu.memory_space<vmem>>)
      tpu.yield
    }) : () -> ()
    "tpu.region"() ({
      %run_scoped3A = tpu.sem_alloc : memref<!tpu.dma_semaphore, #tpu.memory_space<semaphore_mem>>
      %dma_start3A = arith.constant 0 : i32
      %dma_start3A_15 = arith.constant 0 : i32
      %dma_start3A_16 = tpu.memref_slice %arg4[%add3A, %dma_start3A, %dma_start3A_15] : memref<32x79x128xi32, #tpu.memory_space<hbm>> -> memref<1x79x128xi32, #tpu.memory_space<hbm>>
      %dma_start3A_17 = tpu.memref_squeeze %dma_start3A_16 : memref<1x79x128xi32, #tpu.memory_space<hbm>> -> memref<79x128xi32, #tpu.memory_space<hbm>>
      %dma_start3A_18 = arith.constant 0 : i32
      %dma_start3A_19 = arith.constant 0 : i32
      %dma_start3A_20 = tpu.memref_slice %arg4[%add3A, %dma_start3A_18, %dma_start3A_19] : memref<32x79x128xi32, #tpu.memory_space<hbm>> -> memref<1x79x128xi32, #tpu.memory_space<hbm>>
      %dma_start3A_21 = tpu.memref_squeeze %dma_start3A_20 : memref<1x79x128xi32, #tpu.memory_space<hbm>> -> memref<79x128xi32, #tpu.memory_space<hbm>>
      tpu.enqueue_dma source(%dma_start3A_21 : memref<79x128xi32, #tpu.memory_space<hbm>>) target(%arg8 : memref<79x128xi32, #tpu.memory_space<vmem>>) target_semaphore(%run_scoped3A : memref<!tpu.dma_semaphore, #tpu.memory_space<semaphore_mem>>)
      %dma_wait3A = arith.constant 0 : i32
      %dma_wait3A_22 = arith.constant 0 : i32
      %dma_wait3A_23 = tpu.memref_slice %arg4[%add3A, %dma_wait3A, %dma_wait3A_22] : memref<32x79x128xi32, #tpu.memory_space<hbm>> -> memref<1x79x128xi32, #tpu.memory_space<hbm>>
      %dma_wait3A_24 = tpu.memref_squeeze %dma_wait3A_23 : memref<1x79x128xi32, #tpu.memory_space<hbm>> -> memref<79x128xi32, #tpu.memory_space<hbm>>
      %dma_wait3A_25 = arith.constant 0 : i32
      %dma_wait3A_26 = arith.constant 0 : i32
      %dma_wait3A_27 = tpu.memref_slice %arg4[%add3A, %dma_wait3A_25, %dma_wait3A_26] : memref<32x79x128xi32, #tpu.memory_space<hbm>> -> memref<1x79x128xi32, #tpu.memory_space<hbm>>
      %dma_wait3A_28 = tpu.memref_squeeze %dma_wait3A_27 : memref<1x79x128xi32, #tpu.memory_space<hbm>> -> memref<79x128xi32, #tpu.memory_space<hbm>>
      tpu.wait_dma2 semaphore(%run_scoped3A : memref<!tpu.dma_semaphore, #tpu.memory_space<semaphore_mem>>) src(%dma_wait3A_28 : memref<79x128xi32, #tpu.memory_space<hbm>>) dst(%arg8 : memref<79x128xi32, #tpu.memory_space<vmem>>)
      tpu.yield
    }) : () -> ()
    %scan3A = arith.constant 0 : i32
    %scan3A_5 = arith.constant 0 : i32
    %scan3A_6 = arith.constant 79 : i32
    %scan3A_7 = arith.addi %scan3A_5, %scan3A_6 : i32
    %scan3A_8 = arith.constant 1 : i32
    scf.for %scan3A_15 = %scan3A_5 to %scan3A_7 step %scan3A_8  : i32 {
      %dma_start3A = arith.constant 0 : i32
      %dma_start3A_16 = tpu.memref_slice %arg7[%scan3A_15, %dma_start3A] : memref<79x128xi32, #tpu.memory_space<vmem>> -> memref<1x128xi32, #tpu.memory_space<vmem>>
      %dma_start3A_17 = tpu.memref_squeeze %dma_start3A_16 : memref<1x128xi32, #tpu.memory_space<vmem>> -> memref<128xi32, #tpu.memory_space<vmem>>
      %dma_start3A_18 = arith.constant 0 : i32
      %dma_start3A_19 = arith.constant 0 : i32
      %dma_start3A_20 = tpu.memref_slice %arg2[%dma_start3A_18, %dma_start3A_19] : memref<10240x128xf32, #tpu.memory_space<hbm>> -> memref<10240x128xf32, #tpu.memory_space<hbm>>
      tpu.enqueue_indirect_dma source(%dma_start3A_20 : memref<10240x128xf32, #tpu.memory_space<hbm>>) target(%arg9 : memref<128x128xf32, #tpu.memory_space<vmem>>) offsets(%dma_start3A_17 : memref<128xi32, #tpu.memory_space<vmem>>) semaphore(%arg11 : memref<!tpu.dma_semaphore, #tpu.memory_space<semaphore_mem>>)
      %dma_wait3A = arith.constant 0 : i32
      %dma_wait3A_21 = tpu.memref_slice %arg7[%scan3A_15, %dma_wait3A] : memref<79x128xi32, #tpu.memory_space<vmem>> -> memref<1x128xi32, #tpu.memory_space<vmem>>
      %dma_wait3A_22 = tpu.memref_squeeze %dma_wait3A_21 : memref<1x128xi32, #tpu.memory_space<vmem>> -> memref<128xi32, #tpu.memory_space<vmem>>
      %dma_wait3A_23 = arith.constant 0 : i32
      %dma_wait3A_24 = arith.constant 0 : i32
      %dma_wait3A_25 = tpu.memref_slice %arg2[%dma_wait3A_23, %dma_wait3A_24] : memref<10240x128xf32, #tpu.memory_space<hbm>> -> memref<10240x128xf32, #tpu.memory_space<hbm>>
      tpu.wait_indirect_dma semaphore(%arg11 : memref<!tpu.dma_semaphore, #tpu.memory_space<semaphore_mem>>) src(%dma_wait3A_25 : memref<10240x128xf32, #tpu.memory_space<hbm>>) dst(%arg9 : memref<128x128xf32, #tpu.memory_space<vmem>>)
      "tpu.region"() ({
        %run_scoped3A = tpu.sem_alloc : memref<!tpu.dma_semaphore, #tpu.memory_space<semaphore_mem>>
        %dma_start3A_26 = arith.constant 0 : i32
        %dma_start3A_27 = tpu.memref_slice %arg8[%scan3A_15, %dma_start3A_26] : memref<79x128xi32, #tpu.memory_space<vmem>> -> memref<1x128xi32, #tpu.memory_space<vmem>>
        %dma_start3A_28 = tpu.memref_squeeze %dma_start3A_27 : memref<1x128xi32, #tpu.memory_space<vmem>> -> memref<128xi32, #tpu.memory_space<vmem>>
        %dma_start3A_29 = arith.constant 0 : i32
        %dma_start3A_30 = arith.constant 0 : i32
        %dma_start3A_31 = tpu.memref_slice %arg10[%dma_start3A_29, %dma_start3A_30] : memref<10240x128xf32, #tpu.memory_space<vmem_shared>> -> memref<10240x128xf32, #tpu.memory_space<vmem_shared>>
        tpu.enqueue_indirect_dma source(%arg9 : memref<128x128xf32, #tpu.memory_space<vmem>>) target(%dma_start3A_31 : memref<10240x128xf32, #tpu.memory_space<vmem_shared>>) offsets(%dma_start3A_28 : memref<128xi32, #tpu.memory_space<vmem>>) semaphore(%run_scoped3A : memref<!tpu.dma_semaphore, #tpu.memory_space<semaphore_mem>>) {add = true}
        %dma_wait3A_32 = arith.constant 0 : i32
        %dma_wait3A_33 = tpu.memref_slice %arg8[%scan3A_15, %dma_wait3A_32] : memref<79x128xi32, #tpu.memory_space<vmem>> -> memref<1x128xi32, #tpu.memory_space<vmem>>
        %dma_wait3A_34 = tpu.memref_squeeze %dma_wait3A_33 : memref<1x128xi32, #tpu.memory_space<vmem>> -> memref<128xi32, #tpu.memory_space<vmem>>
        %dma_wait3A_35 = arith.constant 0 : i32
        %dma_wait3A_36 = arith.constant 0 : i32
        %dma_wait3A_37 = tpu.memref_slice %arg10[%dma_wait3A_35, %dma_wait3A_36] : memref<10240x128xf32, #tpu.memory_space<vmem_shared>> -> memref<10240x128xf32, #tpu.memory_space<vmem_shared>>
        tpu.wait_indirect_dma semaphore(%run_scoped3A : memref<!tpu.dma_semaphore, #tpu.memory_space<semaphore_mem>>) src(%arg9 : memref<128x128xf32, #tpu.memory_space<vmem>>) dst(%dma_wait3A_37 : memref<10240x128xf32, #tpu.memory_space<vmem_shared>>)
        tpu.yield
      }) : () -> ()
    }
    %scan3A_9 = arith.constant 79 : i32
    %barrier3A_10 = arith.constant 0 : index
    tpu.barrier barrier_id(%barrier3A_10)
    %mul3A_11 = arith.constant 640 : i32
    %mul3A_12 = arith.muli %arg1, %mul3A_11 : i32
    %mul3A_13 = arith.constant 640 : i32
    %mul3A_14 = arith.muli %arg1, %mul3A_13 : i32
    "tpu.region"() ({
      %run_scoped3A = tpu.sem_alloc : memref<!tpu.dma_semaphore, #tpu.memory_space<semaphore_mem>>
      %dma_start3A = arith.constant 0 : i32
      %dma_start3A_15 = tpu.memref_slice %arg6[%arg0, %mul3A_14, %dma_start3A] : memref<2x10240x128xf32, #tpu.memory_space<hbm>> -> memref<1x640x128xf32, #tpu.memory_space<hbm>>
      %dma_start3A_16 = tpu.memref_squeeze %dma_start3A_15 : memref<1x640x128xf32, #tpu.memory_space<hbm>> -> memref<640x128xf32, #tpu.memory_space<hbm>>
      %dma_start3A_17 = arith.constant 0 : i32
      %dma_start3A_18 = tpu.memref_slice %arg10[%mul3A_12, %dma_start3A_17] : memref<10240x128xf32, #tpu.memory_space<vmem_shared>> -> memref<640x128xf32, #tpu.memory_space<vmem_shared>>
      tpu.enqueue_dma source(%dma_start3A_18 : memref<640x128xf32, #tpu.memory_space<vmem_shared>>) target(%dma_start3A_16 : memref<640x128xf32, #tpu.memory_space<hbm>>) target_semaphore(%run_scoped3A : memref<!tpu.dma_semaphore, #tpu.memory_space<semaphore_mem>>)
      %dma_wait3A = arith.constant 0 : i32
      %dma_wait3A_19 = tpu.memref_slice %arg6[%arg0, %mul3A_14, %dma_wait3A] : memref<2x10240x128xf32, #tpu.memory_space<hbm>> -> memref<1x640x128xf32, #tpu.memory_space<hbm>>
      %dma_wait3A_20 = tpu.memref_squeeze %dma_wait3A_19 : memref<1x640x128xf32, #tpu.memory_space<hbm>> -> memref<640x128xf32, #tpu.memory_space<hbm>>
      %dma_wait3A_21 = arith.constant 0 : i32
      %dma_wait3A_22 = tpu.memref_slice %arg10[%mul3A_12, %dma_wait3A_21] : memref<10240x128xf32, #tpu.memory_space<vmem_shared>> -> memref<640x128xf32, #tpu.memory_space<vmem_shared>>
      tpu.wait_dma2 semaphore(%run_scoped3A : memref<!tpu.dma_semaphore, #tpu.memory_space<semaphore_mem>>) src(%dma_wait3A_22 : memref<640x128xf32, #tpu.memory_space<vmem_shared>>) dst(%dma_wait3A_20 : memref<640x128xf32, #tpu.memory_space<hbm>>)
      tpu.yield
    }) : () -> ()
    return
  }
}

#map = affine_map<(d0, d1) -> (0, 0)>
#map1 = affine_map<(d0, d1) -> (0, 0, 0)>
module attributes {stable_mosaic.version = 14 : i64} {
  func.func @_round_body(%arg0: i32, %arg1: i32, %arg2: memref<10240x128xf32, #tpu.memory_space<hbm>>, %arg3: memref<32x79x128xi32, #tpu.memory_space<hbm>>, %arg4: memref<32x79x128xi32, #tpu.memory_space<hbm>>, %arg5: memref<10240x128xf32, #tpu.memory_space<hbm>>, %arg6: memref<2x10240x128xf32, #tpu.memory_space<hbm>>, %arg7: memref<79x128xi32, #tpu.memory_space<vmem>>, %arg8: memref<79x128xi32, #tpu.memory_space<vmem>>, %arg9: memref<128x128xf32, #tpu.memory_space<vmem>>, %arg10: memref<10240x128xf32, #tpu.memory_space<vmem_shared>>, %arg11: memref<!tpu.dma_semaphore, #tpu.memory_space<semaphore_mem>>) attributes {dimension_semantics = [#tpu.dimension_semantics<core_parallel>, #tpu.dimension_semantics<subcore_parallel>], iteration_bounds = array<i64: 2, 16>, scalar_prefetch = 0 : i64, scratch_operands = 5 : i64, tpu.core_type = #tpu.core_type<sc_vector_subcore>, window_params = [{transform_indices = #map}, {transform_indices = #map1}, {transform_indices = #map1}, {transform_indices = #map}, {transform_indices = #map1}]} {
    %mul3A = arith.constant 16 : i32
    %mul3A_0 = arith.muli %arg0, %mul3A : i32
    %add3A = arith.addi %mul3A_0, %arg1 : i32
    %mul3A_1 = arith.constant 640 : i32
    %mul3A_2 = arith.muli %arg1, %mul3A_1 : i32
    %mul3A_3 = arith.constant 640 : i32
    %mul3A_4 = arith.muli %arg1, %mul3A_3 : i32
    "tpu.region"() ({
      %run_scoped3A = tpu.sem_alloc : memref<!tpu.dma_semaphore, #tpu.memory_space<semaphore_mem>>
      %dma_start3A = arith.constant 0 : i32
      %dma_start3A_15 = tpu.memref_slice %arg10[%mul3A_4, %dma_start3A] : memref<10240x128xf32, #tpu.memory_space<vmem_shared>> -> memref<640x128xf32, #tpu.memory_space<vmem_shared>>
      %dma_start3A_16 = arith.constant 0 : i32
      %dma_start3A_17 = tpu.memref_slice %arg5[%mul3A_2, %dma_start3A_16] : memref<10240x128xf32, #tpu.memory_space<hbm>> -> memref<640x128xf32, #tpu.memory_space<hbm>>
      tpu.enqueue_dma source(%dma_start3A_17 : memref<640x128xf32, #tpu.memory_space<hbm>>) target(%dma_start3A_15 : memref<640x128xf32, #tpu.memory_space<vmem_shared>>) target_semaphore(%run_scoped3A : memref<!tpu.dma_semaphore, #tpu.memory_space<semaphore_mem>>)
      %dma_wait3A = arith.constant 0 : i32
      %dma_wait3A_18 = tpu.memref_slice %arg10[%mul3A_4, %dma_wait3A] : memref<10240x128xf32, #tpu.memory_space<vmem_shared>> -> memref<640x128xf32, #tpu.memory_space<vmem_shared>>
      %dma_wait3A_19 = arith.constant 0 : i32
      %dma_wait3A_20 = tpu.memref_slice %arg5[%mul3A_2, %dma_wait3A_19] : memref<10240x128xf32, #tpu.memory_space<hbm>> -> memref<640x128xf32, #tpu.memory_space<hbm>>
      tpu.wait_dma2 semaphore(%run_scoped3A : memref<!tpu.dma_semaphore, #tpu.memory_space<semaphore_mem>>) src(%dma_wait3A_20 : memref<640x128xf32, #tpu.memory_space<hbm>>) dst(%dma_wait3A_18 : memref<640x128xf32, #tpu.memory_space<vmem_shared>>)
      tpu.yield
    }) : () -> ()
    %barrier3A = arith.constant 0 : index
    tpu.barrier barrier_id(%barrier3A)
    "tpu.region"() ({
      %run_scoped3A = tpu.sem_alloc : memref<!tpu.dma_semaphore, #tpu.memory_space<semaphore_mem>>
      %dma_start3A = arith.constant 0 : i32
      %dma_start3A_15 = arith.constant 0 : i32
      %dma_start3A_16 = tpu.memref_slice %arg3[%add3A, %dma_start3A, %dma_start3A_15] : memref<32x79x128xi32, #tpu.memory_space<hbm>> -> memref<1x79x128xi32, #tpu.memory_space<hbm>>
      %dma_start3A_17 = tpu.memref_squeeze %dma_start3A_16 : memref<1x79x128xi32, #tpu.memory_space<hbm>> -> memref<79x128xi32, #tpu.memory_space<hbm>>
      %dma_start3A_18 = arith.constant 0 : i32
      %dma_start3A_19 = arith.constant 0 : i32
      %dma_start3A_20 = tpu.memref_slice %arg3[%add3A, %dma_start3A_18, %dma_start3A_19] : memref<32x79x128xi32, #tpu.memory_space<hbm>> -> memref<1x79x128xi32, #tpu.memory_space<hbm>>
      %dma_start3A_21 = tpu.memref_squeeze %dma_start3A_20 : memref<1x79x128xi32, #tpu.memory_space<hbm>> -> memref<79x128xi32, #tpu.memory_space<hbm>>
      tpu.enqueue_dma source(%dma_start3A_21 : memref<79x128xi32, #tpu.memory_space<hbm>>) target(%arg7 : memref<79x128xi32, #tpu.memory_space<vmem>>) target_semaphore(%run_scoped3A : memref<!tpu.dma_semaphore, #tpu.memory_space<semaphore_mem>>)
      %dma_wait3A = arith.constant 0 : i32
      %dma_wait3A_22 = arith.constant 0 : i32
      %dma_wait3A_23 = tpu.memref_slice %arg3[%add3A, %dma_wait3A, %dma_wait3A_22] : memref<32x79x128xi32, #tpu.memory_space<hbm>> -> memref<1x79x128xi32, #tpu.memory_space<hbm>>
      %dma_wait3A_24 = tpu.memref_squeeze %dma_wait3A_23 : memref<1x79x128xi32, #tpu.memory_space<hbm>> -> memref<79x128xi32, #tpu.memory_space<hbm>>
      %dma_wait3A_25 = arith.constant 0 : i32
      %dma_wait3A_26 = arith.constant 0 : i32
      %dma_wait3A_27 = tpu.memref_slice %arg3[%add3A, %dma_wait3A_25, %dma_wait3A_26] : memref<32x79x128xi32, #tpu.memory_space<hbm>> -> memref<1x79x128xi32, #tpu.memory_space<hbm>>
      %dma_wait3A_28 = tpu.memref_squeeze %dma_wait3A_27 : memref<1x79x128xi32, #tpu.memory_space<hbm>> -> memref<79x128xi32, #tpu.memory_space<hbm>>
      tpu.wait_dma2 semaphore(%run_scoped3A : memref<!tpu.dma_semaphore, #tpu.memory_space<semaphore_mem>>) src(%dma_wait3A_28 : memref<79x128xi32, #tpu.memory_space<hbm>>) dst(%arg7 : memref<79x128xi32, #tpu.memory_space<vmem>>)
      tpu.yield
    }) : () -> ()
    "tpu.region"() ({
      %run_scoped3A = tpu.sem_alloc : memref<!tpu.dma_semaphore, #tpu.memory_space<semaphore_mem>>
      %dma_start3A = arith.constant 0 : i32
      %dma_start3A_15 = arith.constant 0 : i32
      %dma_start3A_16 = tpu.memref_slice %arg4[%add3A, %dma_start3A, %dma_start3A_15] : memref<32x79x128xi32, #tpu.memory_space<hbm>> -> memref<1x79x128xi32, #tpu.memory_space<hbm>>
      %dma_start3A_17 = tpu.memref_squeeze %dma_start3A_16 : memref<1x79x128xi32, #tpu.memory_space<hbm>> -> memref<79x128xi32, #tpu.memory_space<hbm>>
      %dma_start3A_18 = arith.constant 0 : i32
      %dma_start3A_19 = arith.constant 0 : i32
      %dma_start3A_20 = tpu.memref_slice %arg4[%add3A, %dma_start3A_18, %dma_start3A_19] : memref<32x79x128xi32, #tpu.memory_space<hbm>> -> memref<1x79x128xi32, #tpu.memory_space<hbm>>
      %dma_start3A_21 = tpu.memref_squeeze %dma_start3A_20 : memref<1x79x128xi32, #tpu.memory_space<hbm>> -> memref<79x128xi32, #tpu.memory_space<hbm>>
      tpu.enqueue_dma source(%dma_start3A_21 : memref<79x128xi32, #tpu.memory_space<hbm>>) target(%arg8 : memref<79x128xi32, #tpu.memory_space<vmem>>) target_semaphore(%run_scoped3A : memref<!tpu.dma_semaphore, #tpu.memory_space<semaphore_mem>>)
      %dma_wait3A = arith.constant 0 : i32
      %dma_wait3A_22 = arith.constant 0 : i32
      %dma_wait3A_23 = tpu.memref_slice %arg4[%add3A, %dma_wait3A, %dma_wait3A_22] : memref<32x79x128xi32, #tpu.memory_space<hbm>> -> memref<1x79x128xi32, #tpu.memory_space<hbm>>
      %dma_wait3A_24 = tpu.memref_squeeze %dma_wait3A_23 : memref<1x79x128xi32, #tpu.memory_space<hbm>> -> memref<79x128xi32, #tpu.memory_space<hbm>>
      %dma_wait3A_25 = arith.constant 0 : i32
      %dma_wait3A_26 = arith.constant 0 : i32
      %dma_wait3A_27 = tpu.memref_slice %arg4[%add3A, %dma_wait3A_25, %dma_wait3A_26] : memref<32x79x128xi32, #tpu.memory_space<hbm>> -> memref<1x79x128xi32, #tpu.memory_space<hbm>>
      %dma_wait3A_28 = tpu.memref_squeeze %dma_wait3A_27 : memref<1x79x128xi32, #tpu.memory_space<hbm>> -> memref<79x128xi32, #tpu.memory_space<hbm>>
      tpu.wait_dma2 semaphore(%run_scoped3A : memref<!tpu.dma_semaphore, #tpu.memory_space<semaphore_mem>>) src(%dma_wait3A_28 : memref<79x128xi32, #tpu.memory_space<hbm>>) dst(%arg8 : memref<79x128xi32, #tpu.memory_space<vmem>>)
      tpu.yield
    }) : () -> ()
    %scan3A = arith.constant 0 : i32
    %scan3A_5 = arith.constant 0 : i32
    %scan3A_6 = arith.constant 79 : i32
    %scan3A_7 = arith.addi %scan3A_5, %scan3A_6 : i32
    %scan3A_8 = arith.constant 1 : i32
    scf.for %scan3A_15 = %scan3A_5 to %scan3A_7 step %scan3A_8  : i32 {
      %dma_start3A = arith.constant 0 : i32
      %dma_start3A_16 = tpu.memref_slice %arg7[%scan3A_15, %dma_start3A] : memref<79x128xi32, #tpu.memory_space<vmem>> -> memref<1x128xi32, #tpu.memory_space<vmem>>
      %dma_start3A_17 = tpu.memref_squeeze %dma_start3A_16 : memref<1x128xi32, #tpu.memory_space<vmem>> -> memref<128xi32, #tpu.memory_space<vmem>>
      %dma_start3A_18 = arith.constant 0 : i32
      %dma_start3A_19 = arith.constant 0 : i32
      %dma_start3A_20 = tpu.memref_slice %arg2[%dma_start3A_18, %dma_start3A_19] : memref<10240x128xf32, #tpu.memory_space<hbm>> -> memref<10240x128xf32, #tpu.memory_space<hbm>>
      tpu.enqueue_indirect_dma source(%dma_start3A_20 : memref<10240x128xf32, #tpu.memory_space<hbm>>) target(%arg9 : memref<128x128xf32, #tpu.memory_space<vmem>>) offsets(%dma_start3A_17 : memref<128xi32, #tpu.memory_space<vmem>>) semaphore(%arg11 : memref<!tpu.dma_semaphore, #tpu.memory_space<semaphore_mem>>)
      %dma_wait3A = arith.constant 0 : i32
      %dma_wait3A_21 = tpu.memref_slice %arg7[%scan3A_15, %dma_wait3A] : memref<79x128xi32, #tpu.memory_space<vmem>> -> memref<1x128xi32, #tpu.memory_space<vmem>>
      %dma_wait3A_22 = tpu.memref_squeeze %dma_wait3A_21 : memref<1x128xi32, #tpu.memory_space<vmem>> -> memref<128xi32, #tpu.memory_space<vmem>>
      %dma_wait3A_23 = arith.constant 0 : i32
      %dma_wait3A_24 = arith.constant 0 : i32
      %dma_wait3A_25 = tpu.memref_slice %arg2[%dma_wait3A_23, %dma_wait3A_24] : memref<10240x128xf32, #tpu.memory_space<hbm>> -> memref<10240x128xf32, #tpu.memory_space<hbm>>
      tpu.wait_indirect_dma semaphore(%arg11 : memref<!tpu.dma_semaphore, #tpu.memory_space<semaphore_mem>>) src(%dma_wait3A_25 : memref<10240x128xf32, #tpu.memory_space<hbm>>) dst(%arg9 : memref<128x128xf32, #tpu.memory_space<vmem>>)
      "tpu.region"() ({
        %run_scoped3A = tpu.sem_alloc : memref<!tpu.dma_semaphore, #tpu.memory_space<semaphore_mem>>
        %dma_start3A_26 = arith.constant 0 : i32
        %dma_start3A_27 = tpu.memref_slice %arg8[%scan3A_15, %dma_start3A_26] : memref<79x128xi32, #tpu.memory_space<vmem>> -> memref<1x128xi32, #tpu.memory_space<vmem>>
        %dma_start3A_28 = tpu.memref_squeeze %dma_start3A_27 : memref<1x128xi32, #tpu.memory_space<vmem>> -> memref<128xi32, #tpu.memory_space<vmem>>
        %dma_start3A_29 = arith.constant 0 : i32
        %dma_start3A_30 = arith.constant 0 : i32
        %dma_start3A_31 = tpu.memref_slice %arg10[%dma_start3A_29, %dma_start3A_30] : memref<10240x128xf32, #tpu.memory_space<vmem_shared>> -> memref<10240x128xf32, #tpu.memory_space<vmem_shared>>
        tpu.enqueue_indirect_dma source(%arg9 : memref<128x128xf32, #tpu.memory_space<vmem>>) target(%dma_start3A_31 : memref<10240x128xf32, #tpu.memory_space<vmem_shared>>) offsets(%dma_start3A_28 : memref<128xi32, #tpu.memory_space<vmem>>) semaphore(%run_scoped3A : memref<!tpu.dma_semaphore, #tpu.memory_space<semaphore_mem>>) {add = true}
        %dma_wait3A_32 = arith.constant 0 : i32
        %dma_wait3A_33 = tpu.memref_slice %arg8[%scan3A_15, %dma_wait3A_32] : memref<79x128xi32, #tpu.memory_space<vmem>> -> memref<1x128xi32, #tpu.memory_space<vmem>>
        %dma_wait3A_34 = tpu.memref_squeeze %dma_wait3A_33 : memref<1x128xi32, #tpu.memory_space<vmem>> -> memref<128xi32, #tpu.memory_space<vmem>>
        %dma_wait3A_35 = arith.constant 0 : i32
        %dma_wait3A_36 = arith.constant 0 : i32
        %dma_wait3A_37 = tpu.memref_slice %arg10[%dma_wait3A_35, %dma_wait3A_36] : memref<10240x128xf32, #tpu.memory_space<vmem_shared>> -> memref<10240x128xf32, #tpu.memory_space<vmem_shared>>
        tpu.wait_indirect_dma semaphore(%run_scoped3A : memref<!tpu.dma_semaphore, #tpu.memory_space<semaphore_mem>>) src(%arg9 : memref<128x128xf32, #tpu.memory_space<vmem>>) dst(%dma_wait3A_37 : memref<10240x128xf32, #tpu.memory_space<vmem_shared>>)
        tpu.yield
      }) : () -> ()
    }
    %scan3A_9 = arith.constant 79 : i32
    %barrier3A_10 = arith.constant 0 : index
    tpu.barrier barrier_id(%barrier3A_10)
    %mul3A_11 = arith.constant 640 : i32
    %mul3A_12 = arith.muli %arg1, %mul3A_11 : i32
    %mul3A_13 = arith.constant 640 : i32
    %mul3A_14 = arith.muli %arg1, %mul3A_13 : i32
    "tpu.region"() ({
      %run_scoped3A = tpu.sem_alloc : memref<!tpu.dma_semaphore, #tpu.memory_space<semaphore_mem>>
      %dma_start3A = arith.constant 0 : i32
      %dma_start3A_15 = tpu.memref_slice %arg6[%arg0, %mul3A_14, %dma_start3A] : memref<2x10240x128xf32, #tpu.memory_space<hbm>> -> memref<1x640x128xf32, #tpu.memory_space<hbm>>
      %dma_start3A_16 = tpu.memref_squeeze %dma_start3A_15 : memref<1x640x128xf32, #tpu.memory_space<hbm>> -> memref<640x128xf32, #tpu.memory_space<hbm>>
      %dma_start3A_17 = arith.constant 0 : i32
      %dma_start3A_18 = tpu.memref_slice %arg10[%mul3A_12, %dma_start3A_17] : memref<10240x128xf32, #tpu.memory_space<vmem_shared>> -> memref<640x128xf32, #tpu.memory_space<vmem_shared>>
      tpu.enqueue_dma source(%dma_start3A_18 : memref<640x128xf32, #tpu.memory_space<vmem_shared>>) target(%dma_start3A_16 : memref<640x128xf32, #tpu.memory_space<hbm>>) target_semaphore(%run_scoped3A : memref<!tpu.dma_semaphore, #tpu.memory_space<semaphore_mem>>)
      %dma_wait3A = arith.constant 0 : i32
      %dma_wait3A_19 = tpu.memref_slice %arg6[%arg0, %mul3A_14, %dma_wait3A] : memref<2x10240x128xf32, #tpu.memory_space<hbm>> -> memref<1x640x128xf32, #tpu.memory_space<hbm>>
      %dma_wait3A_20 = tpu.memref_squeeze %dma_wait3A_19 : memref<1x640x128xf32, #tpu.memory_space<hbm>> -> memref<640x128xf32, #tpu.memory_space<hbm>>
      %dma_wait3A_21 = arith.constant 0 : i32
      %dma_wait3A_22 = tpu.memref_slice %arg10[%mul3A_12, %dma_wait3A_21] : memref<10240x128xf32, #tpu.memory_space<vmem_shared>> -> memref<640x128xf32, #tpu.memory_space<vmem_shared>>
      tpu.wait_dma2 semaphore(%run_scoped3A : memref<!tpu.dma_semaphore, #tpu.memory_space<semaphore_mem>>) src(%dma_wait3A_22 : memref<640x128xf32, #tpu.memory_space<vmem_shared>>) dst(%dma_wait3A_20 : memref<640x128xf32, #tpu.memory_space<hbm>>)
      tpu.yield
    }) : () -> ()
    return
  }
}

module attributes {stable_mosaic.version = 14 : i64} {
  func.func @_mlp_bef_body(%arg0: i32, %arg1: memref<2048x128xf32, #tpu.memory_space<vmem>>, %arg2: memref<128x128xf32, #tpu.memory_space<vmem>>, %arg3: memref<1x128xf32, #tpu.memory_space<vmem>>, %arg4: memref<2048x128xf32, #tpu.memory_space<vmem>>) attributes {dimension_semantics = [#tpu.dimension_semantics<arbitrary>], iteration_bounds = array<i64: 5>, scalar_prefetch = 0 : i64, scratch_operands = 0 : i64, tpu.core_type = #tpu.core_type<tc>, window_params = [{transform_indices = @transform_0, window_bounds = array<i64: 2048, 128>}, {pipeline_mode = #tpu.pipeline_mode<synchronous>, transform_indices = @transform_1, window_bounds = array<i64: 128, 128>}, {pipeline_mode = #tpu.pipeline_mode<synchronous>, transform_indices = @transform_2, window_bounds = array<i64: 1, 128>}, {transform_indices = @transform_3, window_bounds = array<i64: 2048, 128>}]} {
    %get3A = arith.constant 0 : index
    %get3A_0 = arith.constant 0 : index
    %get3A_1 = vector.load %arg1[%get3A, %get3A_0] : memref<2048x128xf32, #tpu.memory_space<vmem>>, vector<2048x128xf32>
    %get3A_2 = arith.constant 0 : index
    %get3A_3 = arith.constant 0 : index
    %get3A_4 = vector.load %arg2[%get3A_2, %get3A_3] : memref<128x128xf32, #tpu.memory_space<vmem>>, vector<128x128xf32>
    %dot_general3A = arith.constant dense<0.000000e+00> : vector<2048x128xf32>
    %dot_general3A_5 = tpu.matmul %get3A_1, %get3A_4, %dot_general3A {dimension_numbers = #tpu.dot_dimension_numbers<[1], [0], [0], [1], [0, 0, 1, 1], [], []>, transpose_lhs_hint = false} : vector<2048x128xf32>, vector<128x128xf32>, vector<2048x128xf32> -> vector<2048x128xf32>
    %get3A_6 = arith.constant 0 : index
    %get3A_7 = arith.constant 0 : index
    %get3A_8 = vector.load %arg3[%get3A_6, %get3A_7] : memref<1x128xf32, #tpu.memory_space<vmem>>, vector<1x128xf32>
    %add3A = vector.broadcast %get3A_8 : vector<1x128xf32> to vector<2048x128xf32>
    %add3A_9 = arith.addf %dot_general3A_5, %add3A : vector<2048x128xf32>
    %max3A = arith.constant 0.000000e+00 : f32
    %max3A_10 = vector.broadcast %max3A : f32 to vector<2048x128xf32>
    %max3A_11 = arith.maximumf %add3A_9, %max3A_10 : vector<2048x128xf32>
    %mul3A = arith.constant 2048 : i32
    %mul3A_12 = arith.muli %arg0, %mul3A : i32
    %iota3A = tpu.iota {dimensions = array<i32: 0>} : vector<2048x1xi32>
    %add3A_13 = vector.broadcast %mul3A_12 : i32 to vector<2048x1xi32>
    %add3A_14 = arith.addi %add3A_13, %iota3A : vector<2048x1xi32>
    %lt3A = arith.constant 10000 : i32
    %lt3A_15 = vector.broadcast %lt3A : i32 to vector<2048x1xi32>
    %lt3A_16 = arith.cmpi slt, %add3A_14, %lt3A_15 : vector<2048x1xi32>
    %jit3A = arith.constant 0.000000e+00 : f32
    %broadcast_in_dim3A = vector.shape_cast %lt3A_16 : vector<2048x1xi1> to vector<2048x1xi1>
    %broadcast_in_dim3A_17 = vector.broadcast %broadcast_in_dim3A : vector<2048x1xi1> to vector<2048x128xi1>
    %broadcast_in_dim3A_18 = vector.broadcast %jit3A : f32 to vector<2048x128xf32>
    %select_n3A = arith.select %broadcast_in_dim3A_17, %max3A_11, %broadcast_in_dim3A_18 : vector<2048x128xi1>, vector<2048x128xf32>
    %swap3A = arith.constant 0 : index
    %swap3A_19 = arith.constant 0 : index
    %swap3A_20 = vector.load %arg4[%swap3A, %swap3A_19] : memref<2048x128xf32, #tpu.memory_space<vmem>>, vector<2048x128xf32>
    tpu.vector_store %arg4[%swap3A, %swap3A_19], %select_n3A {strides = array<i32>} : memref<2048x128xf32, #tpu.memory_space<vmem>>, vector<2048x128xf32>,
    return
  }
  func.func @transform_0(%arg0: i32) -> (i32, i32) {
    %c0_i32 = arith.constant 0 : i32
    %c0_i32_0 = arith.constant 0 : i32
    return %arg0, %c0_i32 : i32, i32
  }
  func.func @transform_1(%arg0: i32) -> (i32, i32) {
    %c0_i32 = arith.constant 0 : i32
    %c0_i32_0 = arith.constant 0 : i32
    %c0_i32_1 = arith.constant 0 : i32
    return %c0_i32, %c0_i32_0 : i32, i32
  }
  func.func @transform_2(%arg0: i32) -> (i32, i32) {
    %c0_i32 = arith.constant 0 : i32
    %c0_i32_0 = arith.constant 0 : i32
    %c0_i32_1 = arith.constant 0 : i32
    return %c0_i32, %c0_i32_0 : i32, i32
  }
  func.func @transform_3(%arg0: i32) -> (i32, i32) {
    %c0_i32 = arith.constant 0 : i32
    %c0_i32_0 = arith.constant 0 : i32
    return %arg0, %c0_i32 : i32, i32
  }
}

module attributes {stable_mosaic.version = 14 : i64} {
  func.func @_finalize_body(%arg0: memref<2x10240xf32, #tpu.memory_space<vmem>>, %arg1: memref<10240x128xf32, #tpu.memory_space<vmem>>, %arg2: memref<10240x1xf32, #tpu.memory_space<vmem>>, %arg3: memref<10240x1xf32, #tpu.memory_space<vmem>>, %arg4: memref<10240x128xf32, #tpu.memory_space<vmem>>) attributes {dimension_semantics = [], scalar_prefetch = 0 : i64, scratch_operands = 0 : i64, tpu.core_type = #tpu.core_type<tc>} {
    %get3A = arith.constant 0 : index
    %get3A_0 = arith.constant 0 : index
    %get3A_1 = vector.load %arg0[%get3A, %get3A_0] : memref<2x10240xf32, #tpu.memory_space<vmem>>, vector<1x10240xf32>
    %get3A_2 = vector.shape_cast %get3A_1 : vector<1x10240xf32> to vector<10240xf32>
    %get3A_3 = arith.constant 1 : index
    %get3A_4 = arith.constant 0 : index
    %get3A_5 = vector.load %arg0[%get3A_3, %get3A_4] : memref<2x10240xf32, #tpu.memory_space<vmem>>, vector<1x10240xf32>
    %get3A_6 = vector.shape_cast %get3A_5 : vector<1x10240xf32> to vector<10240xf32>
    %add3A = arith.addf %get3A_2, %get3A_6 : vector<10240xf32>
    %jit3A = arith.constant 1.000000e+00 : f32
    %max3A = vector.broadcast %jit3A : f32 to vector<10240xf32>
    %max3A_7 = arith.maximumf %max3A, %add3A : vector<10240xf32>
    %rsqrt3A = math.rsqrt %max3A_7 : vector<10240xf32>
    %reshape3A = vector.shape_cast %rsqrt3A : vector<10240xf32> to vector<10240x1xf32>
    %swap3A = arith.constant 0 : index
    %swap3A_8 = arith.constant 0 : index
    %swap3A_9 = vector.load %arg2[%swap3A, %swap3A_8] : memref<10240x1xf32, #tpu.memory_space<vmem>>, vector<10240x1xf32>
    tpu.vector_store %arg2[%swap3A, %swap3A_8], %reshape3A {strides = array<i32>} : memref<10240x1xf32, #tpu.memory_space<vmem>>, vector<10240x1xf32>,
    %mul3A = arith.mulf %reshape3A, %reshape3A : vector<10240x1xf32>
    %swap3A_10 = arith.constant 0 : index
    %swap3A_11 = arith.constant 0 : index
    %swap3A_12 = vector.load %arg3[%swap3A_10, %swap3A_11] : memref<10240x1xf32, #tpu.memory_space<vmem>>, vector<10240x1xf32>
    tpu.vector_store %arg3[%swap3A_10, %swap3A_11], %mul3A {strides = array<i32>} : memref<10240x1xf32, #tpu.memory_space<vmem>>, vector<10240x1xf32>,
    %get3A_13 = arith.constant 0 : index
    %get3A_14 = arith.constant 0 : index
    %get3A_15 = vector.load %arg1[%get3A_13, %get3A_14] : memref<10240x128xf32, #tpu.memory_space<vmem>>, vector<10240x128xf32>
    %mul3A_16 = vector.broadcast %reshape3A : vector<10240x1xf32> to vector<10240x128xf32>
    %mul3A_17 = arith.mulf %mul3A_16, %get3A_15 : vector<10240x128xf32>
    %swap3A_18 = arith.constant 0 : index
    %swap3A_19 = arith.constant 0 : index
    %swap3A_20 = vector.load %arg4[%swap3A_18, %swap3A_19] : memref<10240x128xf32, #tpu.memory_space<vmem>>, vector<10240x128xf32>
    tpu.vector_store %arg4[%swap3A_18, %swap3A_19], %mul3A_17 {strides = array<i32>} : memref<10240x128xf32, #tpu.memory_space<vmem>>, vector<10240x128xf32>,
    return
  }
}

module attributes {stable_mosaic.version = 14 : i64} {
  func.func @_combine_body(%arg0: i32, %arg1: memref<2x2048x128xf32, #tpu.memory_space<vmem>>, %arg2: memref<2048x1xf32, #tpu.memory_space<vmem>>, %arg3: memref<2048x128xf32, #tpu.memory_space<vmem>>, %arg4: memref<2048x128xf32, #tpu.memory_space<vmem>>) attributes {dimension_semantics = [#tpu.dimension_semantics<arbitrary>], iteration_bounds = array<i64: 5>, scalar_prefetch = 0 : i64, scratch_operands = 0 : i64, tpu.core_type = #tpu.core_type<tc>, window_params = [{transform_indices = @transform_0, window_bounds = array<i64: 2, 2048, 128>}, {transform_indices = @transform_1, window_bounds = array<i64: 2048, 1>}, {transform_indices = @transform_2, window_bounds = array<i64: 2048, 128>}, {transform_indices = @transform_3, window_bounds = array<i64: 2048, 128>}]} {
    %get3A = arith.constant 0 : index
    %get3A_0 = arith.constant 0 : index
    %get3A_1 = arith.constant 0 : index
    %get3A_2 = vector.load %arg1[%get3A, %get3A_0, %get3A_1] : memref<2x2048x128xf32, #tpu.memory_space<vmem>>, vector<1x2048x128xf32>
    %get3A_3 = vector.shape_cast %get3A_2 : vector<1x2048x128xf32> to vector<2048x128xf32>
    %get3A_4 = arith.constant 1 : index
    %get3A_5 = arith.constant 0 : index
    %get3A_6 = arith.constant 0 : index
    %get3A_7 = vector.load %arg1[%get3A_4, %get3A_5, %get3A_6] : memref<2x2048x128xf32, #tpu.memory_space<vmem>>, vector<1x2048x128xf32>
    %get3A_8 = vector.shape_cast %get3A_7 : vector<1x2048x128xf32> to vector<2048x128xf32>
    %add3A = arith.addf %get3A_3, %get3A_8 : vector<2048x128xf32>
    %get3A_9 = arith.constant 0 : index
    %get3A_10 = arith.constant 0 : index
    %get3A_11 = vector.load %arg2[%get3A_9, %get3A_10] : memref<2048x1xf32, #tpu.memory_space<vmem>>, vector<2048x1xf32>
    %mul3A = arith.constant 5.000000e-01 : f32
    %mul3A_12 = vector.broadcast %mul3A : f32 to vector<2048x1xf32>
    %mul3A_13 = arith.mulf %mul3A_12, %get3A_11 : vector<2048x1xf32>
    %mul3A_14 = vector.broadcast %mul3A_13 : vector<2048x1xf32> to vector<2048x128xf32>
    %mul3A_15 = arith.mulf %mul3A_14, %add3A : vector<2048x128xf32>
    %get3A_16 = arith.constant 0 : index
    %get3A_17 = arith.constant 0 : index
    %get3A_18 = vector.load %arg3[%get3A_16, %get3A_17] : memref<2048x128xf32, #tpu.memory_space<vmem>>, vector<2048x128xf32>
    %mul3A_19 = arith.constant 5.000000e-01 : f32
    %mul3A_20 = vector.broadcast %mul3A_19 : f32 to vector<2048x128xf32>
    %mul3A_21 = arith.mulf %mul3A_20, %get3A_18 : vector<2048x128xf32>
    %add3A_22 = arith.addf %mul3A_15, %mul3A_21 : vector<2048x128xf32>
    %swap3A = arith.constant 0 : index
    %swap3A_23 = arith.constant 0 : index
    %swap3A_24 = vector.load %arg4[%swap3A, %swap3A_23] : memref<2048x128xf32, #tpu.memory_space<vmem>>, vector<2048x128xf32>
    tpu.vector_store %arg4[%swap3A, %swap3A_23], %add3A_22 {strides = array<i32>} : memref<2048x128xf32, #tpu.memory_space<vmem>>, vector<2048x128xf32>,
    return
  }
  func.func @transform_0(%arg0: i32) -> (i32, i32, i32) {
    %c0_i32 = arith.constant 0 : i32
    %c0_i32_0 = arith.constant 0 : i32
    %c0_i32_1 = arith.constant 0 : i32
    return %c0_i32, %arg0, %c0_i32_0 : i32, i32, i32
  }
  func.func @transform_1(%arg0: i32) -> (i32, i32) {
    %c0_i32 = arith.constant 0 : i32
    %c0_i32_0 = arith.constant 0 : i32
    return %arg0, %c0_i32 : i32, i32
  }
  func.func @transform_2(%arg0: i32) -> (i32, i32) {
    %c0_i32 = arith.constant 0 : i32
    %c0_i32_0 = arith.constant 0 : i32
    return %arg0, %c0_i32 : i32, i32
  }
  func.func @transform_3(%arg0: i32) -> (i32, i32) {
    %c0_i32 = arith.constant 0 : i32
    %c0_i32_0 = arith.constant 0 : i32
    return %arg0, %c0_i32 : i32, i32
  }
}

module attributes {stable_mosaic.version = 14 : i64} {
  func.func @_mlp_aft_body(%arg0: i32, %arg1: memref<2x2048x128xf32, #tpu.memory_space<vmem>>, %arg2: memref<2048x1xf32, #tpu.memory_space<vmem>>, %arg3: memref<2048x128xf32, #tpu.memory_space<vmem>>, %arg4: memref<128x64xf32, #tpu.memory_space<vmem>>, %arg5: memref<1x64xf32, #tpu.memory_space<vmem>>, %arg6: memref<2048x64xf32, #tpu.memory_space<vmem>>) attributes {dimension_semantics = [#tpu.dimension_semantics<arbitrary>], iteration_bounds = array<i64: 5>, scalar_prefetch = 0 : i64, scratch_operands = 0 : i64, tpu.core_type = #tpu.core_type<tc>, window_params = [{transform_indices = @transform_0, window_bounds = array<i64: 2, 2048, 128>}, {transform_indices = @transform_1, window_bounds = array<i64: 2048, 1>}, {transform_indices = @transform_2, window_bounds = array<i64: 2048, 128>}, {pipeline_mode = #tpu.pipeline_mode<synchronous>, transform_indices = @transform_3, window_bounds = array<i64: 128, 64>}, {pipeline_mode = #tpu.pipeline_mode<synchronous>, transform_indices = @transform_4, window_bounds = array<i64: 1, 64>}, {transform_indices = @transform_5, window_bounds = array<i64: 2048, 64>}]} {
    %get3A = arith.constant 0 : index
    %get3A_0 = arith.constant 0 : index
    %get3A_1 = arith.constant 0 : index
    %get3A_2 = vector.load %arg1[%get3A, %get3A_0, %get3A_1] : memref<2x2048x128xf32, #tpu.memory_space<vmem>>, vector<1x2048x128xf32>
    %get3A_3 = vector.shape_cast %get3A_2 : vector<1x2048x128xf32> to vector<2048x128xf32>
    %get3A_4 = arith.constant 1 : index
    %get3A_5 = arith.constant 0 : index
    %get3A_6 = arith.constant 0 : index
    %get3A_7 = vector.load %arg1[%get3A_4, %get3A_5, %get3A_6] : memref<2x2048x128xf32, #tpu.memory_space<vmem>>, vector<1x2048x128xf32>
    %get3A_8 = vector.shape_cast %get3A_7 : vector<1x2048x128xf32> to vector<2048x128xf32>
    %add3A = arith.addf %get3A_3, %get3A_8 : vector<2048x128xf32>
    %get3A_9 = arith.constant 0 : index
    %get3A_10 = arith.constant 0 : index
    %get3A_11 = vector.load %arg2[%get3A_9, %get3A_10] : memref<2048x1xf32, #tpu.memory_space<vmem>>, vector<2048x1xf32>
    %mul3A = arith.constant 5.000000e-01 : f32
    %mul3A_12 = vector.broadcast %mul3A : f32 to vector<2048x1xf32>
    %mul3A_13 = arith.mulf %mul3A_12, %get3A_11 : vector<2048x1xf32>
    %mul3A_14 = vector.broadcast %mul3A_13 : vector<2048x1xf32> to vector<2048x128xf32>
    %mul3A_15 = arith.mulf %mul3A_14, %add3A : vector<2048x128xf32>
    %get3A_16 = arith.constant 0 : index
    %get3A_17 = arith.constant 0 : index
    %get3A_18 = vector.load %arg3[%get3A_16, %get3A_17] : memref<2048x128xf32, #tpu.memory_space<vmem>>, vector<2048x128xf32>
    %mul3A_19 = arith.constant 5.000000e-01 : f32
    %mul3A_20 = vector.broadcast %mul3A_19 : f32 to vector<2048x128xf32>
    %mul3A_21 = arith.mulf %mul3A_20, %get3A_18 : vector<2048x128xf32>
    %add3A_22 = arith.addf %mul3A_15, %mul3A_21 : vector<2048x128xf32>
    %get3A_23 = arith.constant 0 : index
    %get3A_24 = arith.constant 0 : index
    %get3A_25 = vector.load %arg4[%get3A_23, %get3A_24] : memref<128x64xf32, #tpu.memory_space<vmem>>, vector<128x64xf32>
    %dot_general3A = arith.constant dense<0.000000e+00> : vector<2048x64xf32>
    %dot_general3A_26 = tpu.matmul %add3A_22, %get3A_25, %dot_general3A {dimension_numbers = #tpu.dot_dimension_numbers<[1], [0], [0], [1], [0, 0, 1, 1], [], []>, transpose_lhs_hint = false} : vector<2048x128xf32>, vector<128x64xf32>, vector<2048x64xf32> -> vector<2048x64xf32>
    %get3A_27 = arith.constant 0 : index
    %get3A_28 = arith.constant 0 : index
    %get3A_29 = vector.load %arg5[%get3A_27, %get3A_28] : memref<1x64xf32, #tpu.memory_space<vmem>>, vector<1x64xf32>
    %add3A_30 = vector.broadcast %get3A_29 : vector<1x64xf32> to vector<2048x64xf32>
    %add3A_31 = arith.addf %dot_general3A_26, %add3A_30 : vector<2048x64xf32>
    %swap3A = arith.constant 0 : index
    %swap3A_32 = arith.constant 0 : index
    %swap3A_33 = vector.load %arg6[%swap3A, %swap3A_32] : memref<2048x64xf32, #tpu.memory_space<vmem>>, vector<2048x64xf32>
    tpu.vector_store %arg6[%swap3A, %swap3A_32], %add3A_31 {strides = array<i32>} : memref<2048x64xf32, #tpu.memory_space<vmem>>, vector<2048x64xf32>,
    return
  }
  func.func @transform_0(%arg0: i32) -> (i32, i32, i32) {
    %c0_i32 = arith.constant 0 : i32
    %c0_i32_0 = arith.constant 0 : i32
    %c0_i32_1 = arith.constant 0 : i32
    return %c0_i32, %arg0, %c0_i32_0 : i32, i32, i32
  }
  func.func @transform_1(%arg0: i32) -> (i32, i32) {
    %c0_i32 = arith.constant 0 : i32
    %c0_i32_0 = arith.constant 0 : i32
    return %arg0, %c0_i32 : i32, i32
  }
  func.func @transform_2(%arg0: i32) -> (i32, i32) {
    %c0_i32 = arith.constant 0 : i32
    %c0_i32_0 = arith.constant 0 : i32
    return %arg0, %c0_i32 : i32, i32
  }
  func.func @transform_3(%arg0: i32) -> (i32, i32) {
    %c0_i32 = arith.constant 0 : i32
    %c0_i32_0 = arith.constant 0 : i32
    %c0_i32_1 = arith.constant 0 : i32
    return %c0_i32, %c0_i32_0 : i32, i32
  }
  func.func @transform_4(%arg0: i32) -> (i32, i32) {
    %c0_i32 = arith.constant 0 : i32
    %c0_i32_0 = arith.constant 0 : i32
    %c0_i32_1 = arith.constant 0 : i32
    return %c0_i32, %c0_i32_0 : i32, i32
  }
  func.func @transform_5(%arg0: i32) -> (i32, i32) {
    %c0_i32 = arith.constant 0 : i32
    %c0_i32_0 = arith.constant 0 : i32
    return %arg0, %c0_i32 : i32, i32
  }
}

</mosaic_0001>

<sc_bundles>
// kernel: kernel.21.cloned.1.call-start
scs
__scs_entry_jumppad:
0x0: {  	(pc) =	sbr.rel $0x88, $3  }
0x1: {  	(tag) =	ssettag $0x0;
	lr =	simm.s32 $0x1  }
0x2: {  	[smem:$0x3F9B] =	sst lr;
	_ =	strace $0xD0000000  }
0x3: {  	_ = 	snop  }
0x4: {  	_ = 	snop  }
0x5: {  	_ = 	snop  }
0x6: {  	_ = 	snop  }
0x7: {  	_ = 	snop  }
__scs_overlays_trampoline_lowered:
0x8: {  	[smem:$0x3FAA] =	sst s0  }
0x9: {  	[smem:$0x3FAB] =	sst s1  }
0xa: {  	[smem:$0x3FAC] =	sst s2  }
0xb: {  	[smem:$0x3FAD] =	sst s3  }
0xc: {  	[smem:$0x3FAE] =	sst s4  }
0xd: {  	[smem:$0x3FAF] =	sst s5  }
0xe: {  	[smem:$0x3FB0] =	sst s6  }
0xf: {  	[smem:$0x3FB1] =	sst s7  }
0x10: {  	[smem:$0x3FB2] =	sst s8  }
0x11: {  	[smem:$0x3FB3] =	sst s9;
	s0 =	simm.s32 @!p0 $0x0  }
0x12: {  	s1 =	sld [smem:$0x3F99];
	s0 =	simm.s32 @p0 $0x1  }
0x13: {  	[smem:$0x3FB4] =	sst s0;
	s0 =	simm.s32 @!p1 $0x0  }
0x14: {  	s2 =	sld [smem:$0x3F98];
	s0 =	simm.s32 @p1 $0x1  }
0x15: {  	[smem:$0x3FB5] =	sst s0;
	s0 =	simm.s32 @!p2 $0x0  }
0x16: {  	s3 =	sld [smem:$0x3FDB];
	s0 =	simm.s32 @p2 $0x1  }
0x17: {  	s4 =	simm.s32 $0x1BF5;
	[smem:$0x3FB7] =	sst s0  }
0x18: {  	s0 =	sld [smem:$0x3F9A];
	_ =	swait.ge [sflag:s4], $0x0  }
0x19: {  	s7 =	sld [smem:$0x3F9B]  }
0x1a: {  	s8 =	sadd.s32 $0xFFFFE003, lr  }
0x1b: {  	s9 =	sadd.s32 $0xFFFFFEF7, lr;
	s5 =	simm.s32 $0xFFFFFFFF;
	p2 =	slt.u32 s8, $0xFFFFF086  }
0x1c: {  	p1 =	slt.u32 s9, $0xF7A;
	s5 =	simm.s32 @!p2 $0x0  }
0x1d: {  	s5 =	simm.s32 @p1 $0x1;
	p0 =	seq.s32 s7, s2  }
0x1e: {  	s7 =	smul.u32 @!p0 $0xF7A, s2;
	p2 =	seq.s32 @!p0 s5, $0x0  }
0x1f: {  	s9 =	smul.u32 $0xF7A, s1;
	s8 =	simm.s32 @!p0 $0x1BF5;
	p2 =	por !p2, p0  }
0x20: {  	[sflag:s8] =	ssyncset.s32 @!p0 $0xFFFFF086;
	s6 =	sadd.s32 @!p0 s3, s7;
	s7 =	simm.s32 @!p0 $0x108  }
0x21: {  	s3 =	sadd.s32 s3, s9;
	s6 =	sadd.s32 @!p0 $0x88, s6;
	s7 =	simm.s32 @p2 $0x1082  }
0x22: {  	[simem:s7], [sflag:s8] =	dma.local @!p0 [hbm:s6], $0xF7A  }
0x23: {  	s9 =	sor.u32 $0xD0000000, s2;
	s6 =	simm.s32 $0x108;
	_ =	swait.ge @!p0 [sflag:s8], $0x0  }
0x24: {  	s3 =	sadd.s32 $0x88, s3;
	s6 =	simm.s32 @!p1 $0x1082;
	[sflag:s4] =	ssyncset.s32 $0xFFFFF086  }
0x25: {  	[simem:s6], [sflag:s4] =	dma.local [hbm:s3], $0xF7A  }
0x26: {  	[smem:$0x3F9B] =	sst s1;
	(tag) =	ssettag s2;
	_ =	strace s9  }
0x27: {  	s1 =	sld [smem:$0x3FAB]  }
0x28: {  	s2 =	sld [smem:$0x3FAC]  }
0x29: {  	s4 =	sld [smem:$0x3FAE]  }
0x2a: {  	p0 =	seq.s32 s5, $0x0;
	s5 =	sld [smem:$0x3FAF]  }
0x2b: {  	s6 =	sld [smem:$0x3FB0]  }
0x2c: {  	s7 =	sld [smem:$0x3FB1]  }
0x2d: {  	s3 =	simm.s32 $0x108;
	s8 =	sld [smem:$0x3FB2]  }
0x2e: {  	s3 =	simm.s32 @!p0 $0x1082;
	s9 =	sld [smem:$0x3FB3]  }
0x2f: {  	lr =	sadd.s32 s0, s3;
	s0 =	sld [smem:$0x3FAA]  }
0x30: {  	s3 =	sld [smem:$0x3FAD]  }
0x31: {  	[smem:$0x3FB6] =	sst s10  }
0x32: {  	s10 =	sld [smem:$0x3FB4];
	_ =	sdelay $0x3  }
0x33: {  	p0 =	seq.s32 s10, $0x1;
	s10 =	sld [smem:$0x3FB6];
	_ =	sdelay $0x3  }
0x34: {  	[smem:$0x3FB6] =	sst s10  }
0x35: {  	s10 =	sld [smem:$0x3FB5];
	_ =	sdelay $0x3  }
0x36: {  	p1 =	seq.s32 s10, $0x1;
	s10 =	sld [smem:$0x3FB6];
	_ =	sdelay $0x3  }
0x37: {  	[smem:$0x3FB6] =	sst s10  }
0x38: {  	s10 =	sld [smem:$0x3FB7]  }
0x39: {  	_ = 	snop;
	(pc) =	sbr.ind lr, $3  }
0x3a: {  	_ = 	snop  }
0x3b: {  	_ = 	snop  }
0x3c: {  	p2 =	seq.s32 s10, $0x1;
	s10 =	sld [smem:$0x3FB6]  }
0x3d: {  	_ =	shalt  }
0x3e: {  	_ =	shalt  }
0x3f: {  	_ =	shalt  }
0x40: {  	_ =	shalt  }
0x41: {  	_ =	shalt  }
0x42: {  	_ =	shalt  }
0x43: {  	_ =	shalt  }
0x44: {  	_ =	shalt  }
0x45: {  	_ =	shalt  }
0x46: {  	_ =	shalt  }
0x47: {  	_ =	shalt  }
0x48: {  	_ =	shalt  }
0x49: {  	_ =	shalt  }
0x4a: {  	_ =	shalt  }
0x4b: {  	_ =	shalt  }
0x4c: {  	_ =	shalt  }
0x4d: {  	_ =	shalt  }
0x4e: {  	_ =	shalt  }
0x4f: {  	_ =	shalt  }
0x50: {  	_ =	shalt  }
0x51: {  	_ =	shalt  }
0x52: {  	_ =	shalt  }
0x53: {  	_ =	shalt  }
0x54: {  	_ =	shalt  }
0x55: {  	_ =	shalt  }
0x56: {  	_ =	shalt  }
0x57: {  	_ =	shalt  }
0x58: {  	_ =	shalt  }
0x59: {  	_ =	shalt  }
0x5a: {  	_ =	shalt  }
0x5b: {  	_ =	shalt  }
0x5c: {  	_ =	shalt  }
0x5d: {  	_ =	shalt  }
0x5e: {  	_ =	shalt  }
0x5f: {  	_ =	shalt  }
0x60: {  	_ =	shalt  }
0x61: {  	_ =	shalt  }
0x62: {  	_ =	shalt  }
0x63: {  	_ =	shalt  }
0x64: {  	_ =	shalt  }
0x65: {  	_ =	shalt  }
0x66: {  	_ =	shalt  }
0x67: {  	_ =	shalt  }
0x68: {  	_ =	shalt  }
0x69: {  	_ =	shalt  }
0x6a: {  	_ =	shalt  }
0x6b: {  	_ =	shalt  }
0x6c: {  	_ =	shalt  }
0x6d: {  	_ =	shalt  }
0x6e: {  	_ =	shalt  }
0x6f: {  	_ =	shalt  }
0x70: {  	_ =	shalt  }
0x71: {  	_ =	shalt  }
0x72: {  	_ =	shalt  }
0x73: {  	_ =	shalt  }
0x74: {  	_ =	shalt  }
0x75: {  	_ =	shalt  }
0x76: {  	_ =	shalt  }
0x77: {  	_ =	shalt  }
0x78: {  	_ =	shalt  }
0x79: {  	_ =	shalt  }
0x7a: {  	_ =	shalt  }
0x7b: {  	_ =	shalt  }
0x7c: {  	_ =	shalt  }
0x7d: {  	_ =	shalt  }
0x7e: {  	_ =	shalt  }
0x7f: {  	_ =	shalt  }
0x80: {  	_ =	shalt  }
0x81: {  	_ =	shalt  }
0x82: {  	_ =	shalt  }
0x83: {  	_ =	shalt  }
0x84: {  	_ =	shalt  }
0x85: {  	_ =	shalt  }
0x86: {  	_ =	shalt  }
0x87: {  	_ =	shalt  }
.Lfunc_end0:
.L_simem_size_0:
called_computation_lowered:
.L_overlay_start_0:
0x88: {  	s2 =	sld [smem:$0x3FD9]  }
0x89: {  	s3 =	sld [smem:$0x3FFE];
	_ =	sdelay $0x1  }
0x8a: {  	s1 =	srdreg.scid  }
0x8b: {  	s0 =	sand.u32 $0x1, s1  }
0x8c: {  	s17 =	sshll.u32 s0, $0xA;
	s2 =	sadd.s32 s3, s2  }
0x8d: {  	s2 =	sadd.s32 s2, s17  }
0x8e: {  	[smem:$0x3FC2] =	sst s2  }
0x8f: {  	_ = 	snop  }
0x90: {  	s2 =	sld [smem:$0x3FD0];
	(tm) =	ssettm $0x1  }
0x91: {  	s18 =	sld [smem:$0x3FFB];
	_ =	sdelay $0x3  }
0x92: {  	_ =	strace s18  }
0x93: {  	s3 =	sld [smem:$0x3FFC];
	_ =	sdelay $0x3  }
0x94: {  	_ =	strace s3  }
0x95: {  	s3 =	sld [smem:$0x3FFD];
	_ =	sdelay $0x3  }
0x96: {  	_ =	strace s3  }
0x97: {  	_ =	strace $0x8FFFFFFF  }
0x98: {  	s19 =	sld [smem:$0x3FDB];
	_ =	sdelay $0x1  }
0x99: {  	s4 =	simm.s32 $_scs_section_size  }
0x9a: {  	s5 =	simm.s32 $_size__tile_overlayer_lowered;
	s6 =	simm.s32 $_tile_overlayer_lowered  }
0x9b: {  	s22 =	simm.s32 $0x1BFF;
	s21 =	sshll.u32 s6, $0x1;
	s3 =	sadd.s32 s4, s19  }
0x9c: {  	s7 =	simm.s32 $0x0;
	s20 =	sshll.u32 s5, $0x1;
	s5 =	sadd.s32 s21, s3  }
0x9d: {  	[timem:s7], [sflag:s22] =	dma.local [hbm:s5], s20  }
0x9e: {  	_ =	swait.ge [sflag:s22], s20  }
0x9f: {  	s4 =	ssub.s32 $0x0, s20;
	[sflag:s22] =	ssyncset.done $0x0  }
0xa0: {  	[sflag:s22] =	ssyncadd.s32 s4;
	_ =	sdelay $0x1  }
0xa1: {  	s23 =	simm.s32 $0x1B8B  }
0xa2: {  	_ =	swait.ge [sflag:s23], $0x1  }
0xa3: {  	[sflag:s23] =	ssyncset.done $0x0  }
0xa4: {  	s25 =	simm.s32 $0x1B8E;
	s24 =	sld [smem:$0x3FFE];
	[sflag:s23] =	ssyncadd.s32 $0xFFFFFFFF  }
0xa5: {  	s26 =	simm.s32 $execute0_lowered;
	[smem:$0x3FD2] =	sst s25  }
0xa6: {  	s5 =	sshll.u32 s26, $0x1;
	_ =	strace $0x80000046;
	[dreg:$0x1] =	wrdreg $0xFFFFFFFF  }
0xa7: {  	s28 =	simm.s32 $_size_execute0_lowered;
	s3 =	sadd.s32 s3, s5;
	[dreg:$0x0] =	wrdreg $0x0  }
0xa8: {  	s5 =	sshll.u32 s28, $0x1;
	[dreg:$0x2] =	wrdreg s3  }
0xa9: {  	[dreg:$0x3] =	wrdreg s5  }
0xaa: {  	[dreg:$0x4] =	wrdreg $0xC0  }
0xab: {  	_ =	task [dreg:s7], $0x5FFFF  }
0xac: {  	[dreg:$0x1] =	wrdreg $0xFFFFFFFF  }
0xad: {  	[dreg:$0x0] =	wrdreg $0x60  }
0xae: {  	[dreg:$0x2] =	wrdreg s2  }
0xaf: {  	[dreg:$0x3] =	wrdreg s24  }
0xb0: {  	[dreg:$0x4] =	wrdreg $0x50800  }
0xb1: {  	[dreg:$0x5] =	wrdreg $0x9  }
0xb2: {  	_ =	task.clear_ibuf [dreg:s7], $0x6FFFF;
	_ =	strace $0x90000046  }
0xb3: {  	s29 =	simm.s32 $0x9;
	_ =	strace $0x80000048  }
0xb4: {  	_ =	swait.ge [sflag:s29], $0x1  }
0xb5: {  	[sflag:s29] =	ssyncadd.s32 $0xFFFFFFFF  }
0xb6: {  	_ =	strace $0x90000048  }
0xb7: {  	_ =	sfence  }
0xb8: {  	s30 =	sld [smem:$0x0];
	_ =	sdelay $0x2  }
0xb9: {  	s31 =	sshll.u32 s1, $0xD;
	s1 =	sshrl.u32 s1, $0x2  }
0xba: {  	s3 =	sand.u32 $0x4000, s31;
	s1 =	sadd.s32 s1, s30  }
0xbb: {  	s0 =	sor.u32 s3, s0;
	s1 =	sshll.u32 s1, $0x11  }
0xbc: {  	s0 =	sor.u32 s1, s0  }
0xbd: {  	s0 =	sadd.s32 $0x8F2B, s0  }
0xbe: {  	[sflag:s0] =	ssyncadd.remote.s32 $0x1  }
0xbf: {  	_ =	sfence.sel $0xFFFF  }
0xc0: {  	[dreg:$0x0] =	wrdreg $0xFFFFFFFF;
	(pc) =	sbr.abs _section_cstart, $3  }
0xc1: {  	[dreg:$0x1] =	wrdreg $0xFFFFFFFF  }
0xc2: {  	_ =	task.clear_ibuf [dreg:s7], $0x2FFFF;
	_ =	strace $0x9FFFFFFF  }
0xc3: {  	(tm) =	ssettm $0x7FFFFFFF  }
tec
execute0_lowered:
.L_overlay_start_1:
0x0: {  	(tag) =	ssettag $0x1  }
0x1: {  	s6 =	rddreg [dreg:$0x0]  }
0x2: {  	s5 =	rddreg [dreg:$0x1]  }
0x3: {  	s0 =	srdreg.scid;
	s2 =	rddreg [dreg:$0x2]  }
0x4: {  	s3 =	simm.s32 $0x0;
	s14 =	simm.s32 $0x20;
	s15 =	simm.s32 $0x10  }
0x5: {  	s16 =	simm.s32 $0x0;
	s4 =	sand.u32 $0x1, s0;
	s0 =	stileid.u32  }
0x6: {  	[smem:$0x7FF] =	sst s3;
	s1 =	sshll.u32 s4, $0x4;
	s8 =	smul.u32 $0x500, s0  }
0x7: {  	s9 =	smul.u32 $0x280, s0;
	s10 =	sshll.u32 s4, $0x7;
	s4 =	ssub.s32 $0x2, s4  }
0x8: {  	s31 =	sshll.u32 s0, $0x6;
	s7 =	sor.u32 s0, s1;
	s1 =	rddreg [dreg:$0x3]  }
0x9: {  	_ =	strace $0x80000047;
	s12 =	sshrl.u32 s4, $0x1;
	s7 =	smul.u32 $0x500, s7  }
0xa: {  	s8 =	sor.u32 s10, s8;
	s30 =	sshrl.u32 s9, $0x3;
	s12 =	ssub.s32 s4, s12  }
0xb: {  	s13 =	sadd.s32 s9, s2;
	s8 =	sshrl.u32 s8, $0x3;
	s10 =	sadd.s32 s30, s5  }
0xc: {  	s9 =	smax.u32 s12, $0x1;
	s12 =	simm.s32 $0x80;
	s11 =	sadd.s32 s7, s5  }
0xd: {  	s8 =	sadd.s32 s8, s5;
	s4 =	sadd.s32 $0xF600, s10;
	s5 =	sor.u32 $0x1C01, s31  }
0xe: {  	s6 =	sadd.s32 s6, s7;
	s10 =	sshrl.u32 s13, $0x3;
	s13 =	simm.s32 $0x2880  }
0xf: {  	v0 =	vimm.f32 $1.000000000e+00;
	s7 =	sadd.s32 $0x5600, s11;
	s8 =	sadd.s32 $0xFC00, s8;
	s11 =	simm.s32 $0x1  }
.LBB2_1:
0x10: {  	[tilespmem:$0x0] =	vst v0  }
0x11: {  	[tilespmem:$0x10] =	vst v0  }
0x12: {  	[tilespmem:$0x20] =	vst v0  }
0x13: {  	[tilespmem:$0x30] =	vst v0  }
0x14: {  	[tilespmem:$0x40] =	vst v0  }
0x15: {  	[tilespmem:$0x50] =	vst v0  }
0x16: {  	[tilespmem:$0x60] =	vst v0  }
0x17: {  	[tilespmem:$0x70] =	vst v0  }
0x18: {  	[spmem:s10], [sflag:s5] =	dma.local [hbm:s4], $0x50  }
0x19: {  	_ =	swait.ge [sflag:s11], $0x50  }
0x1a: {  	[sflag:s11] =	ssyncset.done $0x0  }
0x1b: {  	[sflag:s11] =	ssyncadd.s32 $0xFFFFFFB0  }
0x1c: {  	[bflag:$0x0] =	sbarrier.arrive $0xFFFF  }
0x1d: {  	[tilespmem:s12], [sflag:$0x1] =	stream.linear.gather [hbm4b:s6+s3], $0x2780, $0x38;
	[tilespmem:$0x5300] =	vst v63  }
0x1e: {  	_ =	swait.ge [sflag:s11], $0x2780  }
0x1f: {  	[sflag:s11] =	ssyncset.done $0x0  }
0x20: {  	[sflag:s11] =	ssyncadd.s32 $0xFFFFD880  }
0x21: {  	[tilespmem:s13], [sflag:$0x1] =	stream.linear.gather [hbm4b:s7+s3], $0x2780, $0x38;
	[tilespmem:$0x5300] =	vst v63  }
0x22: {  	_ =	swait.ge [sflag:s11], $0x2780  }
0x23: {  	[sflag:s11] =	ssyncset.done $0x0  }
0x24: {  	s17 =	simm.s32 $0x80;
	[sflag:s11] =	ssyncadd.s32 $0xFFFFD880  }
0x25: {  	[spmem:s2] =	stream.indirect.scatter.add.f32 [tilespmem:s3], [sflag:$0x1], $0x1, s17, s12, $0xb8;
	[tilespmem:$0x5300] =	vst v63  }
0x26: {  	_ =	swait.ge [sflag:s11], $0x80  }
0x27: {  	[sflag:s11] =	ssyncset.done $0x0  }
0x28: {  	s31 =	simm.s32 $0x2880;
	[sflag:s11] =	ssyncadd.s32 $0xFFFFFF80  }
0x29: {  	[spmem:s2] =	stream.indirect.scatter.add.f32 [tilespmem:s3], [sflag:$0x1], $0x1, s31, s12, $0xb8;
	[tilespmem:$0x5300] =	vst v63  }
0x2a: {  	_ =	swait.ge [sflag:s11], $0x80  }
0x2b: {  	s18 =	simm.s32 $0x400;
	s17 =	simm.s32 $0x80;
	[sflag:s11] =	ssyncset.done $0x0  }
.LBB2_2:
0x2c: {  	s19 =	sadd.s32 $0x80, s17  }
0x2d: {  	[sflag:s11] =	ssyncadd.s32 $0xFFFFFF80;
	s20 =	smov.u32 s18;
	s21 =	sadd.s32 $0x200, s18  }
0x2e: {  	[spmem:s2] =	stream.indirect.scatter.add.f32 [tilespmem:s3], [sflag:$0x1], $0x1, s19, s12, $0xb8;
	[tilespmem:$0x5300] =	vst v63  }
0x2f: {  	p0 =	sne.s32 s18, $0x9C00;
	_ =	swait.ge [sflag:s11], $0x80  }
.Ltmp0:
0x30: {  	[sflag:s11] =	ssyncset.done $0x0;
	(pc) =	sbr.rel @p0 .LBB2_2-.Ltmp0, $4  }
0x31: {  	s17 =	sadd.s32 $0x2880, s17;
	[sflag:s11] =	ssyncadd.s32 $0xFFFFFF80  }
0x32: {  	[spmem:s2] =	stream.indirect.scatter.add.f32 [tilespmem:s3], [sflag:$0x1], $0x1, s17, s12, $0xb8;
	[tilespmem:$0x5300] =	vst v63  }
0x33: {  	_ =	swait.ge [sflag:s11], $0x80  }
0x34: {  	s18 =	smov.u32 s21;
	s17 =	sshra.s32 s20, $0x2;
	[sflag:s11] =	ssyncset.done $0x0  }
0x35: {  	s18 =	sadd.s32 $0x80, s17;
	[sflag:s11] =	ssyncadd.s32 $0xFFFFFF80  }
0x36: {  	[spmem:s2] =	stream.indirect.scatter.add.f32 [tilespmem:s3], [sflag:$0x1], $0x1, s18, s12, $0xb8;
	[tilespmem:$0x5300] =	vst v63  }
0x37: {  	_ =	swait.ge [sflag:s11], $0x80  }
0x38: {  	[sflag:s11] =	ssyncset.done $0x0  }
0x39: {  	s31 =	sadd.s32 $0x2880, s17;
	[sflag:s11] =	ssyncadd.s32 $0xFFFFFF80  }
0x3a: {  	[spmem:s2] =	stream.indirect.scatter.add.f32 [tilespmem:s3], [sflag:$0x1], $0x1, s31, s12, $0xb8;
	[tilespmem:$0x5300] =	vst v63  }
0x3b: {  	_ =	swait.ge [sflag:s11], $0x80  }
0x3c: {  	s16 =	sadd.s32 $0x1, s16;
	[sflag:s11] =	ssyncset.done $0x0  }
0x3d: {  	p0 =	sne.s32 s16, s9;
	[sflag:s11] =	ssyncadd.s32 $0xFFFFFF80  }
.Ltmp1:
0x3e: {  	[bflag:$0x0] =	sbarrier.arrive $0xFFFF;
	(pc) =	sbr.rel @p0 .LBB2_1-.Ltmp1, $4  }
0x3f: {  	[hbm:s8@s14], [sflag:s5] =	dma.strided [spmem:s10@s15], $0x50, s11, $0x10   }
0x40: {  	_ =	swait.ge [sflag:s11], $0x50  }
0x41: {  	[sflag:s11] =	ssyncset.done $0x0  }
0x42: {  	[sflag:s11] =	ssyncadd.s32 $0xFFFFFFB0  }
0x43: {  	_ =	sfence.sel $0x180000  }
0x44: {  	[bflag:$0x0] =	sbarrier.arrive $0xFFFF  }
0x45: {  	p0 =	sne.s32 s0, $0x0;
	_ =	strace $0x90000047  }
0x46: {  	s0 =	sadd.s32 @!p0 $0x100000, s1;
	[bflag:$0x2] =	sbarrier.arrive $0xFFFF  }
0x47: {  	[sflag:s0] =	ssyncadd.tile.s32 @!p0 $0x1;
	_ =	shalt  }
.Lfunc_end2:
_tile_overlayer_lowered:
.L_overlay_start_2:
0x48: {  	(tag) =	ssettag $0x2  }
0x49: {  	s0 =	rddreg [dreg:$0x0];
	s2 =	stileid.u32  }
0x4a: {  	s1 =	rddreg [dreg:$0x1];
	p0 =	sne.s32 s2, $0x0  }
0x4b: {  	s3 =	rddreg [dreg:$0x2];
	[bflag:$0x3] =	sbarrier.arrive $0xFFFF;
	s2 =	simm.s32 @!p0 $0x1C01  }
0x4c: {  	[timem:s3], [sflag:s2] =	dma.local @!p0 [hbm:s0], s1  }
0x4d: {  	s0 =	simm.s32 @!p0 $0x1  }
0x4e: {  	_ =	swait.ge @!p0 [sflag:s0], s1  }
0x4f: {  	s1 =	ssub.s32 @!p0 $0x0, s1;
	[sflag:s0] =	ssyncset.done @!p0 $0x0  }
0x50: {  	[sflag:s0] =	ssyncadd.s32 @!p0 s1  }
0x51: {  	[bflag:$0x3] =	sbarrier.arrive $0xFFFF  }
0x52: {  	_ =	shalt  }

// kernel: kernel.24.cloned.1.call-start
scs
__scs_entry_jumppad:
0x0: {  	(pc) =	sbr.rel $0x88, $3  }
0x1: {  	(tag) =	ssettag $0x0;
	lr =	simm.s32 $0x1  }
0x2: {  	[smem:$0x3F9B] =	sst lr;
	_ =	strace $0xD0000000  }
0x3: {  	_ = 	snop  }
0x4: {  	_ = 	snop  }
0x5: {  	_ = 	snop  }
0x6: {  	_ = 	snop  }
0x7: {  	_ = 	snop  }
__scs_overlays_trampoline_lowered:
0x8: {  	[smem:$0x3FAA] =	sst s0  }
0x9: {  	[smem:$0x3FAB] =	sst s1  }
0xa: {  	[smem:$0x3FAC] =	sst s2  }
0xb: {  	[smem:$0x3FAD] =	sst s3  }
0xc: {  	[smem:$0x3FAE] =	sst s4  }
0xd: {  	[smem:$0x3FAF] =	sst s5  }
0xe: {  	[smem:$0x3FB0] =	sst s6  }
0xf: {  	[smem:$0x3FB1] =	sst s7  }
0x10: {  	[smem:$0x3FB2] =	sst s8  }
0x11: {  	[smem:$0x3FB3] =	sst s9;
	s0 =	simm.s32 @!p0 $0x0  }
0x12: {  	s1 =	sld [smem:$0x3F99];
	s0 =	simm.s32 @p0 $0x1  }
0x13: {  	[smem:$0x3FB4] =	sst s0;
	s0 =	simm.s32 @!p1 $0x0  }
0x14: {  	s2 =	sld [smem:$0x3F98];
	s0 =	simm.s32 @p1 $0x1  }
0x15: {  	[smem:$0x3FB5] =	sst s0;
	s0 =	simm.s32 @!p2 $0x0  }
0x16: {  	s3 =	sld [smem:$0x3FDB];
	s0 =	simm.s32 @p2 $0x1  }
0x17: {  	s4 =	simm.s32 $0x1BF5;
	[smem:$0x3FB7] =	sst s0  }
0x18: {  	s0 =	sld [smem:$0x3F9A];
	_ =	swait.ge [sflag:s4], $0x0  }
0x19: {  	s7 =	sld [smem:$0x3F9B]  }
0x1a: {  	s8 =	sadd.s32 $0xFFFFE003, lr  }
0x1b: {  	s9 =	sadd.s32 $0xFFFFFEF7, lr;
	s5 =	simm.s32 $0xFFFFFFFF;
	p2 =	slt.u32 s8, $0xFFFFF086  }
0x1c: {  	p1 =	slt.u32 s9, $0xF7A;
	s5 =	simm.s32 @!p2 $0x0  }
0x1d: {  	s5 =	simm.s32 @p1 $0x1;
	p0 =	seq.s32 s7, s2  }
0x1e: {  	s7 =	smul.u32 @!p0 $0xF7A, s2;
	p2 =	seq.s32 @!p0 s5, $0x0  }
0x1f: {  	s9 =	smul.u32 $0xF7A, s1;
	s8 =	simm.s32 @!p0 $0x1BF5;
	p2 =	por !p2, p0  }
0x20: {  	[sflag:s8] =	ssyncset.s32 @!p0 $0xFFFFF086;
	s6 =	sadd.s32 @!p0 s3, s7;
	s7 =	simm.s32 @!p0 $0x108  }
0x21: {  	s3 =	sadd.s32 s3, s9;
	s6 =	sadd.s32 @!p0 $0x88, s6;
	s7 =	simm.s32 @p2 $0x1082  }
0x22: {  	[simem:s7], [sflag:s8] =	dma.local @!p0 [hbm:s6], $0xF7A  }
0x23: {  	s9 =	sor.u32 $0xD0000000, s2;
	s6 =	simm.s32 $0x108;
	_ =	swait.ge @!p0 [sflag:s8], $0x0  }
0x24: {  	s3 =	sadd.s32 $0x88, s3;
	s6 =	simm.s32 @!p1 $0x1082;
	[sflag:s4] =	ssyncset.s32 $0xFFFFF086  }
0x25: {  	[simem:s6], [sflag:s4] =	dma.local [hbm:s3], $0xF7A  }
0x26: {  	[smem:$0x3F9B] =	sst s1;
	(tag) =	ssettag s2;
	_ =	strace s9  }
0x27: {  	s1 =	sld [smem:$0x3FAB]  }
0x28: {  	s2 =	sld [smem:$0x3FAC]  }
0x29: {  	s4 =	sld [smem:$0x3FAE]  }
0x2a: {  	p0 =	seq.s32 s5, $0x0;
	s5 =	sld [smem:$0x3FAF]  }
0x2b: {  	s6 =	sld [smem:$0x3FB0]  }
0x2c: {  	s7 =	sld [smem:$0x3FB1]  }
0x2d: {  	s3 =	simm.s32 $0x108;
	s8 =	sld [smem:$0x3FB2]  }
0x2e: {  	s3 =	simm.s32 @!p0 $0x1082;
	s9 =	sld [smem:$0x3FB3]  }
0x2f: {  	lr =	sadd.s32 s0, s3;
	s0 =	sld [smem:$0x3FAA]  }
0x30: {  	s3 =	sld [smem:$0x3FAD]  }
0x31: {  	[smem:$0x3FB6] =	sst s10  }
0x32: {  	s10 =	sld [smem:$0x3FB4];
	_ =	sdelay $0x3  }
0x33: {  	p0 =	seq.s32 s10, $0x1;
	s10 =	sld [smem:$0x3FB6];
	_ =	sdelay $0x3  }
0x34: {  	[smem:$0x3FB6] =	sst s10  }
0x35: {  	s10 =	sld [smem:$0x3FB5];
	_ =	sdelay $0x3  }
0x36: {  	p1 =	seq.s32 s10, $0x1;
	s10 =	sld [smem:$0x3FB6];
	_ =	sdelay $0x3  }
0x37: {  	[smem:$0x3FB6] =	sst s10  }
0x38: {  	s10 =	sld [smem:$0x3FB7]  }
0x39: {  	_ = 	snop;
	(pc) =	sbr.ind lr, $3  }
0x3a: {  	_ = 	snop  }
0x3b: {  	_ = 	snop  }
0x3c: {  	p2 =	seq.s32 s10, $0x1;
	s10 =	sld [smem:$0x3FB6]  }
0x3d: {  	_ =	shalt  }
0x3e: {  	_ =	shalt  }
0x3f: {  	_ =	shalt  }
0x40: {  	_ =	shalt  }
0x41: {  	_ =	shalt  }
0x42: {  	_ =	shalt  }
0x43: {  	_ =	shalt  }
0x44: {  	_ =	shalt  }
0x45: {  	_ =	shalt  }
0x46: {  	_ =	shalt  }
0x47: {  	_ =	shalt  }
0x48: {  	_ =	shalt  }
0x49: {  	_ =	shalt  }
0x4a: {  	_ =	shalt  }
0x4b: {  	_ =	shalt  }
0x4c: {  	_ =	shalt  }
0x4d: {  	_ =	shalt  }
0x4e: {  	_ =	shalt  }
0x4f: {  	_ =	shalt  }
0x50: {  	_ =	shalt  }
0x51: {  	_ =	shalt  }
0x52: {  	_ =	shalt  }
0x53: {  	_ =	shalt  }
0x54: {  	_ =	shalt  }
0x55: {  	_ =	shalt  }
0x56: {  	_ =	shalt  }
0x57: {  	_ =	shalt  }
0x58: {  	_ =	shalt  }
0x59: {  	_ =	shalt  }
0x5a: {  	_ =	shalt  }
0x5b: {  	_ =	shalt  }
0x5c: {  	_ =	shalt  }
0x5d: {  	_ =	shalt  }
0x5e: {  	_ =	shalt  }
0x5f: {  	_ =	shalt  }
0x60: {  	_ =	shalt  }
0x61: {  	_ =	shalt  }
0x62: {  	_ =	shalt  }
0x63: {  	_ =	shalt  }
0x64: {  	_ =	shalt  }
0x65: {  	_ =	shalt  }
0x66: {  	_ =	shalt  }
0x67: {  	_ =	shalt  }
0x68: {  	_ =	shalt  }
0x69: {  	_ =	shalt  }
0x6a: {  	_ =	shalt  }
0x6b: {  	_ =	shalt  }
0x6c: {  	_ =	shalt  }
0x6d: {  	_ =	shalt  }
0x6e: {  	_ =	shalt  }
0x6f: {  	_ =	shalt  }
0x70: {  	_ =	shalt  }
0x71: {  	_ =	shalt  }
0x72: {  	_ =	shalt  }
0x73: {  	_ =	shalt  }
0x74: {  	_ =	shalt  }
0x75: {  	_ =	shalt  }
0x76: {  	_ =	shalt  }
0x77: {  	_ =	shalt  }
0x78: {  	_ =	shalt  }
0x79: {  	_ =	shalt  }
0x7a: {  	_ =	shalt  }
0x7b: {  	_ =	shalt  }
0x7c: {  	_ =	shalt  }
0x7d: {  	_ =	shalt  }
0x7e: {  	_ =	shalt  }
0x7f: {  	_ =	shalt  }
0x80: {  	_ =	shalt  }
0x81: {  	_ =	shalt  }
0x82: {  	_ =	shalt  }
0x83: {  	_ =	shalt  }
0x84: {  	_ =	shalt  }
0x85: {  	_ =	shalt  }
0x86: {  	_ =	shalt  }
0x87: {  	_ =	shalt  }
.Lfunc_end0:
.L_simem_size_0:
called_computation.1_lowered:
.L_overlay_start_0:
0x88: {  	s2 =	sld [smem:$0x3FD9]  }
0x89: {  	s3 =	sld [smem:$0x3FFE];
	_ =	sdelay $0x1  }
0x8a: {  	s1 =	srdreg.scid  }
0x8b: {  	s0 =	sand.u32 $0x1, s1  }
0x8c: {  	s17 =	sshll.u32 s0, $0xA;
	s2 =	sadd.s32 s3, s2  }
0x8d: {  	s2 =	sadd.s32 s2, s17  }
0x8e: {  	[smem:$0x3FC2] =	sst s2  }
0x8f: {  	_ = 	snop  }
0x90: {  	s2 =	sld [smem:$0x3FD0];
	(tm) =	ssettm $0x1  }
0x91: {  	s18 =	sld [smem:$0x3FFB];
	_ =	sdelay $0x3  }
0x92: {  	_ =	strace s18  }
0x93: {  	s3 =	sld [smem:$0x3FFC];
	_ =	sdelay $0x3  }
0x94: {  	_ =	strace s3  }
0x95: {  	s3 =	sld [smem:$0x3FFD];
	_ =	sdelay $0x3  }
0x96: {  	_ =	strace s3  }
0x97: {  	_ =	strace $0x8FFFFFFF  }
0x98: {  	s19 =	sld [smem:$0x3FDB];
	_ =	sdelay $0x1  }
0x99: {  	s4 =	simm.s32 $_scs_section_size  }
0x9a: {  	s5 =	simm.s32 $_size__tile_overlayer_lowered;
	s6 =	simm.s32 $_tile_overlayer_lowered  }
0x9b: {  	s22 =	simm.s32 $0x1BFF;
	s21 =	sshll.u32 s6, $0x1;
	s3 =	sadd.s32 s4, s19  }
0x9c: {  	s7 =	simm.s32 $0x0;
	s20 =	sshll.u32 s5, $0x1;
	s5 =	sadd.s32 s21, s3  }
0x9d: {  	[timem:s7], [sflag:s22] =	dma.local [hbm:s5], s20  }
0x9e: {  	_ =	swait.ge [sflag:s22], s20  }
0x9f: {  	s4 =	ssub.s32 $0x0, s20;
	[sflag:s22] =	ssyncset.done $0x0  }
0xa0: {  	[sflag:s22] =	ssyncadd.s32 s4;
	_ =	sdelay $0x1  }
0xa1: {  	s23 =	simm.s32 $0x1B8B  }
0xa2: {  	_ =	swait.ge [sflag:s23], $0x1  }
0xa3: {  	[sflag:s23] =	ssyncset.done $0x0  }
0xa4: {  	s25 =	simm.s32 $0x1B8E;
	s24 =	sld [smem:$0x3FFE];
	[sflag:s23] =	ssyncadd.s32 $0xFFFFFFFF  }
0xa5: {  	s26 =	simm.s32 $execute0_lowered;
	[smem:$0x3FD2] =	sst s25  }
0xa6: {  	s5 =	sshll.u32 s26, $0x1;
	_ =	strace $0x80000049;
	[dreg:$0x1] =	wrdreg $0xFFFFFFFF  }
0xa7: {  	s28 =	simm.s32 $_size_execute0_lowered;
	s3 =	sadd.s32 s3, s5;
	[dreg:$0x0] =	wrdreg $0x0  }
0xa8: {  	s5 =	sshll.u32 s28, $0x1;
	[dreg:$0x2] =	wrdreg s3  }
0xa9: {  	[dreg:$0x3] =	wrdreg s5  }
0xaa: {  	[dreg:$0x4] =	wrdreg $0xC0  }
0xab: {  	_ =	task [dreg:s7], $0x5FFFF  }
0xac: {  	[dreg:$0x1] =	wrdreg $0xFFFFFFFF  }
0xad: {  	[dreg:$0x0] =	wrdreg $0x60  }
0xae: {  	[dreg:$0x2] =	wrdreg s24  }
0xaf: {  	[dreg:$0x3] =	wrdreg s2  }
0xb0: {  	[dreg:$0x4] =	wrdreg $0x90000  }
0xb1: {  	[dreg:$0x5] =	wrdreg $0x9  }
0xb2: {  	_ =	task.clear_ibuf [dreg:s7], $0x6FFFF;
	_ =	strace $0x90000049  }
0xb3: {  	s29 =	simm.s32 $0x9;
	_ =	strace $0x8000004B  }
0xb4: {  	_ =	swait.ge [sflag:s29], $0x1  }
0xb5: {  	[sflag:s29] =	ssyncadd.s32 $0xFFFFFFFF  }
0xb6: {  	_ =	strace $0x9000004B  }
0xb7: {  	_ =	sfence  }
0xb8: {  	s30 =	sld [smem:$0x0];
	_ =	sdelay $0x2  }
0xb9: {  	s31 =	sshll.u32 s1, $0xD;
	s1 =	sshrl.u32 s1, $0x2  }
0xba: {  	s3 =	sand.u32 $0x4000, s31;
	s1 =	sadd.s32 s1, s30  }
0xbb: {  	s0 =	sor.u32 s3, s0;
	s1 =	sshll.u32 s1, $0x11  }
0xbc: {  	s0 =	sor.u32 s1, s0  }
0xbd: {  	s0 =	sadd.s32 $0x8F2B, s0  }
0xbe: {  	[sflag:s0] =	ssyncadd.remote.s32 $0x1  }
0xbf: {  	_ =	sfence.sel $0xFFFF  }
0xc0: {  	[dreg:$0x0] =	wrdreg $0xFFFFFFFF;
	(pc) =	sbr.abs _section_cstart, $3  }
0xc1: {  	[dreg:$0x1] =	wrdreg $0xFFFFFFFF  }
0xc2: {  	_ =	task.clear_ibuf [dreg:s7], $0x2FFFF;
	_ =	strace $0x9FFFFFFF  }
0xc3: {  	(tm) =	ssettm $0x7FFFFFFF  }
tec
execute0_lowered:
.L_overlay_start_1:
0x0: {  	(tag) =	ssettag $0x1  }
0x1: {  	s5 =	rddreg [dreg:$0x0]  }
0x2: {  	s0 =	srdreg.scid;
	s7 =	rddreg [dreg:$0x1]  }
0x3: {  	s2 =	rddreg [dreg:$0x2];
	s3 =	simm.s32 $0x0;
	s15 =	simm.s32 $0x5000  }
0x4: {  	s16 =	simm.s32 $0x1;
	s6 =	sand.u32 $0x1, s0;
	s0 =	stileid.u32  }
0x5: {  	s17 =	simm.s32 $0x0;
	[smem:$0x7FF] =	sst s3;
	s9 =	smul.u32 $0x14000, s0  }
0x6: {  	s1 =	sshll.u32 s6, $0x4;
	s10 =	smul.u32 $0x140000, s6;
	s6 =	ssub.s32 $0x2, s6  }
0x7: {  	s29 =	smul.u32 $0x50000, s0;
	s31 =	sshll.u32 s0, $0x6;
	s4 =	sor.u32 s0, s1  }
0x8: {  	s1 =	rddreg [dreg:$0x3];
	_ =	strace $0x8000004A;
	s13 =	sshrl.u32 s6, $0x1  }
0x9: {  	s8 =	smul.u32 $0x500, s4;
	s4 =	sadd.s32 $0x60600, s5;
	s12 =	sshrl.u32 s9, $0x3  }
0xa: {  	s9 =	sadd.s32 s9, s10;
	s13 =	ssub.s32 s6, s13;
	s30 =	sshrl.u32 s29, $0x2  }
0xb: {  	s6 =	sor.u32 $0x1C02, s31;
	s12 =	sadd.s32 s12, s5;
	s9 =	sshrl.u32 s9, $0x3  }
0xc: {  	s14 =	sadd.s32 s30, s2;
	s10 =	smax.u32 s13, $0x1;
	s13 =	simm.s32 $0x2800  }
0xd: {  	s11 =	sadd.s32 s8, s5;
	s9 =	sadd.s32 s9, s5;
	s5 =	sadd.s32 $0x88600, s12  }
0xe: {  	s7 =	sadd.s32 s7, s8;
	s12 =	simm.s32 $0x2;
	s8 =	sadd.s32 $0x5600, s11  }
0xf: {  	s9 =	sadd.s32 $0xB0600, s9;
	s11 =	sshrl.u32 s14, $0x3;
	s14 =	simm.s32 $0x80  }
.LBB2_1:
0x10: {  	[spmem:s11], [sflag:s6] =	dma.local [hbm:s5], $0x2800  }
0x11: {  	_ =	swait.ge [sflag:s12], $0x2800  }
0x12: {  	[sflag:s12] =	ssyncset.done $0x0  }
0x13: {  	[sflag:s12] =	ssyncadd.s32 $0xFFFFD800  }
0x14: {  	[bflag:$0x0] =	sbarrier.arrive $0xFFFF  }
0x15: {  	[tilespmem:s3], [sflag:$0x2] =	stream.linear.gather [hbm4b:s7+s3], $0x2780, $0x38;
	[tilespmem:$0x1D000] =	vst v63  }
0x16: {  	_ =	swait.ge [sflag:s12], $0x2780  }
0x17: {  	[sflag:s12] =	ssyncset.done $0x0  }
0x18: {  	[sflag:s12] =	ssyncadd.s32 $0xFFFFD880  }
0x19: {  	[tilespmem:s13], [sflag:$0x2] =	stream.linear.gather [hbm4b:s8+s3], $0x2780, $0x38;
	[tilespmem:$0x1D000] =	vst v63  }
0x1a: {  	_ =	swait.ge [sflag:s12], $0x2780  }
0x1b: {  	[sflag:s12] =	ssyncset.done $0x0  }
0x1c: {  	s18 =	simm.s32 $0x0;
	[sflag:s12] =	ssyncadd.s32 $0xFFFFD880  }
0x1d: {  	[tilespmem:s15], [sflag:$0x1] =	stream.indirect.gather [hbm4b:s4+s14], $0x80, s18, s14, $0xb8;
	[tilespmem:$0x1D000] =	vst v63  }
0x1e: {  	_ =	swait.ge [sflag:s16], $0x4000  }
0x1f: {  	[sflag:s16] =	ssyncset.done $0x0  }
0x20: {  	s31 =	simm.s32 $0x2800;
	[sflag:s16] =	ssyncadd.s32 $0xFFFFC000  }
0x21: {  	[spmem:s2] =	stream.indirect.scatter.add.f32 [tilespmem:s15], [sflag:$0x2], $0x80, s31, s14, $0xb8;
	[tilespmem:$0x1D000] =	vst v63  }
0x22: {  	_ =	swait.ge [sflag:s12], $0x4000  }
0x23: {  	s19 =	simm.s32 $0x400;
	s18 =	simm.s32 $0x200;
	[sflag:s12] =	ssyncset.done $0x0  }
.LBB2_2:
0x24: {  	s20 =	sshra.s32 s18, $0x2  }
0x25: {  	[sflag:s12] =	ssyncadd.s32 $0xFFFFC000;
	s18 =	smov.u32 s19;
	s21 =	sadd.s32 $0x200, s19  }
0x26: {  	[tilespmem:s15], [sflag:$0x1] =	stream.indirect.gather [hbm4b:s4+s14], $0x80, s20, s14, $0xb8;
	[tilespmem:$0x1D000] =	vst v63  }
0x27: {  	p0 =	sne.s32 s19, $0x9C00;
	_ =	swait.ge [sflag:s16], $0x4000  }
.Ltmp0:
0x28: {  	[sflag:s16] =	ssyncset.done $0x0;
	(pc) =	sbr.rel @p0 .LBB2_2-.Ltmp0, $4  }
0x29: {  	s19 =	sadd.s32 $0x2800, s20;
	[sflag:s16] =	ssyncadd.s32 $0xFFFFC000  }
0x2a: {  	[spmem:s2] =	stream.indirect.scatter.add.f32 [tilespmem:s15], [sflag:$0x2], $0x80, s19, s14, $0xb8;
	[tilespmem:$0x1D000] =	vst v63  }
0x2b: {  	_ =	swait.ge [sflag:s12], $0x4000  }
0x2c: {  	s19 =	smov.u32 s21;
	[sflag:s12] =	ssyncset.done $0x0  }
0x2d: {  	s18 =	sshra.s32 s18, $0x2;
	[sflag:s12] =	ssyncadd.s32 $0xFFFFC000  }
0x2e: {  	[tilespmem:s15], [sflag:$0x1] =	stream.indirect.gather [hbm4b:s4+s14], $0x80, s18, s14, $0xb8;
	[tilespmem:$0x1D000] =	vst v63  }
0x2f: {  	_ =	swait.ge [sflag:s16], $0x4000  }
0x30: {  	[sflag:s16] =	ssyncset.done $0x0  }
0x31: {  	s18 =	sadd.s32 $0x2800, s18;
	[sflag:s16] =	ssyncadd.s32 $0xFFFFC000  }
0x32: {  	[spmem:s2] =	stream.indirect.scatter.add.f32 [tilespmem:s15], [sflag:$0x2], $0x80, s18, s14, $0xb8;
	[tilespmem:$0x1D000] =	vst v63  }
0x33: {  	_ =	swait.ge [sflag:s12], $0x4000  }
0x34: {  	s17 =	sadd.s32 $0x1, s17;
	[sflag:s12] =	ssyncset.done $0x0  }
0x35: {  	p0 =	sne.s32 s17, s10;
	[sflag:s12] =	ssyncadd.s32 $0xFFFFC000  }
.Ltmp1:
0x36: {  	[bflag:$0x0] =	sbarrier.arrive $0xFFFF;
	(pc) =	sbr.rel @p0 .LBB2_1-.Ltmp1, $4  }
0x37: {  	[hbm:s9], [sflag:s6] =	dma.local [spmem:s11], $0x2800  }
0x38: {  	_ =	swait.ge [sflag:s12], $0x2800  }
0x39: {  	[sflag:s12] =	ssyncset.done $0x0  }
0x3a: {  	[sflag:s12] =	ssyncadd.s32 $0xFFFFD800  }
0x3b: {  	_ =	sfence.sel $0x180000  }
0x3c: {  	[bflag:$0x0] =	sbarrier.arrive $0xFFFF  }
0x3d: {  	p0 =	sne.s32 s0, $0x0;
	_ =	strace $0x9000004A  }
0x3e: {  	s0 =	sadd.s32 @!p0 $0x100000, s1;
	[bflag:$0x2] =	sbarrier.arrive $0xFFFF  }
0x3f: {  	[sflag:s0] =	ssyncadd.tile.s32 @!p0 $0x1;
	_ =	shalt  }
.Lfunc_end2:
_tile_overlayer_lowered:
.L_overlay_start_2:
0x40: {  	(tag) =	ssettag $0x2  }
0x41: {  	s0 =	rddreg [dreg:$0x0];
	s2 =	stileid.u32  }
0x42: {  	s1 =	rddreg [dreg:$0x1];
	p0 =	sne.s32 s2, $0x0  }
0x43: {  	s3 =	rddreg [dreg:$0x2];
	[bflag:$0x3] =	sbarrier.arrive $0xFFFF;
	s2 =	simm.s32 @!p0 $0x1C02  }
0x44: {  	[timem:s3], [sflag:s2] =	dma.local @!p0 [hbm:s0], s1  }
0x45: {  	s0 =	simm.s32 @!p0 $0x2  }
0x46: {  	_ =	swait.ge @!p0 [sflag:s0], s1  }
0x47: {  	s1 =	ssub.s32 @!p0 $0x0, s1;
	[sflag:s0] =	ssyncset.done @!p0 $0x0  }
0x48: {  	[sflag:s0] =	ssyncadd.s32 @!p0 s1  }
0x49: {  	[bflag:$0x3] =	sbarrier.arrive $0xFFFF  }
0x4a: {  	_ =	shalt  }

// kernel: kernel.27.cloned.1.call-start
scs
__scs_entry_jumppad:
0x0: {  	(pc) =	sbr.rel $0x88, $3  }
0x1: {  	(tag) =	ssettag $0x0;
	lr =	simm.s32 $0x1  }
0x2: {  	[smem:$0x3F9B] =	sst lr;
	_ =	strace $0xD0000000  }
0x3: {  	_ = 	snop  }
0x4: {  	_ = 	snop  }
0x5: {  	_ = 	snop  }
0x6: {  	_ = 	snop  }
0x7: {  	_ = 	snop  }
__scs_overlays_trampoline_lowered:
0x8: {  	[smem:$0x3FAA] =	sst s0  }
0x9: {  	[smem:$0x3FAB] =	sst s1  }
0xa: {  	[smem:$0x3FAC] =	sst s2  }
0xb: {  	[smem:$0x3FAD] =	sst s3  }
0xc: {  	[smem:$0x3FAE] =	sst s4  }
0xd: {  	[smem:$0x3FAF] =	sst s5  }
0xe: {  	[smem:$0x3FB0] =	sst s6  }
0xf: {  	[smem:$0x3FB1] =	sst s7  }
0x10: {  	[smem:$0x3FB2] =	sst s8  }
0x11: {  	[smem:$0x3FB3] =	sst s9;
	s0 =	simm.s32 @!p0 $0x0  }
0x12: {  	s1 =	sld [smem:$0x3F99];
	s0 =	simm.s32 @p0 $0x1  }
0x13: {  	[smem:$0x3FB4] =	sst s0;
	s0 =	simm.s32 @!p1 $0x0  }
0x14: {  	s2 =	sld [smem:$0x3F98];
	s0 =	simm.s32 @p1 $0x1  }
0x15: {  	[smem:$0x3FB5] =	sst s0;
	s0 =	simm.s32 @!p2 $0x0  }
0x16: {  	s3 =	sld [smem:$0x3FDB];
	s0 =	simm.s32 @p2 $0x1  }
0x17: {  	s4 =	simm.s32 $0x1BF5;
	[smem:$0x3FB7] =	sst s0  }
0x18: {  	s0 =	sld [smem:$0x3F9A];
	_ =	swait.ge [sflag:s4], $0x0  }
0x19: {  	s7 =	sld [smem:$0x3F9B]  }
0x1a: {  	s8 =	sadd.s32 $0xFFFFE003, lr  }
0x1b: {  	s9 =	sadd.s32 $0xFFFFFEF7, lr;
	s5 =	simm.s32 $0xFFFFFFFF;
	p2 =	slt.u32 s8, $0xFFFFF086  }
0x1c: {  	p1 =	slt.u32 s9, $0xF7A;
	s5 =	simm.s32 @!p2 $0x0  }
0x1d: {  	s5 =	simm.s32 @p1 $0x1;
	p0 =	seq.s32 s7, s2  }
0x1e: {  	s7 =	smul.u32 @!p0 $0xF7A, s2;
	p2 =	seq.s32 @!p0 s5, $0x0  }
0x1f: {  	s9 =	smul.u32 $0xF7A, s1;
	s8 =	simm.s32 @!p0 $0x1BF5;
	p2 =	por !p2, p0  }
0x20: {  	[sflag:s8] =	ssyncset.s32 @!p0 $0xFFFFF086;
	s6 =	sadd.s32 @!p0 s3, s7;
	s7 =	simm.s32 @!p0 $0x108  }
0x21: {  	s3 =	sadd.s32 s3, s9;
	s6 =	sadd.s32 @!p0 $0x88, s6;
	s7 =	simm.s32 @p2 $0x1082  }
0x22: {  	[simem:s7], [sflag:s8] =	dma.local @!p0 [hbm:s6], $0xF7A  }
0x23: {  	s9 =	sor.u32 $0xD0000000, s2;
	s6 =	simm.s32 $0x108;
	_ =	swait.ge @!p0 [sflag:s8], $0x0  }
0x24: {  	s3 =	sadd.s32 $0x88, s3;
	s6 =	simm.s32 @!p1 $0x1082;
	[sflag:s4] =	ssyncset.s32 $0xFFFFF086  }
0x25: {  	[simem:s6], [sflag:s4] =	dma.local [hbm:s3], $0xF7A  }
0x26: {  	[smem:$0x3F9B] =	sst s1;
	(tag) =	ssettag s2;
	_ =	strace s9  }
0x27: {  	s1 =	sld [smem:$0x3FAB]  }
0x28: {  	s2 =	sld [smem:$0x3FAC]  }
0x29: {  	s4 =	sld [smem:$0x3FAE]  }
0x2a: {  	p0 =	seq.s32 s5, $0x0;
	s5 =	sld [smem:$0x3FAF]  }
0x2b: {  	s6 =	sld [smem:$0x3FB0]  }
0x2c: {  	s7 =	sld [smem:$0x3FB1]  }
0x2d: {  	s3 =	simm.s32 $0x108;
	s8 =	sld [smem:$0x3FB2]  }
0x2e: {  	s3 =	simm.s32 @!p0 $0x1082;
	s9 =	sld [smem:$0x3FB3]  }
0x2f: {  	lr =	sadd.s32 s0, s3;
	s0 =	sld [smem:$0x3FAA]  }
0x30: {  	s3 =	sld [smem:$0x3FAD]  }
0x31: {  	[smem:$0x3FB6] =	sst s10  }
0x32: {  	s10 =	sld [smem:$0x3FB4];
	_ =	sdelay $0x3  }
0x33: {  	p0 =	seq.s32 s10, $0x1;
	s10 =	sld [smem:$0x3FB6];
	_ =	sdelay $0x3  }
0x34: {  	[smem:$0x3FB6] =	sst s10  }
0x35: {  	s10 =	sld [smem:$0x3FB5];
	_ =	sdelay $0x3  }
0x36: {  	p1 =	seq.s32 s10, $0x1;
	s10 =	sld [smem:$0x3FB6];
	_ =	sdelay $0x3  }
0x37: {  	[smem:$0x3FB6] =	sst s10  }
0x38: {  	s10 =	sld [smem:$0x3FB7]  }
0x39: {  	_ = 	snop;
	(pc) =	sbr.ind lr, $3  }
0x3a: {  	_ = 	snop  }
0x3b: {  	_ = 	snop  }
0x3c: {  	p2 =	seq.s32 s10, $0x1;
	s10 =	sld [smem:$0x3FB6]  }
0x3d: {  	_ =	shalt  }
0x3e: {  	_ =	shalt  }
0x3f: {  	_ =	shalt  }
0x40: {  	_ =	shalt  }
0x41: {  	_ =	shalt  }
0x42: {  	_ =	shalt  }
0x43: {  	_ =	shalt  }
0x44: {  	_ =	shalt  }
0x45: {  	_ =	shalt  }
0x46: {  	_ =	shalt  }
0x47: {  	_ =	shalt  }
0x48: {  	_ =	shalt  }
0x49: {  	_ =	shalt  }
0x4a: {  	_ =	shalt  }
0x4b: {  	_ =	shalt  }
0x4c: {  	_ =	shalt  }
0x4d: {  	_ =	shalt  }
0x4e: {  	_ =	shalt  }
0x4f: {  	_ =	shalt  }
0x50: {  	_ =	shalt  }
0x51: {  	_ =	shalt  }
0x52: {  	_ =	shalt  }
0x53: {  	_ =	shalt  }
0x54: {  	_ =	shalt  }
0x55: {  	_ =	shalt  }
0x56: {  	_ =	shalt  }
0x57: {  	_ =	shalt  }
0x58: {  	_ =	shalt  }
0x59: {  	_ =	shalt  }
0x5a: {  	_ =	shalt  }
0x5b: {  	_ =	shalt  }
0x5c: {  	_ =	shalt  }
0x5d: {  	_ =	shalt  }
0x5e: {  	_ =	shalt  }
0x5f: {  	_ =	shalt  }
0x60: {  	_ =	shalt  }
0x61: {  	_ =	shalt  }
0x62: {  	_ =	shalt  }
0x63: {  	_ =	shalt  }
0x64: {  	_ =	shalt  }
0x65: {  	_ =	shalt  }
0x66: {  	_ =	shalt  }
0x67: {  	_ =	shalt  }
0x68: {  	_ =	shalt  }
0x69: {  	_ =	shalt  }
0x6a: {  	_ =	shalt  }
0x6b: {  	_ =	shalt  }
0x6c: {  	_ =	shalt  }
0x6d: {  	_ =	shalt  }
0x6e: {  	_ =	shalt  }
0x6f: {  	_ =	shalt  }
0x70: {  	_ =	shalt  }
0x71: {  	_ =	shalt  }
0x72: {  	_ =	shalt  }
0x73: {  	_ =	shalt  }
0x74: {  	_ =	shalt  }
0x75: {  	_ =	shalt  }
0x76: {  	_ =	shalt  }
0x77: {  	_ =	shalt  }
0x78: {  	_ =	shalt  }
0x79: {  	_ =	shalt  }
0x7a: {  	_ =	shalt  }
0x7b: {  	_ =	shalt  }
0x7c: {  	_ =	shalt  }
0x7d: {  	_ =	shalt  }
0x7e: {  	_ =	shalt  }
0x7f: {  	_ =	shalt  }
0x80: {  	_ =	shalt  }
0x81: {  	_ =	shalt  }
0x82: {  	_ =	shalt  }
0x83: {  	_ =	shalt  }
0x84: {  	_ =	shalt  }
0x85: {  	_ =	shalt  }
0x86: {  	_ =	shalt  }
0x87: {  	_ =	shalt  }
.Lfunc_end0:
.L_simem_size_0:
called_computation.2_lowered:
.L_overlay_start_0:
0x88: {  	s2 =	sld [smem:$0x3FD9]  }
0x89: {  	s3 =	sld [smem:$0x3FFE];
	_ =	sdelay $0x1  }
0x8a: {  	s1 =	srdreg.scid  }
0x8b: {  	s0 =	sand.u32 $0x1, s1  }
0x8c: {  	s17 =	sshll.u32 s0, $0xA;
	s2 =	sadd.s32 s3, s2  }
0x8d: {  	s2 =	sadd.s32 s2, s17  }
0x8e: {  	[smem:$0x3FC2] =	sst s2  }
0x8f: {  	_ = 	snop  }
0x90: {  	s2 =	sld [smem:$0x3FD0];
	(tm) =	ssettm $0x1  }
0x91: {  	s18 =	sld [smem:$0x3FFB];
	_ =	sdelay $0x3  }
0x92: {  	_ =	strace s18  }
0x93: {  	s3 =	sld [smem:$0x3FFC];
	_ =	sdelay $0x3  }
0x94: {  	_ =	strace s3  }
0x95: {  	s3 =	sld [smem:$0x3FFD];
	_ =	sdelay $0x3  }
0x96: {  	_ =	strace s3  }
0x97: {  	_ =	strace $0x8FFFFFFF  }
0x98: {  	s19 =	sld [smem:$0x3FDB];
	_ =	sdelay $0x1  }
0x99: {  	s4 =	simm.s32 $_scs_section_size  }
0x9a: {  	s5 =	simm.s32 $_size__tile_overlayer_lowered;
	s6 =	simm.s32 $_tile_overlayer_lowered  }
0x9b: {  	s22 =	simm.s32 $0x1BFF;
	s21 =	sshll.u32 s6, $0x1;
	s3 =	sadd.s32 s4, s19  }
0x9c: {  	s7 =	simm.s32 $0x0;
	s20 =	sshll.u32 s5, $0x1;
	s5 =	sadd.s32 s21, s3  }
0x9d: {  	[timem:s7], [sflag:s22] =	dma.local [hbm:s5], s20  }
0x9e: {  	_ =	swait.ge [sflag:s22], s20  }
0x9f: {  	s4 =	ssub.s32 $0x0, s20;
	[sflag:s22] =	ssyncset.done $0x0  }
0xa0: {  	[sflag:s22] =	ssyncadd.s32 s4;
	_ =	sdelay $0x1  }
0xa1: {  	s23 =	simm.s32 $0x1B8B  }
0xa2: {  	_ =	swait.ge [sflag:s23], $0x1  }
0xa3: {  	[sflag:s23] =	ssyncset.done $0x0  }
0xa4: {  	s25 =	simm.s32 $0x1B8E;
	s24 =	sld [smem:$0x3FFE];
	[sflag:s23] =	ssyncadd.s32 $0xFFFFFFFF  }
0xa5: {  	s26 =	simm.s32 $execute0_lowered;
	[smem:$0x3FD2] =	sst s25  }
0xa6: {  	s5 =	sshll.u32 s26, $0x1;
	_ =	strace $0x8000004C;
	[dreg:$0x1] =	wrdreg $0xFFFFFFFF  }
0xa7: {  	s28 =	simm.s32 $_size_execute0_lowered;
	s3 =	sadd.s32 s3, s5;
	[dreg:$0x0] =	wrdreg $0x0  }
0xa8: {  	s5 =	sshll.u32 s28, $0x1;
	[dreg:$0x2] =	wrdreg s3  }
0xa9: {  	[dreg:$0x3] =	wrdreg s5  }
0xaa: {  	[dreg:$0x4] =	wrdreg $0xC0  }
0xab: {  	_ =	task [dreg:s7], $0x5FFFF  }
0xac: {  	[dreg:$0x1] =	wrdreg $0xFFFFFFFF  }
0xad: {  	[dreg:$0x0] =	wrdreg $0x60  }
0xae: {  	[dreg:$0x2] =	wrdreg s24  }
0xaf: {  	[dreg:$0x3] =	wrdreg s2  }
0xb0: {  	[dreg:$0x4] =	wrdreg $0x90000  }
0xb1: {  	[dreg:$0x5] =	wrdreg $0x9  }
0xb2: {  	_ =	task.clear_ibuf [dreg:s7], $0x6FFFF;
	_ =	strace $0x9000004C  }
0xb3: {  	s29 =	simm.s32 $0x9;
	_ =	strace $0x8000004E  }
0xb4: {  	_ =	swait.ge [sflag:s29], $0x1  }
0xb5: {  	[sflag:s29] =	ssyncadd.s32 $0xFFFFFFFF  }
0xb6: {  	_ =	strace $0x9000004E  }
0xb7: {  	_ =	sfence  }
0xb8: {  	s30 =	sld [smem:$0x0];
	_ =	sdelay $0x2  }
0xb9: {  	s31 =	sshll.u32 s1, $0xD;
	s1 =	sshrl.u32 s1, $0x2  }
0xba: {  	s3 =	sand.u32 $0x4000, s31;
	s1 =	sadd.s32 s1, s30  }
0xbb: {  	s0 =	sor.u32 s3, s0;
	s1 =	sshll.u32 s1, $0x11  }
0xbc: {  	s0 =	sor.u32 s1, s0  }
0xbd: {  	s0 =	sadd.s32 $0x8F2B, s0  }
0xbe: {  	[sflag:s0] =	ssyncadd.remote.s32 $0x1  }
0xbf: {  	_ =	sfence.sel $0xFFFF  }
0xc0: {  	[dreg:$0x0] =	wrdreg $0xFFFFFFFF;
	(pc) =	sbr.abs _section_cstart, $3  }
0xc1: {  	[dreg:$0x1] =	wrdreg $0xFFFFFFFF  }
0xc2: {  	_ =	task.clear_ibuf [dreg:s7], $0x2FFFF;
	_ =	strace $0x9FFFFFFF  }
0xc3: {  	(tm) =	ssettm $0x7FFFFFFF  }
tec
execute0_lowered:
.L_overlay_start_1:
0x0: {  	(tag) =	ssettag $0x1  }
0x1: {  	s5 =	rddreg [dreg:$0x0]  }
0x2: {  	s0 =	srdreg.scid;
	s7 =	rddreg [dreg:$0x1]  }
0x3: {  	s2 =	rddreg [dreg:$0x2];
	s3 =	simm.s32 $0x0;
	s15 =	simm.s32 $0x5000  }
0x4: {  	s16 =	simm.s32 $0x1;
	s6 =	sand.u32 $0x1, s0;
	s0 =	stileid.u32  }
0x5: {  	s17 =	simm.s32 $0x0;
	[smem:$0x7FF] =	sst s3;
	s9 =	smul.u32 $0x14000, s0  }
0x6: {  	s1 =	sshll.u32 s6, $0x4;
	s10 =	smul.u32 $0x140000, s6;
	s6 =	ssub.s32 $0x2, s6  }
0x7: {  	s29 =	smul.u32 $0x50000, s0;
	s31 =	sshll.u32 s0, $0x6;
	s4 =	sor.u32 s0, s1  }
0x8: {  	s1 =	rddreg [dreg:$0x3];
	_ =	strace $0x8000004D;
	s13 =	sshrl.u32 s6, $0x1  }
0x9: {  	s8 =	smul.u32 $0x500, s4;
	s4 =	sadd.s32 $0x60600, s5;
	s12 =	sshrl.u32 s9, $0x3  }
0xa: {  	s9 =	sadd.s32 s9, s10;
	s13 =	ssub.s32 s6, s13;
	s30 =	sshrl.u32 s29, $0x2  }
0xb: {  	s6 =	sor.u32 $0x1C02, s31;
	s12 =	sadd.s32 s12, s5;
	s9 =	sshrl.u32 s9, $0x3  }
0xc: {  	s14 =	sadd.s32 s30, s2;
	s10 =	smax.u32 s13, $0x1;
	s13 =	simm.s32 $0x2800  }
0xd: {  	s11 =	sadd.s32 s8, s5;
	s9 =	sadd.s32 s9, s5;
	s5 =	sadd.s32 $0x88600, s12  }
0xe: {  	s7 =	sadd.s32 s7, s8;
	s12 =	simm.s32 $0x2;
	s8 =	sadd.s32 $0x5600, s11  }
0xf: {  	s9 =	sadd.s32 $0xB0600, s9;
	s11 =	sshrl.u32 s14, $0x3;
	s14 =	simm.s32 $0x80  }
.LBB2_1:
0x10: {  	[spmem:s11], [sflag:s6] =	dma.local [hbm:s5], $0x2800  }
0x11: {  	_ =	swait.ge [sflag:s12], $0x2800  }
0x12: {  	[sflag:s12] =	ssyncset.done $0x0  }
0x13: {  	[sflag:s12] =	ssyncadd.s32 $0xFFFFD800  }
0x14: {  	[bflag:$0x0] =	sbarrier.arrive $0xFFFF  }
0x15: {  	[tilespmem:s3], [sflag:$0x2] =	stream.linear.gather [hbm4b:s7+s3], $0x2780, $0x38;
	[tilespmem:$0x1D000] =	vst v63  }
0x16: {  	_ =	swait.ge [sflag:s12], $0x2780  }
0x17: {  	[sflag:s12] =	ssyncset.done $0x0  }
0x18: {  	[sflag:s12] =	ssyncadd.s32 $0xFFFFD880  }
0x19: {  	[tilespmem:s13], [sflag:$0x2] =	stream.linear.gather [hbm4b:s8+s3], $0x2780, $0x38;
	[tilespmem:$0x1D000] =	vst v63  }
0x1a: {  	_ =	swait.ge [sflag:s12], $0x2780  }
0x1b: {  	[sflag:s12] =	ssyncset.done $0x0  }
0x1c: {  	s18 =	simm.s32 $0x0;
	[sflag:s12] =	ssyncadd.s32 $0xFFFFD880  }
0x1d: {  	[tilespmem:s15], [sflag:$0x1] =	stream.indirect.gather [hbm4b:s4+s14], $0x80, s18, s14, $0xb8;
	[tilespmem:$0x1D000] =	vst v63  }
0x1e: {  	_ =	swait.ge [sflag:s16], $0x4000  }
0x1f: {  	[sflag:s16] =	ssyncset.done $0x0  }
0x20: {  	s31 =	simm.s32 $0x2800;
	[sflag:s16] =	ssyncadd.s32 $0xFFFFC000  }
0x21: {  	[spmem:s2] =	stream.indirect.scatter.add.f32 [tilespmem:s15], [sflag:$0x2], $0x80, s31, s14, $0xb8;
	[tilespmem:$0x1D000] =	vst v63  }
0x22: {  	_ =	swait.ge [sflag:s12], $0x4000  }
0x23: {  	s19 =	simm.s32 $0x400;
	s18 =	simm.s32 $0x200;
	[sflag:s12] =	ssyncset.done $0x0  }
.LBB2_2:
0x24: {  	s20 =	sshra.s32 s18, $0x2  }
0x25: {  	[sflag:s12] =	ssyncadd.s32 $0xFFFFC000;
	s18 =	smov.u32 s19;
	s21 =	sadd.s32 $0x200, s19  }
0x26: {  	[tilespmem:s15], [sflag:$0x1] =	stream.indirect.gather [hbm4b:s4+s14], $0x80, s20, s14, $0xb8;
	[tilespmem:$0x1D000] =	vst v63  }
0x27: {  	p0 =	sne.s32 s19, $0x9C00;
	_ =	swait.ge [sflag:s16], $0x4000  }
.Ltmp0:
0x28: {  	[sflag:s16] =	ssyncset.done $0x0;
	(pc) =	sbr.rel @p0 .LBB2_2-.Ltmp0, $4  }
0x29: {  	s19 =	sadd.s32 $0x2800, s20;
	[sflag:s16] =	ssyncadd.s32 $0xFFFFC000  }
0x2a: {  	[spmem:s2] =	stream.indirect.scatter.add.f32 [tilespmem:s15], [sflag:$0x2], $0x80, s19, s14, $0xb8;
	[tilespmem:$0x1D000] =	vst v63  }
0x2b: {  	_ =	swait.ge [sflag:s12], $0x4000  }
0x2c: {  	s19 =	smov.u32 s21;
	[sflag:s12] =	ssyncset.done $0x0  }
0x2d: {  	s18 =	sshra.s32 s18, $0x2;
	[sflag:s12] =	ssyncadd.s32 $0xFFFFC000  }
0x2e: {  	[tilespmem:s15], [sflag:$0x1] =	stream.indirect.gather [hbm4b:s4+s14], $0x80, s18, s14, $0xb8;
	[tilespmem:$0x1D000] =	vst v63  }
0x2f: {  	_ =	swait.ge [sflag:s16], $0x4000  }
0x30: {  	[sflag:s16] =	ssyncset.done $0x0  }
0x31: {  	s18 =	sadd.s32 $0x2800, s18;
	[sflag:s16] =	ssyncadd.s32 $0xFFFFC000  }
0x32: {  	[spmem:s2] =	stream.indirect.scatter.add.f32 [tilespmem:s15], [sflag:$0x2], $0x80, s18, s14, $0xb8;
	[tilespmem:$0x1D000] =	vst v63  }
0x33: {  	_ =	swait.ge [sflag:s12], $0x4000  }
0x34: {  	s17 =	sadd.s32 $0x1, s17;
	[sflag:s12] =	ssyncset.done $0x0  }
0x35: {  	p0 =	sne.s32 s17, s10;
	[sflag:s12] =	ssyncadd.s32 $0xFFFFC000  }
.Ltmp1:
0x36: {  	[bflag:$0x0] =	sbarrier.arrive $0xFFFF;
	(pc) =	sbr.rel @p0 .LBB2_1-.Ltmp1, $4  }
0x37: {  	[hbm:s9], [sflag:s6] =	dma.local [spmem:s11], $0x2800  }
0x38: {  	_ =	swait.ge [sflag:s12], $0x2800  }
0x39: {  	[sflag:s12] =	ssyncset.done $0x0  }
0x3a: {  	[sflag:s12] =	ssyncadd.s32 $0xFFFFD800  }
0x3b: {  	_ =	sfence.sel $0x180000  }
0x3c: {  	[bflag:$0x0] =	sbarrier.arrive $0xFFFF  }
0x3d: {  	p0 =	sne.s32 s0, $0x0;
	_ =	strace $0x9000004D  }
0x3e: {  	s0 =	sadd.s32 @!p0 $0x100000, s1;
	[bflag:$0x2] =	sbarrier.arrive $0xFFFF  }
0x3f: {  	[sflag:s0] =	ssyncadd.tile.s32 @!p0 $0x1;
	_ =	shalt  }
.Lfunc_end2:
_tile_overlayer_lowered:
.L_overlay_start_2:
0x40: {  	(tag) =	ssettag $0x2  }
0x41: {  	s0 =	rddreg [dreg:$0x0];
	s2 =	stileid.u32  }
0x42: {  	s1 =	rddreg [dreg:$0x1];
	p0 =	sne.s32 s2, $0x0  }
0x43: {  	s3 =	rddreg [dreg:$0x2];
	[bflag:$0x3] =	sbarrier.arrive $0xFFFF;
	s2 =	simm.s32 @!p0 $0x1C02  }
0x44: {  	[timem:s3], [sflag:s2] =	dma.local @!p0 [hbm:s0], s1  }
0x45: {  	s0 =	simm.s32 @!p0 $0x2  }
0x46: {  	_ =	swait.ge @!p0 [sflag:s0], s1  }
0x47: {  	s1 =	ssub.s32 @!p0 $0x0, s1;
	[sflag:s0] =	ssyncset.done @!p0 $0x0  }
0x48: {  	[sflag:s0] =	ssyncadd.s32 @!p0 s1  }
0x49: {  	[bflag:$0x3] =	sbarrier.arrive $0xFFFF  }
0x4a: {  	_ =	shalt  }

// kernel: kernel.30.cloned.1.call-start
scs
__scs_entry_jumppad:
0x0: {  	(pc) =	sbr.rel $0x88, $3  }
0x1: {  	(tag) =	ssettag $0x0;
	lr =	simm.s32 $0x1  }
0x2: {  	[smem:$0x3F9B] =	sst lr;
	_ =	strace $0xD0000000  }
0x3: {  	_ = 	snop  }
0x4: {  	_ = 	snop  }
0x5: {  	_ = 	snop  }
0x6: {  	_ = 	snop  }
0x7: {  	_ = 	snop  }
__scs_overlays_trampoline_lowered:
0x8: {  	[smem:$0x3FAA] =	sst s0  }
0x9: {  	[smem:$0x3FAB] =	sst s1  }
0xa: {  	[smem:$0x3FAC] =	sst s2  }
0xb: {  	[smem:$0x3FAD] =	sst s3  }
0xc: {  	[smem:$0x3FAE] =	sst s4  }
0xd: {  	[smem:$0x3FAF] =	sst s5  }
0xe: {  	[smem:$0x3FB0] =	sst s6  }
0xf: {  	[smem:$0x3FB1] =	sst s7  }
0x10: {  	[smem:$0x3FB2] =	sst s8  }
0x11: {  	[smem:$0x3FB3] =	sst s9;
	s0 =	simm.s32 @!p0 $0x0  }
0x12: {  	s1 =	sld [smem:$0x3F99];
	s0 =	simm.s32 @p0 $0x1  }
0x13: {  	[smem:$0x3FB4] =	sst s0;
	s0 =	simm.s32 @!p1 $0x0  }
0x14: {  	s2 =	sld [smem:$0x3F98];
	s0 =	simm.s32 @p1 $0x1  }
0x15: {  	[smem:$0x3FB5] =	sst s0;
	s0 =	simm.s32 @!p2 $0x0  }
0x16: {  	s3 =	sld [smem:$0x3FDB];
	s0 =	simm.s32 @p2 $0x1  }
0x17: {  	s4 =	simm.s32 $0x1BF5;
	[smem:$0x3FB7] =	sst s0  }
0x18: {  	s0 =	sld [smem:$0x3F9A];
	_ =	swait.ge [sflag:s4], $0x0  }
0x19: {  	s7 =	sld [smem:$0x3F9B]  }
0x1a: {  	s8 =	sadd.s32 $0xFFFFE003, lr  }
0x1b: {  	s9 =	sadd.s32 $0xFFFFFEF7, lr;
	s5 =	simm.s32 $0xFFFFFFFF;
	p2 =	slt.u32 s8, $0xFFFFF086  }
0x1c: {  	p1 =	slt.u32 s9, $0xF7A;
	s5 =	simm.s32 @!p2 $0x0  }
0x1d: {  	s5 =	simm.s32 @p1 $0x1;
	p0 =	seq.s32 s7, s2  }
0x1e: {  	s7 =	smul.u32 @!p0 $0xF7A, s2;
	p2 =	seq.s32 @!p0 s5, $0x0  }
0x1f: {  	s9 =	smul.u32 $0xF7A, s1;
	s8 =	simm.s32 @!p0 $0x1BF5;
	p2 =	por !p2, p0  }
0x20: {  	[sflag:s8] =	ssyncset.s32 @!p0 $0xFFFFF086;
	s6 =	sadd.s32 @!p0 s3, s7;
	s7 =	simm.s32 @!p0 $0x108  }
0x21: {  	s3 =	sadd.s32 s3, s9;
	s6 =	sadd.s32 @!p0 $0x88, s6;
	s7 =	simm.s32 @p2 $0x1082  }
0x22: {  	[simem:s7], [sflag:s8] =	dma.local @!p0 [hbm:s6], $0xF7A  }
0x23: {  	s9 =	sor.u32 $0xD0000000, s2;
	s6 =	simm.s32 $0x108;
	_ =	swait.ge @!p0 [sflag:s8], $0x0  }
0x24: {  	s3 =	sadd.s32 $0x88, s3;
	s6 =	simm.s32 @!p1 $0x1082;
	[sflag:s4] =	ssyncset.s32 $0xFFFFF086  }
0x25: {  	[simem:s6], [sflag:s4] =	dma.local [hbm:s3], $0xF7A  }
0x26: {  	[smem:$0x3F9B] =	sst s1;
	(tag) =	ssettag s2;
	_ =	strace s9  }
0x27: {  	s1 =	sld [smem:$0x3FAB]  }
0x28: {  	s2 =	sld [smem:$0x3FAC]  }
0x29: {  	s4 =	sld [smem:$0x3FAE]  }
0x2a: {  	p0 =	seq.s32 s5, $0x0;
	s5 =	sld [smem:$0x3FAF]  }
0x2b: {  	s6 =	sld [smem:$0x3FB0]  }
0x2c: {  	s7 =	sld [smem:$0x3FB1]  }
0x2d: {  	s3 =	simm.s32 $0x108;
	s8 =	sld [smem:$0x3FB2]  }
0x2e: {  	s3 =	simm.s32 @!p0 $0x1082;
	s9 =	sld [smem:$0x3FB3]  }
0x2f: {  	lr =	sadd.s32 s0, s3;
	s0 =	sld [smem:$0x3FAA]  }
0x30: {  	s3 =	sld [smem:$0x3FAD]  }
0x31: {  	[smem:$0x3FB6] =	sst s10  }
0x32: {  	s10 =	sld [smem:$0x3FB4];
	_ =	sdelay $0x3  }
0x33: {  	p0 =	seq.s32 s10, $0x1;
	s10 =	sld [smem:$0x3FB6];
	_ =	sdelay $0x3  }
0x34: {  	[smem:$0x3FB6] =	sst s10  }
0x35: {  	s10 =	sld [smem:$0x3FB5];
	_ =	sdelay $0x3  }
0x36: {  	p1 =	seq.s32 s10, $0x1;
	s10 =	sld [smem:$0x3FB6];
	_ =	sdelay $0x3  }
0x37: {  	[smem:$0x3FB6] =	sst s10  }
0x38: {  	s10 =	sld [smem:$0x3FB7]  }
0x39: {  	_ = 	snop;
	(pc) =	sbr.ind lr, $3  }
0x3a: {  	_ = 	snop  }
0x3b: {  	_ = 	snop  }
0x3c: {  	p2 =	seq.s32 s10, $0x1;
	s10 =	sld [smem:$0x3FB6]  }
0x3d: {  	_ =	shalt  }
0x3e: {  	_ =	shalt  }
0x3f: {  	_ =	shalt  }
0x40: {  	_ =	shalt  }
0x41: {  	_ =	shalt  }
0x42: {  	_ =	shalt  }
0x43: {  	_ =	shalt  }
0x44: {  	_ =	shalt  }
0x45: {  	_ =	shalt  }
0x46: {  	_ =	shalt  }
0x47: {  	_ =	shalt  }
0x48: {  	_ =	shalt  }
0x49: {  	_ =	shalt  }
0x4a: {  	_ =	shalt  }
0x4b: {  	_ =	shalt  }
0x4c: {  	_ =	shalt  }
0x4d: {  	_ =	shalt  }
0x4e: {  	_ =	shalt  }
0x4f: {  	_ =	shalt  }
0x50: {  	_ =	shalt  }
0x51: {  	_ =	shalt  }
0x52: {  	_ =	shalt  }
0x53: {  	_ =	shalt  }
0x54: {  	_ =	shalt  }
0x55: {  	_ =	shalt  }
0x56: {  	_ =	shalt  }
0x57: {  	_ =	shalt  }
0x58: {  	_ =	shalt  }
0x59: {  	_ =	shalt  }
0x5a: {  	_ =	shalt  }
0x5b: {  	_ =	shalt  }
0x5c: {  	_ =	shalt  }
0x5d: {  	_ =	shalt  }
0x5e: {  	_ =	shalt  }
0x5f: {  	_ =	shalt  }
0x60: {  	_ =	shalt  }
0x61: {  	_ =	shalt  }
0x62: {  	_ =	shalt  }
0x63: {  	_ =	shalt  }
0x64: {  	_ =	shalt  }
0x65: {  	_ =	shalt  }
0x66: {  	_ =	shalt  }
0x67: {  	_ =	shalt  }
0x68: {  	_ =	shalt  }
0x69: {  	_ =	shalt  }
0x6a: {  	_ =	shalt  }
0x6b: {  	_ =	shalt  }
0x6c: {  	_ =	shalt  }
0x6d: {  	_ =	shalt  }
0x6e: {  	_ =	shalt  }
0x6f: {  	_ =	shalt  }
0x70: {  	_ =	shalt  }
0x71: {  	_ =	shalt  }
0x72: {  	_ =	shalt  }
0x73: {  	_ =	shalt  }
0x74: {  	_ =	shalt  }
0x75: {  	_ =	shalt  }
0x76: {  	_ =	shalt  }
0x77: {  	_ =	shalt  }
0x78: {  	_ =	shalt  }
0x79: {  	_ =	shalt  }
0x7a: {  	_ =	shalt  }
0x7b: {  	_ =	shalt  }
0x7c: {  	_ =	shalt  }
0x7d: {  	_ =	shalt  }
0x7e: {  	_ =	shalt  }
0x7f: {  	_ =	shalt  }
0x80: {  	_ =	shalt  }
0x81: {  	_ =	shalt  }
0x82: {  	_ =	shalt  }
0x83: {  	_ =	shalt  }
0x84: {  	_ =	shalt  }
0x85: {  	_ =	shalt  }
0x86: {  	_ =	shalt  }
0x87: {  	_ =	shalt  }
.Lfunc_end0:
.L_simem_size_0:
called_computation.3_lowered:
.L_overlay_start_0:
0x88: {  	s2 =	sld [smem:$0x3FD9]  }
0x89: {  	s3 =	sld [smem:$0x3FFE];
	_ =	sdelay $0x1  }
0x8a: {  	s1 =	srdreg.scid  }
0x8b: {  	s0 =	sand.u32 $0x1, s1  }
0x8c: {  	s17 =	sshll.u32 s0, $0xA;
	s2 =	sadd.s32 s3, s2  }
0x8d: {  	s2 =	sadd.s32 s2, s17  }
0x8e: {  	[smem:$0x3FC2] =	sst s2  }
0x8f: {  	_ = 	snop  }
0x90: {  	s2 =	sld [smem:$0x3FD0];
	(tm) =	ssettm $0x1  }
0x91: {  	s18 =	sld [smem:$0x3FFB];
	_ =	sdelay $0x3  }
0x92: {  	_ =	strace s18  }
0x93: {  	s3 =	sld [smem:$0x3FFC];
	_ =	sdelay $0x3  }
0x94: {  	_ =	strace s3  }
0x95: {  	s3 =	sld [smem:$0x3FFD];
	_ =	sdelay $0x3  }
0x96: {  	_ =	strace s3  }
0x97: {  	_ =	strace $0x8FFFFFFF  }
0x98: {  	s19 =	sld [smem:$0x3FDB];
	_ =	sdelay $0x1  }
0x99: {  	s4 =	simm.s32 $_scs_section_size  }
0x9a: {  	s5 =	simm.s32 $_size__tile_overlayer_lowered;
	s6 =	simm.s32 $_tile_overlayer_lowered  }
0x9b: {  	s22 =	simm.s32 $0x1BFF;
	s21 =	sshll.u32 s6, $0x1;
	s3 =	sadd.s32 s4, s19  }
0x9c: {  	s7 =	simm.s32 $0x0;
	s20 =	sshll.u32 s5, $0x1;
	s5 =	sadd.s32 s21, s3  }
0x9d: {  	[timem:s7], [sflag:s22] =	dma.local [hbm:s5], s20  }
0x9e: {  	_ =	swait.ge [sflag:s22], s20  }
0x9f: {  	s4 =	ssub.s32 $0x0, s20;
	[sflag:s22] =	ssyncset.done $0x0  }
0xa0: {  	[sflag:s22] =	ssyncadd.s32 s4;
	_ =	sdelay $0x1  }
0xa1: {  	s23 =	simm.s32 $0x1B8B  }
0xa2: {  	_ =	swait.ge [sflag:s23], $0x1  }
0xa3: {  	[sflag:s23] =	ssyncset.done $0x0  }
0xa4: {  	s25 =	simm.s32 $0x1B8E;
	s24 =	sld [smem:$0x3FFE];
	[sflag:s23] =	ssyncadd.s32 $0xFFFFFFFF  }
0xa5: {  	s26 =	simm.s32 $execute0_lowered;
	[smem:$0x3FD2] =	sst s25  }
0xa6: {  	s5 =	sshll.u32 s26, $0x1;
	_ =	strace $0x8000004F;
	[dreg:$0x1] =	wrdreg $0xFFFFFFFF  }
0xa7: {  	s28 =	simm.s32 $_size_execute0_lowered;
	s3 =	sadd.s32 s3, s5;
	[dreg:$0x0] =	wrdreg $0x0  }
0xa8: {  	s5 =	sshll.u32 s28, $0x1;
	[dreg:$0x2] =	wrdreg s3  }
0xa9: {  	[dreg:$0x3] =	wrdreg s5  }
0xaa: {  	[dreg:$0x4] =	wrdreg $0xC0  }
0xab: {  	_ =	task [dreg:s7], $0x5FFFF  }
0xac: {  	[dreg:$0x1] =	wrdreg $0xFFFFFFFF  }
0xad: {  	[dreg:$0x0] =	wrdreg $0x60  }
0xae: {  	[dreg:$0x2] =	wrdreg s24  }
0xaf: {  	[dreg:$0x3] =	wrdreg s2  }
0xb0: {  	[dreg:$0x4] =	wrdreg $0x90000  }
0xb1: {  	[dreg:$0x5] =	wrdreg $0x9  }
0xb2: {  	_ =	task.clear_ibuf [dreg:s7], $0x6FFFF;
	_ =	strace $0x9000004F  }
0xb3: {  	s29 =	simm.s32 $0x9;
	_ =	strace $0x80000051  }
0xb4: {  	_ =	swait.ge [sflag:s29], $0x1  }
0xb5: {  	[sflag:s29] =	ssyncadd.s32 $0xFFFFFFFF  }
0xb6: {  	_ =	strace $0x90000051  }
0xb7: {  	_ =	sfence  }
0xb8: {  	s30 =	sld [smem:$0x0];
	_ =	sdelay $0x2  }
0xb9: {  	s31 =	sshll.u32 s1, $0xD;
	s1 =	sshrl.u32 s1, $0x2  }
0xba: {  	s3 =	sand.u32 $0x4000, s31;
	s1 =	sadd.s32 s1, s30  }
0xbb: {  	s0 =	sor.u32 s3, s0;
	s1 =	sshll.u32 s1, $0x11  }
0xbc: {  	s0 =	sor.u32 s1, s0  }
0xbd: {  	s0 =	sadd.s32 $0x8F2B, s0  }
0xbe: {  	[sflag:s0] =	ssyncadd.remote.s32 $0x1  }
0xbf: {  	_ =	sfence.sel $0xFFFF  }
0xc0: {  	[dreg:$0x0] =	wrdreg $0xFFFFFFFF;
	(pc) =	sbr.abs _section_cstart, $3  }
0xc1: {  	[dreg:$0x1] =	wrdreg $0xFFFFFFFF  }
0xc2: {  	_ =	task.clear_ibuf [dreg:s7], $0x2FFFF;
	_ =	strace $0x9FFFFFFF  }
0xc3: {  	(tm) =	ssettm $0x7FFFFFFF  }
tec
execute0_lowered:
.L_overlay_start_1:
0x0: {  	(tag) =	ssettag $0x1  }
0x1: {  	s5 =	rddreg [dreg:$0x0]  }
0x2: {  	s0 =	srdreg.scid;
	s7 =	rddreg [dreg:$0x1]  }
0x3: {  	s2 =	rddreg [dreg:$0x2];
	s3 =	simm.s32 $0x0;
	s15 =	simm.s32 $0x5000  }
0x4: {  	s16 =	simm.s32 $0x1;
	s6 =	sand.u32 $0x1, s0;
	s0 =	stileid.u32  }
0x5: {  	s17 =	simm.s32 $0x0;
	[smem:$0x7FF] =	sst s3;
	s9 =	smul.u32 $0x14000, s0  }
0x6: {  	s1 =	sshll.u32 s6, $0x4;
	s10 =	smul.u32 $0x140000, s6;
	s6 =	ssub.s32 $0x2, s6  }
0x7: {  	s29 =	smul.u32 $0x50000, s0;
	s31 =	sshll.u32 s0, $0x6;
	s4 =	sor.u32 s0, s1  }
0x8: {  	s1 =	rddreg [dreg:$0x3];
	_ =	strace $0x80000050;
	s13 =	sshrl.u32 s6, $0x1  }
0x9: {  	s8 =	smul.u32 $0x500, s4;
	s4 =	sadd.s32 $0x60600, s5;
	s12 =	sshrl.u32 s9, $0x3  }
0xa: {  	s9 =	sadd.s32 s9, s10;
	s13 =	ssub.s32 s6, s13;
	s30 =	sshrl.u32 s29, $0x2  }
0xb: {  	s6 =	sor.u32 $0x1C02, s31;
	s12 =	sadd.s32 s12, s5;
	s9 =	sshrl.u32 s9, $0x3  }
0xc: {  	s14 =	sadd.s32 s30, s2;
	s10 =	smax.u32 s13, $0x1;
	s13 =	simm.s32 $0x2800  }
0xd: {  	s11 =	sadd.s32 s8, s5;
	s9 =	sadd.s32 s9, s5;
	s5 =	sadd.s32 $0x88600, s12  }
0xe: {  	s7 =	sadd.s32 s7, s8;
	s12 =	simm.s32 $0x2;
	s8 =	sadd.s32 $0x5600, s11  }
0xf: {  	s9 =	sadd.s32 $0xB0600, s9;
	s11 =	sshrl.u32 s14, $0x3;
	s14 =	simm.s32 $0x80  }
.LBB2_1:
0x10: {  	[spmem:s11], [sflag:s6] =	dma.local [hbm:s5], $0x2800  }
0x11: {  	_ =	swait.ge [sflag:s12], $0x2800  }
0x12: {  	[sflag:s12] =	ssyncset.done $0x0  }
0x13: {  	[sflag:s12] =	ssyncadd.s32 $0xFFFFD800  }
0x14: {  	[bflag:$0x0] =	sbarrier.arrive $0xFFFF  }
0x15: {  	[tilespmem:s3], [sflag:$0x2] =	stream.linear.gather [hbm4b:s7+s3], $0x2780, $0x38;
	[tilespmem:$0x1D000] =	vst v63  }
0x16: {  	_ =	swait.ge [sflag:s12], $0x2780  }
0x17: {  	[sflag:s12] =	ssyncset.done $0x0  }
0x18: {  	[sflag:s12] =	ssyncadd.s32 $0xFFFFD880  }
0x19: {  	[tilespmem:s13], [sflag:$0x2] =	stream.linear.gather [hbm4b:s8+s3], $0x2780, $0x38;
	[tilespmem:$0x1D000] =	vst v63  }
0x1a: {  	_ =	swait.ge [sflag:s12], $0x2780  }
0x1b: {  	[sflag:s12] =	ssyncset.done $0x0  }
0x1c: {  	s18 =	simm.s32 $0x0;
	[sflag:s12] =	ssyncadd.s32 $0xFFFFD880  }
0x1d: {  	[tilespmem:s15], [sflag:$0x1] =	stream.indirect.gather [hbm4b:s4+s14], $0x80, s18, s14, $0xb8;
	[tilespmem:$0x1D000] =	vst v63  }
0x1e: {  	_ =	swait.ge [sflag:s16], $0x4000  }
0x1f: {  	[sflag:s16] =	ssyncset.done $0x0  }
0x20: {  	s31 =	simm.s32 $0x2800;
	[sflag:s16] =	ssyncadd.s32 $0xFFFFC000  }
0x21: {  	[spmem:s2] =	stream.indirect.scatter.add.f32 [tilespmem:s15], [sflag:$0x2], $0x80, s31, s14, $0xb8;
	[tilespmem:$0x1D000] =	vst v63  }
0x22: {  	_ =	swait.ge [sflag:s12], $0x4000  }
0x23: {  	s19 =	simm.s32 $0x400;
	s18 =	simm.s32 $0x200;
	[sflag:s12] =	ssyncset.done $0x0  }
.LBB2_2:
0x24: {  	s20 =	sshra.s32 s18, $0x2  }
0x25: {  	[sflag:s12] =	ssyncadd.s32 $0xFFFFC000;
	s18 =	smov.u32 s19;
	s21 =	sadd.s32 $0x200, s19  }
0x26: {  	[tilespmem:s15], [sflag:$0x1] =	stream.indirect.gather [hbm4b:s4+s14], $0x80, s20, s14, $0xb8;
	[tilespmem:$0x1D000] =	vst v63  }
0x27: {  	p0 =	sne.s32 s19, $0x9C00;
	_ =	swait.ge [sflag:s16], $0x4000  }
.Ltmp0:
0x28: {  	[sflag:s16] =	ssyncset.done $0x0;
	(pc) =	sbr.rel @p0 .LBB2_2-.Ltmp0, $4  }
0x29: {  	s19 =	sadd.s32 $0x2800, s20;
	[sflag:s16] =	ssyncadd.s32 $0xFFFFC000  }
0x2a: {  	[spmem:s2] =	stream.indirect.scatter.add.f32 [tilespmem:s15], [sflag:$0x2], $0x80, s19, s14, $0xb8;
	[tilespmem:$0x1D000] =	vst v63  }
0x2b: {  	_ =	swait.ge [sflag:s12], $0x4000  }
0x2c: {  	s19 =	smov.u32 s21;
	[sflag:s12] =	ssyncset.done $0x0  }
0x2d: {  	s18 =	sshra.s32 s18, $0x2;
	[sflag:s12] =	ssyncadd.s32 $0xFFFFC000  }
0x2e: {  	[tilespmem:s15], [sflag:$0x1] =	stream.indirect.gather [hbm4b:s4+s14], $0x80, s18, s14, $0xb8;
	[tilespmem:$0x1D000] =	vst v63  }
0x2f: {  	_ =	swait.ge [sflag:s16], $0x4000  }
0x30: {  	[sflag:s16] =	ssyncset.done $0x0  }
0x31: {  	s18 =	sadd.s32 $0x2800, s18;
	[sflag:s16] =	ssyncadd.s32 $0xFFFFC000  }
0x32: {  	[spmem:s2] =	stream.indirect.scatter.add.f32 [tilespmem:s15], [sflag:$0x2], $0x80, s18, s14, $0xb8;
	[tilespmem:$0x1D000] =	vst v63  }
0x33: {  	_ =	swait.ge [sflag:s12], $0x4000  }
0x34: {  	s17 =	sadd.s32 $0x1, s17;
	[sflag:s12] =	ssyncset.done $0x0  }
0x35: {  	p0 =	sne.s32 s17, s10;
	[sflag:s12] =	ssyncadd.s32 $0xFFFFC000  }
.Ltmp1:
0x36: {  	[bflag:$0x0] =	sbarrier.arrive $0xFFFF;
	(pc) =	sbr.rel @p0 .LBB2_1-.Ltmp1, $4  }
0x37: {  	[hbm:s9], [sflag:s6] =	dma.local [spmem:s11], $0x2800  }
0x38: {  	_ =	swait.ge [sflag:s12], $0x2800  }
0x39: {  	[sflag:s12] =	ssyncset.done $0x0  }
0x3a: {  	[sflag:s12] =	ssyncadd.s32 $0xFFFFD800  }
0x3b: {  	_ =	sfence.sel $0x180000  }
0x3c: {  	[bflag:$0x0] =	sbarrier.arrive $0xFFFF  }
0x3d: {  	p0 =	sne.s32 s0, $0x0;
	_ =	strace $0x90000050  }
0x3e: {  	s0 =	sadd.s32 @!p0 $0x100000, s1;
	[bflag:$0x2] =	sbarrier.arrive $0xFFFF  }
0x3f: {  	[sflag:s0] =	ssyncadd.tile.s32 @!p0 $0x1;
	_ =	shalt  }
.Lfunc_end2:
_tile_overlayer_lowered:
.L_overlay_start_2:
0x40: {  	(tag) =	ssettag $0x2  }
0x41: {  	s0 =	rddreg [dreg:$0x0];
	s2 =	stileid.u32  }
0x42: {  	s1 =	rddreg [dreg:$0x1];
	p0 =	sne.s32 s2, $0x0  }
0x43: {  	s3 =	rddreg [dreg:$0x2];
	[bflag:$0x3] =	sbarrier.arrive $0xFFFF;
	s2 =	simm.s32 @!p0 $0x1C02  }
0x44: {  	[timem:s3], [sflag:s2] =	dma.local @!p0 [hbm:s0], s1  }
0x45: {  	s0 =	simm.s32 @!p0 $0x2  }
0x46: {  	_ =	swait.ge @!p0 [sflag:s0], s1  }
0x47: {  	s1 =	ssub.s32 @!p0 $0x0, s1;
	[sflag:s0] =	ssyncset.done @!p0 $0x0  }
0x48: {  	[sflag:s0] =	ssyncadd.s32 @!p0 s1  }
0x49: {  	[bflag:$0x3] =	sbarrier.arrive $0xFFFF  }
0x4a: {  	_ =	shalt  }

// kernel: kernel.33.cloned.1.call-start
scs
__scs_entry_jumppad:
0x0: {  	(pc) =	sbr.rel $0x88, $3  }
0x1: {  	(tag) =	ssettag $0x0;
	lr =	simm.s32 $0x1  }
0x2: {  	[smem:$0x3F9B] =	sst lr;
	_ =	strace $0xD0000000  }
0x3: {  	_ = 	snop  }
0x4: {  	_ = 	snop  }
0x5: {  	_ = 	snop  }
0x6: {  	_ = 	snop  }
0x7: {  	_ = 	snop  }
__scs_overlays_trampoline_lowered:
0x8: {  	[smem:$0x3FAA] =	sst s0  }
0x9: {  	[smem:$0x3FAB] =	sst s1  }
0xa: {  	[smem:$0x3FAC] =	sst s2  }
0xb: {  	[smem:$0x3FAD] =	sst s3  }
0xc: {  	[smem:$0x3FAE] =	sst s4  }
0xd: {  	[smem:$0x3FAF] =	sst s5  }
0xe: {  	[smem:$0x3FB0] =	sst s6  }
0xf: {  	[smem:$0x3FB1] =	sst s7  }
0x10: {  	[smem:$0x3FB2] =	sst s8  }
0x11: {  	[smem:$0x3FB3] =	sst s9;
	s0 =	simm.s32 @!p0 $0x0  }
0x12: {  	s1 =	sld [smem:$0x3F99];
	s0 =	simm.s32 @p0 $0x1  }
0x13: {  	[smem:$0x3FB4] =	sst s0;
	s0 =	simm.s32 @!p1 $0x0  }
0x14: {  	s2 =	sld [smem:$0x3F98];
	s0 =	simm.s32 @p1 $0x1  }
0x15: {  	[smem:$0x3FB5] =	sst s0;
	s0 =	simm.s32 @!p2 $0x0  }
0x16: {  	s3 =	sld [smem:$0x3FDB];
	s0 =	simm.s32 @p2 $0x1  }
0x17: {  	s4 =	simm.s32 $0x1BF5;
	[smem:$0x3FB7] =	sst s0  }
0x18: {  	s0 =	sld [smem:$0x3F9A];
	_ =	swait.ge [sflag:s4], $0x0  }
0x19: {  	s7 =	sld [smem:$0x3F9B]  }
0x1a: {  	s8 =	sadd.s32 $0xFFFFE003, lr  }
0x1b: {  	s9 =	sadd.s32 $0xFFFFFEF7, lr;
	s5 =	simm.s32 $0xFFFFFFFF;
	p2 =	slt.u32 s8, $0xFFFFF086  }
0x1c: {  	p1 =	slt.u32 s9, $0xF7A;
	s5 =	simm.s32 @!p2 $0x0  }
0x1d: {  	s5 =	simm.s32 @p1 $0x1;
	p0 =	seq.s32 s7, s2  }
0x1e: {  	s7 =	smul.u32 @!p0 $0xF7A, s2;
	p2 =	seq.s32 @!p0 s5, $0x0  }
0x1f: {  	s9 =	smul.u32 $0xF7A, s1;
	s8 =	simm.s32 @!p0 $0x1BF5;
	p2 =	por !p2, p0  }
0x20: {  	[sflag:s8] =	ssyncset.s32 @!p0 $0xFFFFF086;
	s6 =	sadd.s32 @!p0 s3, s7;
	s7 =	simm.s32 @!p0 $0x108  }
0x21: {  	s3 =	sadd.s32 s3, s9;
	s6 =	sadd.s32 @!p0 $0x88, s6;
	s7 =	simm.s32 @p2 $0x1082  }
0x22: {  	[simem:s7], [sflag:s8] =	dma.local @!p0 [hbm:s6], $0xF7A  }
0x23: {  	s9 =	sor.u32 $0xD0000000, s2;
	s6 =	simm.s32 $0x108;
	_ =	swait.ge @!p0 [sflag:s8], $0x0  }
0x24: {  	s3 =	sadd.s32 $0x88, s3;
	s6 =	simm.s32 @!p1 $0x1082;
	[sflag:s4] =	ssyncset.s32 $0xFFFFF086  }
0x25: {  	[simem:s6], [sflag:s4] =	dma.local [hbm:s3], $0xF7A  }
0x26: {  	[smem:$0x3F9B] =	sst s1;
	(tag) =	ssettag s2;
	_ =	strace s9  }
0x27: {  	s1 =	sld [smem:$0x3FAB]  }
0x28: {  	s2 =	sld [smem:$0x3FAC]  }
0x29: {  	s4 =	sld [smem:$0x3FAE]  }
0x2a: {  	p0 =	seq.s32 s5, $0x0;
	s5 =	sld [smem:$0x3FAF]  }
0x2b: {  	s6 =	sld [smem:$0x3FB0]  }
0x2c: {  	s7 =	sld [smem:$0x3FB1]  }
0x2d: {  	s3 =	simm.s32 $0x108;
	s8 =	sld [smem:$0x3FB2]  }
0x2e: {  	s3 =	simm.s32 @!p0 $0x1082;
	s9 =	sld [smem:$0x3FB3]  }
0x2f: {  	lr =	sadd.s32 s0, s3;
	s0 =	sld [smem:$0x3FAA]  }
0x30: {  	s3 =	sld [smem:$0x3FAD]  }
0x31: {  	[smem:$0x3FB6] =	sst s10  }
0x32: {  	s10 =	sld [smem:$0x3FB4];
	_ =	sdelay $0x3  }
0x33: {  	p0 =	seq.s32 s10, $0x1;
	s10 =	sld [smem:$0x3FB6];
	_ =	sdelay $0x3  }
0x34: {  	[smem:$0x3FB6] =	sst s10  }
0x35: {  	s10 =	sld [smem:$0x3FB5];
	_ =	sdelay $0x3  }
0x36: {  	p1 =	seq.s32 s10, $0x1;
	s10 =	sld [smem:$0x3FB6];
	_ =	sdelay $0x3  }
0x37: {  	[smem:$0x3FB6] =	sst s10  }
0x38: {  	s10 =	sld [smem:$0x3FB7]  }
0x39: {  	_ = 	snop;
	(pc) =	sbr.ind lr, $3  }
0x3a: {  	_ = 	snop  }
0x3b: {  	_ = 	snop  }
0x3c: {  	p2 =	seq.s32 s10, $0x1;
	s10 =	sld [smem:$0x3FB6]  }
0x3d: {  	_ =	shalt  }
0x3e: {  	_ =	shalt  }
0x3f: {  	_ =	shalt  }
0x40: {  	_ =	shalt  }
0x41: {  	_ =	shalt  }
0x42: {  	_ =	shalt  }
0x43: {  	_ =	shalt  }
0x44: {  	_ =	shalt  }
0x45: {  	_ =	shalt  }
0x46: {  	_ =	shalt  }
0x47: {  	_ =	shalt  }
0x48: {  	_ =	shalt  }
0x49: {  	_ =	shalt  }
0x4a: {  	_ =	shalt  }
0x4b: {  	_ =	shalt  }
0x4c: {  	_ =	shalt  }
0x4d: {  	_ =	shalt  }
0x4e: {  	_ =	shalt  }
0x4f: {  	_ =	shalt  }
0x50: {  	_ =	shalt  }
0x51: {  	_ =	shalt  }
0x52: {  	_ =	shalt  }
0x53: {  	_ =	shalt  }
0x54: {  	_ =	shalt  }
0x55: {  	_ =	shalt  }
0x56: {  	_ =	shalt  }
0x57: {  	_ =	shalt  }
0x58: {  	_ =	shalt  }
0x59: {  	_ =	shalt  }
0x5a: {  	_ =	shalt  }
0x5b: {  	_ =	shalt  }
0x5c: {  	_ =	shalt  }
0x5d: {  	_ =	shalt  }
0x5e: {  	_ =	shalt  }
0x5f: {  	_ =	shalt  }
0x60: {  	_ =	shalt  }
0x61: {  	_ =	shalt  }
0x62: {  	_ =	shalt  }
0x63: {  	_ =	shalt  }
0x64: {  	_ =	shalt  }
0x65: {  	_ =	shalt  }
0x66: {  	_ =	shalt  }
0x67: {  	_ =	shalt  }
0x68: {  	_ =	shalt  }
0x69: {  	_ =	shalt  }
0x6a: {  	_ =	shalt  }
0x6b: {  	_ =	shalt  }
0x6c: {  	_ =	shalt  }
0x6d: {  	_ =	shalt  }
0x6e: {  	_ =	shalt  }
0x6f: {  	_ =	shalt  }
0x70: {  	_ =	shalt  }
0x71: {  	_ =	shalt  }
0x72: {  	_ =	shalt  }
0x73: {  	_ =	shalt  }
0x74: {  	_ =	shalt  }
0x75: {  	_ =	shalt  }
0x76: {  	_ =	shalt  }
0x77: {  	_ =	shalt  }
0x78: {  	_ =	shalt  }
0x79: {  	_ =	shalt  }
0x7a: {  	_ =	shalt  }
0x7b: {  	_ =	shalt  }
0x7c: {  	_ =	shalt  }
0x7d: {  	_ =	shalt  }
0x7e: {  	_ =	shalt  }
0x7f: {  	_ =	shalt  }
0x80: {  	_ =	shalt  }
0x81: {  	_ =	shalt  }
0x82: {  	_ =	shalt  }
0x83: {  	_ =	shalt  }
0x84: {  	_ =	shalt  }
0x85: {  	_ =	shalt  }
0x86: {  	_ =	shalt  }
0x87: {  	_ =	shalt  }
.Lfunc_end0:
.L_simem_size_0:
called_computation.4_lowered:
.L_overlay_start_0:
0x88: {  	s2 =	sld [smem:$0x3FD9]  }
0x89: {  	s3 =	sld [smem:$0x3FFE];
	_ =	sdelay $0x1  }
0x8a: {  	s1 =	srdreg.scid  }
0x8b: {  	s0 =	sand.u32 $0x1, s1  }
0x8c: {  	s17 =	sshll.u32 s0, $0xA;
	s2 =	sadd.s32 s3, s2  }
0x8d: {  	s2 =	sadd.s32 s2, s17  }
0x8e: {  	[smem:$0x3FC2] =	sst s2  }
0x8f: {  	_ = 	snop  }
0x90: {  	s2 =	sld [smem:$0x3FD0];
	(tm) =	ssettm $0x1  }
0x91: {  	s18 =	sld [smem:$0x3FFB];
	_ =	sdelay $0x3  }
0x92: {  	_ =	strace s18  }
0x93: {  	s3 =	sld [smem:$0x3FFC];
	_ =	sdelay $0x3  }
0x94: {  	_ =	strace s3  }
0x95: {  	s3 =	sld [smem:$0x3FFD];
	_ =	sdelay $0x3  }
0x96: {  	_ =	strace s3  }
0x97: {  	_ =	strace $0x8FFFFFFF  }
0x98: {  	s19 =	sld [smem:$0x3FDB];
	_ =	sdelay $0x1  }
0x99: {  	s4 =	simm.s32 $_scs_section_size  }
0x9a: {  	s5 =	simm.s32 $_size__tile_overlayer_lowered;
	s6 =	simm.s32 $_tile_overlayer_lowered  }
0x9b: {  	s22 =	simm.s32 $0x1BFF;
	s21 =	sshll.u32 s6, $0x1;
	s3 =	sadd.s32 s4, s19  }
0x9c: {  	s7 =	simm.s32 $0x0;
	s20 =	sshll.u32 s5, $0x1;
	s5 =	sadd.s32 s21, s3  }
0x9d: {  	[timem:s7], [sflag:s22] =	dma.local [hbm:s5], s20  }
0x9e: {  	_ =	swait.ge [sflag:s22], s20  }
0x9f: {  	s4 =	ssub.s32 $0x0, s20;
	[sflag:s22] =	ssyncset.done $0x0  }
0xa0: {  	[sflag:s22] =	ssyncadd.s32 s4;
	_ =	sdelay $0x1  }
0xa1: {  	s23 =	simm.s32 $0x1B8B  }
0xa2: {  	_ =	swait.ge [sflag:s23], $0x1  }
0xa3: {  	[sflag:s23] =	ssyncset.done $0x0  }
0xa4: {  	s25 =	simm.s32 $0x1B8E;
	s24 =	sld [smem:$0x3FFE];
	[sflag:s23] =	ssyncadd.s32 $0xFFFFFFFF  }
0xa5: {  	s26 =	simm.s32 $execute0_lowered;
	[smem:$0x3FD2] =	sst s25  }
0xa6: {  	s5 =	sshll.u32 s26, $0x1;
	_ =	strace $0x80000052;
	[dreg:$0x1] =	wrdreg $0xFFFFFFFF  }
0xa7: {  	s28 =	simm.s32 $_size_execute0_lowered;
	s3 =	sadd.s32 s3, s5;
	[dreg:$0x0] =	wrdreg $0x0  }
0xa8: {  	s5 =	sshll.u32 s28, $0x1;
	[dreg:$0x2] =	wrdreg s3  }
0xa9: {  	[dreg:$0x3] =	wrdreg s5  }
0xaa: {  	[dreg:$0x4] =	wrdreg $0xC0  }
0xab: {  	_ =	task [dreg:s7], $0x5FFFF  }
0xac: {  	[dreg:$0x1] =	wrdreg $0xFFFFFFFF  }
0xad: {  	[dreg:$0x0] =	wrdreg $0x60  }
0xae: {  	[dreg:$0x2] =	wrdreg s24  }
0xaf: {  	[dreg:$0x3] =	wrdreg s2  }
0xb0: {  	[dreg:$0x4] =	wrdreg $0x90000  }
0xb1: {  	[dreg:$0x5] =	wrdreg $0x9  }
0xb2: {  	_ =	task.clear_ibuf [dreg:s7], $0x6FFFF;
	_ =	strace $0x90000052  }
0xb3: {  	s29 =	simm.s32 $0x9;
	_ =	strace $0x80000054  }
0xb4: {  	_ =	swait.ge [sflag:s29], $0x1  }
0xb5: {  	[sflag:s29] =	ssyncadd.s32 $0xFFFFFFFF  }
0xb6: {  	_ =	strace $0x90000054  }
0xb7: {  	_ =	sfence  }
0xb8: {  	s30 =	sld [smem:$0x0];
	_ =	sdelay $0x2  }
0xb9: {  	s31 =	sshll.u32 s1, $0xD;
	s1 =	sshrl.u32 s1, $0x2  }
0xba: {  	s3 =	sand.u32 $0x4000, s31;
	s1 =	sadd.s32 s1, s30  }
0xbb: {  	s0 =	sor.u32 s3, s0;
	s1 =	sshll.u32 s1, $0x11  }
0xbc: {  	s0 =	sor.u32 s1, s0  }
0xbd: {  	s0 =	sadd.s32 $0x8F2B, s0  }
0xbe: {  	[sflag:s0] =	ssyncadd.remote.s32 $0x1  }
0xbf: {  	_ =	sfence.sel $0xFFFF  }
0xc0: {  	[dreg:$0x0] =	wrdreg $0xFFFFFFFF;
	(pc) =	sbr.abs _section_cstart, $3  }
0xc1: {  	[dreg:$0x1] =	wrdreg $0xFFFFFFFF  }
0xc2: {  	_ =	task.clear_ibuf [dreg:s7], $0x2FFFF;
	_ =	strace $0x9FFFFFFF  }
0xc3: {  	(tm) =	ssettm $0x7FFFFFFF  }
tec
execute0_lowered:
.L_overlay_start_1:
0x0: {  	(tag) =	ssettag $0x1  }
0x1: {  	s5 =	rddreg [dreg:$0x0]  }
0x2: {  	s0 =	srdreg.scid;
	s7 =	rddreg [dreg:$0x1]  }
0x3: {  	s2 =	rddreg [dreg:$0x2];
	s3 =	simm.s32 $0x0;
	s15 =	simm.s32 $0x5000  }
0x4: {  	s16 =	simm.s32 $0x1;
	s6 =	sand.u32 $0x1, s0;
	s0 =	stileid.u32  }
0x5: {  	s17 =	simm.s32 $0x0;
	[smem:$0x7FF] =	sst s3;
	s9 =	smul.u32 $0x14000, s0  }
0x6: {  	s1 =	sshll.u32 s6, $0x4;
	s10 =	smul.u32 $0x140000, s6;
	s6 =	ssub.s32 $0x2, s6  }
0x7: {  	s29 =	smul.u32 $0x50000, s0;
	s31 =	sshll.u32 s0, $0x6;
	s4 =	sor.u32 s0, s1  }
0x8: {  	s1 =	rddreg [dreg:$0x3];
	_ =	strace $0x80000053;
	s13 =	sshrl.u32 s6, $0x1  }
0x9: {  	s8 =	smul.u32 $0x500, s4;
	s4 =	sadd.s32 $0x60600, s5;
	s12 =	sshrl.u32 s9, $0x3  }
0xa: {  	s9 =	sadd.s32 s9, s10;
	s13 =	ssub.s32 s6, s13;
	s30 =	sshrl.u32 s29, $0x2  }
0xb: {  	s6 =	sor.u32 $0x1C02, s31;
	s12 =	sadd.s32 s12, s5;
	s9 =	sshrl.u32 s9, $0x3  }
0xc: {  	s14 =	sadd.s32 s30, s2;
	s10 =	smax.u32 s13, $0x1;
	s13 =	simm.s32 $0x2800  }
0xd: {  	s11 =	sadd.s32 s8, s5;
	s9 =	sadd.s32 s9, s5;
	s5 =	sadd.s32 $0x88600, s12  }
0xe: {  	s7 =	sadd.s32 s7, s8;
	s12 =	simm.s32 $0x2;
	s8 =	sadd.s32 $0x5600, s11  }
0xf: {  	s9 =	sadd.s32 $0xB0600, s9;
	s11 =	sshrl.u32 s14, $0x3;
	s14 =	simm.s32 $0x80  }
.LBB2_1:
0x10: {  	[spmem:s11], [sflag:s6] =	dma.local [hbm:s5], $0x2800  }
0x11: {  	_ =	swait.ge [sflag:s12], $0x2800  }
0x12: {  	[sflag:s12] =	ssyncset.done $0x0  }
0x13: {  	[sflag:s12] =	ssyncadd.s32 $0xFFFFD800  }
0x14: {  	[bflag:$0x0] =	sbarrier.arrive $0xFFFF  }
0x15: {  	[tilespmem:s3], [sflag:$0x2] =	stream.linear.gather [hbm4b:s7+s3], $0x2780, $0x38;
	[tilespmem:$0x1D000] =	vst v63  }
0x16: {  	_ =	swait.ge [sflag:s12], $0x2780  }
0x17: {  	[sflag:s12] =	ssyncset.done $0x0  }
0x18: {  	[sflag:s12] =	ssyncadd.s32 $0xFFFFD880  }
0x19: {  	[tilespmem:s13], [sflag:$0x2] =	stream.linear.gather [hbm4b:s8+s3], $0x2780, $0x38;
	[tilespmem:$0x1D000] =	vst v63  }
0x1a: {  	_ =	swait.ge [sflag:s12], $0x2780  }
0x1b: {  	[sflag:s12] =	ssyncset.done $0x0  }
0x1c: {  	s18 =	simm.s32 $0x0;
	[sflag:s12] =	ssyncadd.s32 $0xFFFFD880  }
0x1d: {  	[tilespmem:s15], [sflag:$0x1] =	stream.indirect.gather [hbm4b:s4+s14], $0x80, s18, s14, $0xb8;
	[tilespmem:$0x1D000] =	vst v63  }
0x1e: {  	_ =	swait.ge [sflag:s16], $0x4000  }
0x1f: {  	[sflag:s16] =	ssyncset.done $0x0  }
0x20: {  	s31 =	simm.s32 $0x2800;
	[sflag:s16] =	ssyncadd.s32 $0xFFFFC000  }
0x21: {  	[spmem:s2] =	stream.indirect.scatter.add.f32 [tilespmem:s15], [sflag:$0x2], $0x80, s31, s14, $0xb8;
	[tilespmem:$0x1D000] =	vst v63  }
0x22: {  	_ =	swait.ge [sflag:s12], $0x4000  }
0x23: {  	s19 =	simm.s32 $0x400;
	s18 =	simm.s32 $0x200;
	[sflag:s12] =	ssyncset.done $0x0  }
.LBB2_2:
0x24: {  	s20 =	sshra.s32 s18, $0x2  }
0x25: {  	[sflag:s12] =	ssyncadd.s32 $0xFFFFC000;
	s18 =	smov.u32 s19;
	s21 =	sadd.s32 $0x200, s19  }
0x26: {  	[tilespmem:s15], [sflag:$0x1] =	stream.indirect.gather [hbm4b:s4+s14], $0x80, s20, s14, $0xb8;
	[tilespmem:$0x1D000] =	vst v63  }
0x27: {  	p0 =	sne.s32 s19, $0x9C00;
	_ =	swait.ge [sflag:s16], $0x4000  }
.Ltmp0:
0x28: {  	[sflag:s16] =	ssyncset.done $0x0;
	(pc) =	sbr.rel @p0 .LBB2_2-.Ltmp0, $4  }
0x29: {  	s19 =	sadd.s32 $0x2800, s20;
	[sflag:s16] =	ssyncadd.s32 $0xFFFFC000  }
0x2a: {  	[spmem:s2] =	stream.indirect.scatter.add.f32 [tilespmem:s15], [sflag:$0x2], $0x80, s19, s14, $0xb8;
	[tilespmem:$0x1D000] =	vst v63  }
0x2b: {  	_ =	swait.ge [sflag:s12], $0x4000  }
0x2c: {  	s19 =	smov.u32 s21;
	[sflag:s12] =	ssyncset.done $0x0  }
0x2d: {  	s18 =	sshra.s32 s18, $0x2;
	[sflag:s12] =	ssyncadd.s32 $0xFFFFC000  }
0x2e: {  	[tilespmem:s15], [sflag:$0x1] =	stream.indirect.gather [hbm4b:s4+s14], $0x80, s18, s14, $0xb8;
	[tilespmem:$0x1D000] =	vst v63  }
0x2f: {  	_ =	swait.ge [sflag:s16], $0x4000  }
0x30: {  	[sflag:s16] =	ssyncset.done $0x0  }
0x31: {  	s18 =	sadd.s32 $0x2800, s18;
	[sflag:s16] =	ssyncadd.s32 $0xFFFFC000  }
0x32: {  	[spmem:s2] =	stream.indirect.scatter.add.f32 [tilespmem:s15], [sflag:$0x2], $0x80, s18, s14, $0xb8;
	[tilespmem:$0x1D000] =	vst v63  }
0x33: {  	_ =	swait.ge [sflag:s12], $0x4000  }
0x34: {  	s17 =	sadd.s32 $0x1, s17;
	[sflag:s12] =	ssyncset.done $0x0  }
0x35: {  	p0 =	sne.s32 s17, s10;
	[sflag:s12] =	ssyncadd.s32 $0xFFFFC000  }
.Ltmp1:
0x36: {  	[bflag:$0x0] =	sbarrier.arrive $0xFFFF;
	(pc) =	sbr.rel @p0 .LBB2_1-.Ltmp1, $4  }
0x37: {  	[hbm:s9], [sflag:s6] =	dma.local [spmem:s11], $0x2800  }
0x38: {  	_ =	swait.ge [sflag:s12], $0x2800  }
0x39: {  	[sflag:s12] =	ssyncset.done $0x0  }
0x3a: {  	[sflag:s12] =	ssyncadd.s32 $0xFFFFD800  }
0x3b: {  	_ =	sfence.sel $0x180000  }
0x3c: {  	[bflag:$0x0] =	sbarrier.arrive $0xFFFF  }
0x3d: {  	p0 =	sne.s32 s0, $0x0;
	_ =	strace $0x90000053  }
0x3e: {  	s0 =	sadd.s32 @!p0 $0x100000, s1;
	[bflag:$0x2] =	sbarrier.arrive $0xFFFF  }
0x3f: {  	[sflag:s0] =	ssyncadd.tile.s32 @!p0 $0x1;
	_ =	shalt  }
.Lfunc_end2:
_tile_overlayer_lowered:
.L_overlay_start_2:
0x40: {  	(tag) =	ssettag $0x2  }
0x41: {  	s0 =	rddreg [dreg:$0x0];
	s2 =	stileid.u32  }
0x42: {  	s1 =	rddreg [dreg:$0x1];
	p0 =	sne.s32 s2, $0x0  }
0x43: {  	s3 =	rddreg [dreg:$0x2];
	[bflag:$0x3] =	sbarrier.arrive $0xFFFF;
	s2 =	simm.s32 @!p0 $0x1C02  }
0x44: {  	[timem:s3], [sflag:s2] =	dma.local @!p0 [hbm:s0], s1  }
0x45: {  	s0 =	simm.s32 @!p0 $0x2  }
0x46: {  	_ =	swait.ge @!p0 [sflag:s0], s1  }
0x47: {  	s1 =	ssub.s32 @!p0 $0x0, s1;
	[sflag:s0] =	ssyncset.done @!p0 $0x0  }
0x48: {  	[sflag:s0] =	ssyncadd.s32 @!p0 s1  }
0x49: {  	[bflag:$0x3] =	sbarrier.arrive $0xFFFF  }
0x4a: {  	_ =	shalt  }

// kernel: kernel.36.cloned.1.call-start
scs
__scs_entry_jumppad:
0x0: {  	(pc) =	sbr.rel $0x88, $3  }
0x1: {  	(tag) =	ssettag $0x0;
	lr =	simm.s32 $0x1  }
0x2: {  	[smem:$0x3F9B] =	sst lr;
	_ =	strace $0xD0000000  }
0x3: {  	_ = 	snop  }
0x4: {  	_ = 	snop  }
0x5: {  	_ = 	snop  }
0x6: {  	_ = 	snop  }
0x7: {  	_ = 	snop  }
__scs_overlays_trampoline_lowered:
0x8: {  	[smem:$0x3FAA] =	sst s0  }
0x9: {  	[smem:$0x3FAB] =	sst s1  }
0xa: {  	[smem:$0x3FAC] =	sst s2  }
0xb: {  	[smem:$0x3FAD] =	sst s3  }
0xc: {  	[smem:$0x3FAE] =	sst s4  }
0xd: {  	[smem:$0x3FAF] =	sst s5  }
0xe: {  	[smem:$0x3FB0] =	sst s6  }
0xf: {  	[smem:$0x3FB1] =	sst s7  }
0x10: {  	[smem:$0x3FB2] =	sst s8  }
0x11: {  	[smem:$0x3FB3] =	sst s9;
	s0 =	simm.s32 @!p0 $0x0  }
0x12: {  	s1 =	sld [smem:$0x3F99];
	s0 =	simm.s32 @p0 $0x1  }
0x13: {  	[smem:$0x3FB4] =	sst s0;
	s0 =	simm.s32 @!p1 $0x0  }
0x14: {  	s2 =	sld [smem:$0x3F98];
	s0 =	simm.s32 @p1 $0x1  }
0x15: {  	[smem:$0x3FB5] =	sst s0;
	s0 =	simm.s32 @!p2 $0x0  }
0x16: {  	s3 =	sld [smem:$0x3FDB];
	s0 =	simm.s32 @p2 $0x1  }
0x17: {  	s4 =	simm.s32 $0x1BF5;
	[smem:$0x3FB7] =	sst s0  }
0x18: {  	s0 =	sld [smem:$0x3F9A];
	_ =	swait.ge [sflag:s4], $0x0  }
0x19: {  	s7 =	sld [smem:$0x3F9B]  }
0x1a: {  	s8 =	sadd.s32 $0xFFFFE003, lr  }
0x1b: {  	s9 =	sadd.s32 $0xFFFFFEF7, lr;
	s5 =	simm.s32 $0xFFFFFFFF;
	p2 =	slt.u32 s8, $0xFFFFF086  }
0x1c: {  	p1 =	slt.u32 s9, $0xF7A;
	s5 =	simm.s32 @!p2 $0x0  }
0x1d: {  	s5 =	simm.s32 @p1 $0x1;
	p0 =	seq.s32 s7, s2  }
0x1e: {  	s7 =	smul.u32 @!p0 $0xF7A, s2;
	p2 =	seq.s32 @!p0 s5, $0x0  }
0x1f: {  	s9 =	smul.u32 $0xF7A, s1;
	s8 =	simm.s32 @!p0 $0x1BF5;
	p2 =	por !p2, p0  }
0x20: {  	[sflag:s8] =	ssyncset.s32 @!p0 $0xFFFFF086;
	s6 =	sadd.s32 @!p0 s3, s7;
	s7 =	simm.s32 @!p0 $0x108  }
0x21: {  	s3 =	sadd.s32 s3, s9;
	s6 =	sadd.s32 @!p0 $0x88, s6;
	s7 =	simm.s32 @p2 $0x1082  }
0x22: {  	[simem:s7], [sflag:s8] =	dma.local @!p0 [hbm:s6], $0xF7A  }
0x23: {  	s9 =	sor.u32 $0xD0000000, s2;
	s6 =	simm.s32 $0x108;
	_ =	swait.ge @!p0 [sflag:s8], $0x0  }
0x24: {  	s3 =	sadd.s32 $0x88, s3;
	s6 =	simm.s32 @!p1 $0x1082;
	[sflag:s4] =	ssyncset.s32 $0xFFFFF086  }
0x25: {  	[simem:s6], [sflag:s4] =	dma.local [hbm:s3], $0xF7A  }
0x26: {  	[smem:$0x3F9B] =	sst s1;
	(tag) =	ssettag s2;
	_ =	strace s9  }
0x27: {  	s1 =	sld [smem:$0x3FAB]  }
0x28: {  	s2 =	sld [smem:$0x3FAC]  }
0x29: {  	s4 =	sld [smem:$0x3FAE]  }
0x2a: {  	p0 =	seq.s32 s5, $0x0;
	s5 =	sld [smem:$0x3FAF]  }
0x2b: {  	s6 =	sld [smem:$0x3FB0]  }
0x2c: {  	s7 =	sld [smem:$0x3FB1]  }
0x2d: {  	s3 =	simm.s32 $0x108;
	s8 =	sld [smem:$0x3FB2]  }
0x2e: {  	s3 =	simm.s32 @!p0 $0x1082;
	s9 =	sld [smem:$0x3FB3]  }
0x2f: {  	lr =	sadd.s32 s0, s3;
	s0 =	sld [smem:$0x3FAA]  }
0x30: {  	s3 =	sld [smem:$0x3FAD]  }
0x31: {  	[smem:$0x3FB6] =	sst s10  }
0x32: {  	s10 =	sld [smem:$0x3FB4];
	_ =	sdelay $0x3  }
0x33: {  	p0 =	seq.s32 s10, $0x1;
	s10 =	sld [smem:$0x3FB6];
	_ =	sdelay $0x3  }
0x34: {  	[smem:$0x3FB6] =	sst s10  }
0x35: {  	s10 =	sld [smem:$0x3FB5];
	_ =	sdelay $0x3  }
0x36: {  	p1 =	seq.s32 s10, $0x1;
	s10 =	sld [smem:$0x3FB6];
	_ =	sdelay $0x3  }
0x37: {  	[smem:$0x3FB6] =	sst s10  }
0x38: {  	s10 =	sld [smem:$0x3FB7]  }
0x39: {  	_ = 	snop;
	(pc) =	sbr.ind lr, $3  }
0x3a: {  	_ = 	snop  }
0x3b: {  	_ = 	snop  }
0x3c: {  	p2 =	seq.s32 s10, $0x1;
	s10 =	sld [smem:$0x3FB6]  }
0x3d: {  	_ =	shalt  }
0x3e: {  	_ =	shalt  }
0x3f: {  	_ =	shalt  }
0x40: {  	_ =	shalt  }
0x41: {  	_ =	shalt  }
0x42: {  	_ =	shalt  }
0x43: {  	_ =	shalt  }
0x44: {  	_ =	shalt  }
0x45: {  	_ =	shalt  }
0x46: {  	_ =	shalt  }
0x47: {  	_ =	shalt  }
0x48: {  	_ =	shalt  }
0x49: {  	_ =	shalt  }
0x4a: {  	_ =	shalt  }
0x4b: {  	_ =	shalt  }
0x4c: {  	_ =	shalt  }
0x4d: {  	_ =	shalt  }
0x4e: {  	_ =	shalt  }
0x4f: {  	_ =	shalt  }
0x50: {  	_ =	shalt  }
0x51: {  	_ =	shalt  }
0x52: {  	_ =	shalt  }
0x53: {  	_ =	shalt  }
0x54: {  	_ =	shalt  }
0x55: {  	_ =	shalt  }
0x56: {  	_ =	shalt  }
0x57: {  	_ =	shalt  }
0x58: {  	_ =	shalt  }
0x59: {  	_ =	shalt  }
0x5a: {  	_ =	shalt  }
0x5b: {  	_ =	shalt  }
0x5c: {  	_ =	shalt  }
0x5d: {  	_ =	shalt  }
0x5e: {  	_ =	shalt  }
0x5f: {  	_ =	shalt  }
0x60: {  	_ =	shalt  }
0x61: {  	_ =	shalt  }
0x62: {  	_ =	shalt  }
0x63: {  	_ =	shalt  }
0x64: {  	_ =	shalt  }
0x65: {  	_ =	shalt  }
0x66: {  	_ =	shalt  }
0x67: {  	_ =	shalt  }
0x68: {  	_ =	shalt  }
0x69: {  	_ =	shalt  }
0x6a: {  	_ =	shalt  }
0x6b: {  	_ =	shalt  }
0x6c: {  	_ =	shalt  }
0x6d: {  	_ =	shalt  }
0x6e: {  	_ =	shalt  }
0x6f: {  	_ =	shalt  }
0x70: {  	_ =	shalt  }
0x71: {  	_ =	shalt  }
0x72: {  	_ =	shalt  }
0x73: {  	_ =	shalt  }
0x74: {  	_ =	shalt  }
0x75: {  	_ =	shalt  }
0x76: {  	_ =	shalt  }
0x77: {  	_ =	shalt  }
0x78: {  	_ =	shalt  }
0x79: {  	_ =	shalt  }
0x7a: {  	_ =	shalt  }
0x7b: {  	_ =	shalt  }
0x7c: {  	_ =	shalt  }
0x7d: {  	_ =	shalt  }
0x7e: {  	_ =	shalt  }
0x7f: {  	_ =	shalt  }
0x80: {  	_ =	shalt  }
0x81: {  	_ =	shalt  }
0x82: {  	_ =	shalt  }
0x83: {  	_ =	shalt  }
0x84: {  	_ =	shalt  }
0x85: {  	_ =	shalt  }
0x86: {  	_ =	shalt  }
0x87: {  	_ =	shalt  }
.Lfunc_end0:
.L_simem_size_0:
called_computation.5_lowered:
.L_overlay_start_0:
0x88: {  	s2 =	sld [smem:$0x3FD9]  }
0x89: {  	s3 =	sld [smem:$0x3FFE];
	_ =	sdelay $0x1  }
0x8a: {  	s1 =	srdreg.scid  }
0x8b: {  	s0 =	sand.u32 $0x1, s1  }
0x8c: {  	s17 =	sshll.u32 s0, $0xA;
	s2 =	sadd.s32 s3, s2  }
0x8d: {  	s2 =	sadd.s32 s2, s17  }
0x8e: {  	[smem:$0x3FC2] =	sst s2  }
0x8f: {  	_ = 	snop  }
0x90: {  	s2 =	sld [smem:$0x3FD0];
	(tm) =	ssettm $0x1  }
0x91: {  	s18 =	sld [smem:$0x3FFB];
	_ =	sdelay $0x3  }
0x92: {  	_ =	strace s18  }
0x93: {  	s3 =	sld [smem:$0x3FFC];
	_ =	sdelay $0x3  }
0x94: {  	_ =	strace s3  }
0x95: {  	s3 =	sld [smem:$0x3FFD];
	_ =	sdelay $0x3  }
0x96: {  	_ =	strace s3  }
0x97: {  	_ =	strace $0x8FFFFFFF  }
0x98: {  	s19 =	sld [smem:$0x3FDB];
	_ =	sdelay $0x1  }
0x99: {  	s4 =	simm.s32 $_scs_section_size  }
0x9a: {  	s5 =	simm.s32 $_size__tile_overlayer_lowered;
	s6 =	simm.s32 $_tile_overlayer_lowered  }
0x9b: {  	s22 =	simm.s32 $0x1BFF;
	s21 =	sshll.u32 s6, $0x1;
	s3 =	sadd.s32 s4, s19  }
0x9c: {  	s7 =	simm.s32 $0x0;
	s20 =	sshll.u32 s5, $0x1;
	s5 =	sadd.s32 s21, s3  }
0x9d: {  	[timem:s7], [sflag:s22] =	dma.local [hbm:s5], s20  }
0x9e: {  	_ =	swait.ge [sflag:s22], s20  }
0x9f: {  	s4 =	ssub.s32 $0x0, s20;
	[sflag:s22] =	ssyncset.done $0x0  }
0xa0: {  	[sflag:s22] =	ssyncadd.s32 s4;
	_ =	sdelay $0x1  }
0xa1: {  	s23 =	simm.s32 $0x1B8B  }
0xa2: {  	_ =	swait.ge [sflag:s23], $0x1  }
0xa3: {  	[sflag:s23] =	ssyncset.done $0x0  }
0xa4: {  	s25 =	simm.s32 $0x1B8E;
	s24 =	sld [smem:$0x3FFE];
	[sflag:s23] =	ssyncadd.s32 $0xFFFFFFFF  }
0xa5: {  	s26 =	simm.s32 $execute0_lowered;
	[smem:$0x3FD2] =	sst s25  }
0xa6: {  	s5 =	sshll.u32 s26, $0x1;
	_ =	strace $0x80000055;
	[dreg:$0x1] =	wrdreg $0xFFFFFFFF  }
0xa7: {  	s28 =	simm.s32 $_size_execute0_lowered;
	s3 =	sadd.s32 s3, s5;
	[dreg:$0x0] =	wrdreg $0x0  }
0xa8: {  	s5 =	sshll.u32 s28, $0x1;
	[dreg:$0x2] =	wrdreg s3  }
0xa9: {  	[dreg:$0x3] =	wrdreg s5  }
0xaa: {  	[dreg:$0x4] =	wrdreg $0xC0  }
0xab: {  	_ =	task [dreg:s7], $0x5FFFF  }
0xac: {  	[dreg:$0x1] =	wrdreg $0xFFFFFFFF  }
0xad: {  	[dreg:$0x0] =	wrdreg $0x60  }
0xae: {  	[dreg:$0x2] =	wrdreg s24  }
0xaf: {  	[dreg:$0x3] =	wrdreg s2  }
0xb0: {  	[dreg:$0x4] =	wrdreg $0x90000  }
0xb1: {  	[dreg:$0x5] =	wrdreg $0x9  }
0xb2: {  	_ =	task.clear_ibuf [dreg:s7], $0x6FFFF;
	_ =	strace $0x90000055  }
0xb3: {  	s29 =	simm.s32 $0x9;
	_ =	strace $0x80000057  }
0xb4: {  	_ =	swait.ge [sflag:s29], $0x1  }
0xb5: {  	[sflag:s29] =	ssyncadd.s32 $0xFFFFFFFF  }
0xb6: {  	_ =	strace $0x90000057  }
0xb7: {  	_ =	sfence  }
0xb8: {  	s30 =	sld [smem:$0x0];
	_ =	sdelay $0x2  }
0xb9: {  	s31 =	sshll.u32 s1, $0xD;
	s1 =	sshrl.u32 s1, $0x2  }
0xba: {  	s3 =	sand.u32 $0x4000, s31;
	s1 =	sadd.s32 s1, s30  }
0xbb: {  	s0 =	sor.u32 s3, s0;
	s1 =	sshll.u32 s1, $0x11  }
0xbc: {  	s0 =	sor.u32 s1, s0  }
0xbd: {  	s0 =	sadd.s32 $0x8F2B, s0  }
0xbe: {  	[sflag:s0] =	ssyncadd.remote.s32 $0x1  }
0xbf: {  	_ =	sfence.sel $0xFFFF  }
0xc0: {  	[dreg:$0x0] =	wrdreg $0xFFFFFFFF;
	(pc) =	sbr.abs _section_cstart, $3  }
0xc1: {  	[dreg:$0x1] =	wrdreg $0xFFFFFFFF  }
0xc2: {  	_ =	task.clear_ibuf [dreg:s7], $0x2FFFF;
	_ =	strace $0x9FFFFFFF  }
0xc3: {  	(tm) =	ssettm $0x7FFFFFFF  }
tec
execute0_lowered:
.L_overlay_start_1:
0x0: {  	(tag) =	ssettag $0x1  }
0x1: {  	s5 =	rddreg [dreg:$0x0]  }
0x2: {  	s0 =	srdreg.scid;
	s7 =	rddreg [dreg:$0x1]  }
0x3: {  	s2 =	rddreg [dreg:$0x2];
	s3 =	simm.s32 $0x0;
	s15 =	simm.s32 $0x5000  }
0x4: {  	s16 =	simm.s32 $0x1;
	s6 =	sand.u32 $0x1, s0;
	s0 =	stileid.u32  }
0x5: {  	s17 =	simm.s32 $0x0;
	[smem:$0x7FF] =	sst s3;
	s9 =	smul.u32 $0x14000, s0  }
0x6: {  	s1 =	sshll.u32 s6, $0x4;
	s10 =	smul.u32 $0x140000, s6;
	s6 =	ssub.s32 $0x2, s6  }
0x7: {  	s29 =	smul.u32 $0x50000, s0;
	s31 =	sshll.u32 s0, $0x6;
	s4 =	sor.u32 s0, s1  }
0x8: {  	s1 =	rddreg [dreg:$0x3];
	_ =	strace $0x80000056;
	s13 =	sshrl.u32 s6, $0x1  }
0x9: {  	s8 =	smul.u32 $0x500, s4;
	s4 =	sadd.s32 $0x60600, s5;
	s12 =	sshrl.u32 s9, $0x3  }
0xa: {  	s9 =	sadd.s32 s9, s10;
	s13 =	ssub.s32 s6, s13;
	s30 =	sshrl.u32 s29, $0x2  }
0xb: {  	s6 =	sor.u32 $0x1C02, s31;
	s12 =	sadd.s32 s12, s5;
	s9 =	sshrl.u32 s9, $0x3  }
0xc: {  	s14 =	sadd.s32 s30, s2;
	s10 =	smax.u32 s13, $0x1;
	s13 =	simm.s32 $0x2800  }
0xd: {  	s11 =	sadd.s32 s8, s5;
	s9 =	sadd.s32 s9, s5;
	s5 =	sadd.s32 $0x88600, s12  }
0xe: {  	s7 =	sadd.s32 s7, s8;
	s12 =	simm.s32 $0x2;
	s8 =	sadd.s32 $0x5600, s11  }
0xf: {  	s9 =	sadd.s32 $0xB0600, s9;
	s11 =	sshrl.u32 s14, $0x3;
	s14 =	simm.s32 $0x80  }
.LBB2_1:
0x10: {  	[spmem:s11], [sflag:s6] =	dma.local [hbm:s5], $0x2800  }
0x11: {  	_ =	swait.ge [sflag:s12], $0x2800  }
0x12: {  	[sflag:s12] =	ssyncset.done $0x0  }
0x13: {  	[sflag:s12] =	ssyncadd.s32 $0xFFFFD800  }
0x14: {  	[bflag:$0x0] =	sbarrier.arrive $0xFFFF  }
0x15: {  	[tilespmem:s3], [sflag:$0x2] =	stream.linear.gather [hbm4b:s7+s3], $0x2780, $0x38;
	[tilespmem:$0x1D000] =	vst v63  }
0x16: {  	_ =	swait.ge [sflag:s12], $0x2780  }
0x17: {  	[sflag:s12] =	ssyncset.done $0x0  }
0x18: {  	[sflag:s12] =	ssyncadd.s32 $0xFFFFD880  }
0x19: {  	[tilespmem:s13], [sflag:$0x2] =	stream.linear.gather [hbm4b:s8+s3], $0x2780, $0x38;
	[tilespmem:$0x1D000] =	vst v63  }
0x1a: {  	_ =	swait.ge [sflag:s12], $0x2780  }
0x1b: {  	[sflag:s12] =	ssyncset.done $0x0  }
0x1c: {  	s18 =	simm.s32 $0x0;
	[sflag:s12] =	ssyncadd.s32 $0xFFFFD880  }
0x1d: {  	[tilespmem:s15], [sflag:$0x1] =	stream.indirect.gather [hbm4b:s4+s14], $0x80, s18, s14, $0xb8;
	[tilespmem:$0x1D000] =	vst v63  }
0x1e: {  	_ =	swait.ge [sflag:s16], $0x4000  }
0x1f: {  	[sflag:s16] =	ssyncset.done $0x0  }
0x20: {  	s31 =	simm.s32 $0x2800;
	[sflag:s16] =	ssyncadd.s32 $0xFFFFC000  }
0x21: {  	[spmem:s2] =	stream.indirect.scatter.add.f32 [tilespmem:s15], [sflag:$0x2], $0x80, s31, s14, $0xb8;
	[tilespmem:$0x1D000] =	vst v63  }
0x22: {  	_ =	swait.ge [sflag:s12], $0x4000  }
0x23: {  	s19 =	simm.s32 $0x400;
	s18 =	simm.s32 $0x200;
	[sflag:s12] =	ssyncset.done $0x0  }
.LBB2_2:
0x24: {  	s20 =	sshra.s32 s18, $0x2  }
0x25: {  	[sflag:s12] =	ssyncadd.s32 $0xFFFFC000;
	s18 =	smov.u32 s19;
	s21 =	sadd.s32 $0x200, s19  }
0x26: {  	[tilespmem:s15], [sflag:$0x1] =	stream.indirect.gather [hbm4b:s4+s14], $0x80, s20, s14, $0xb8;
	[tilespmem:$0x1D000] =	vst v63  }
0x27: {  	p0 =	sne.s32 s19, $0x9C00;
	_ =	swait.ge [sflag:s16], $0x4000  }
.Ltmp0:
0x28: {  	[sflag:s16] =	ssyncset.done $0x0;
	(pc) =	sbr.rel @p0 .LBB2_2-.Ltmp0, $4  }
0x29: {  	s19 =	sadd.s32 $0x2800, s20;
	[sflag:s16] =	ssyncadd.s32 $0xFFFFC000  }
0x2a: {  	[spmem:s2] =	stream.indirect.scatter.add.f32 [tilespmem:s15], [sflag:$0x2], $0x80, s19, s14, $0xb8;
	[tilespmem:$0x1D000] =	vst v63  }
0x2b: {  	_ =	swait.ge [sflag:s12], $0x4000  }
0x2c: {  	s19 =	smov.u32 s21;
	[sflag:s12] =	ssyncset.done $0x0  }
0x2d: {  	s18 =	sshra.s32 s18, $0x2;
	[sflag:s12] =	ssyncadd.s32 $0xFFFFC000  }
0x2e: {  	[tilespmem:s15], [sflag:$0x1] =	stream.indirect.gather [hbm4b:s4+s14], $0x80, s18, s14, $0xb8;
	[tilespmem:$0x1D000] =	vst v63  }
0x2f: {  	_ =	swait.ge [sflag:s16], $0x4000  }
0x30: {  	[sflag:s16] =	ssyncset.done $0x0  }
0x31: {  	s18 =	sadd.s32 $0x2800, s18;
	[sflag:s16] =	ssyncadd.s32 $0xFFFFC000  }
0x32: {  	[spmem:s2] =	stream.indirect.scatter.add.f32 [tilespmem:s15], [sflag:$0x2], $0x80, s18, s14, $0xb8;
	[tilespmem:$0x1D000] =	vst v63  }
0x33: {  	_ =	swait.ge [sflag:s12], $0x4000  }
0x34: {  	s17 =	sadd.s32 $0x1, s17;
	[sflag:s12] =	ssyncset.done $0x0  }
0x35: {  	p0 =	sne.s32 s17, s10;
	[sflag:s12] =	ssyncadd.s32 $0xFFFFC000  }
.Ltmp1:
0x36: {  	[bflag:$0x0] =	sbarrier.arrive $0xFFFF;
	(pc) =	sbr.rel @p0 .LBB2_1-.Ltmp1, $4  }
0x37: {  	[hbm:s9], [sflag:s6] =	dma.local [spmem:s11], $0x2800  }
0x38: {  	_ =	swait.ge [sflag:s12], $0x2800  }
0x39: {  	[sflag:s12] =	ssyncset.done $0x0  }
0x3a: {  	[sflag:s12] =	ssyncadd.s32 $0xFFFFD800  }
0x3b: {  	_ =	sfence.sel $0x180000  }
0x3c: {  	[bflag:$0x0] =	sbarrier.arrive $0xFFFF  }
0x3d: {  	p0 =	sne.s32 s0, $0x0;
	_ =	strace $0x90000056  }
0x3e: {  	s0 =	sadd.s32 @!p0 $0x100000, s1;
	[bflag:$0x2] =	sbarrier.arrive $0xFFFF  }
0x3f: {  	[sflag:s0] =	ssyncadd.tile.s32 @!p0 $0x1;
	_ =	shalt  }
.Lfunc_end2:
_tile_overlayer_lowered:
.L_overlay_start_2:
0x40: {  	(tag) =	ssettag $0x2  }
0x41: {  	s0 =	rddreg [dreg:$0x0];
	s2 =	stileid.u32  }
0x42: {  	s1 =	rddreg [dreg:$0x1];
	p0 =	sne.s32 s2, $0x0  }
0x43: {  	s3 =	rddreg [dreg:$0x2];
	[bflag:$0x3] =	sbarrier.arrive $0xFFFF;
	s2 =	simm.s32 @!p0 $0x1C02  }
0x44: {  	[timem:s3], [sflag:s2] =	dma.local @!p0 [hbm:s0], s1  }
0x45: {  	s0 =	simm.s32 @!p0 $0x2  }
0x46: {  	_ =	swait.ge @!p0 [sflag:s0], s1  }
0x47: {  	s1 =	ssub.s32 @!p0 $0x0, s1;
	[sflag:s0] =	ssyncset.done @!p0 $0x0  }
0x48: {  	[sflag:s0] =	ssyncadd.s32 @!p0 s1  }
0x49: {  	[bflag:$0x3] =	sbarrier.arrive $0xFFFF  }
0x4a: {  	_ =	shalt  }

// kernel: kernel.39.cloned.1.call-start
scs
__scs_entry_jumppad:
0x0: {  	(pc) =	sbr.rel $0x88, $3  }
0x1: {  	(tag) =	ssettag $0x0;
	lr =	simm.s32 $0x1  }
0x2: {  	[smem:$0x3F9B] =	sst lr;
	_ =	strace $0xD0000000  }
0x3: {  	_ = 	snop  }
0x4: {  	_ = 	snop  }
0x5: {  	_ = 	snop  }
0x6: {  	_ = 	snop  }
0x7: {  	_ = 	snop  }
__scs_overlays_trampoline_lowered:
0x8: {  	[smem:$0x3FAA] =	sst s0  }
0x9: {  	[smem:$0x3FAB] =	sst s1  }
0xa: {  	[smem:$0x3FAC] =	sst s2  }
0xb: {  	[smem:$0x3FAD] =	sst s3  }
0xc: {  	[smem:$0x3FAE] =	sst s4  }
0xd: {  	[smem:$0x3FAF] =	sst s5  }
0xe: {  	[smem:$0x3FB0] =	sst s6  }
0xf: {  	[smem:$0x3FB1] =	sst s7  }
0x10: {  	[smem:$0x3FB2] =	sst s8  }
0x11: {  	[smem:$0x3FB3] =	sst s9;
	s0 =	simm.s32 @!p0 $0x0  }
0x12: {  	s1 =	sld [smem:$0x3F99];
	s0 =	simm.s32 @p0 $0x1  }
0x13: {  	[smem:$0x3FB4] =	sst s0;
	s0 =	simm.s32 @!p1 $0x0  }
0x14: {  	s2 =	sld [smem:$0x3F98];
	s0 =	simm.s32 @p1 $0x1  }
0x15: {  	[smem:$0x3FB5] =	sst s0;
	s0 =	simm.s32 @!p2 $0x0  }
0x16: {  	s3 =	sld [smem:$0x3FDB];
	s0 =	simm.s32 @p2 $0x1  }
0x17: {  	s4 =	simm.s32 $0x1BF5;
	[smem:$0x3FB7] =	sst s0  }
0x18: {  	s0 =	sld [smem:$0x3F9A];
	_ =	swait.ge [sflag:s4], $0x0  }
0x19: {  	s7 =	sld [smem:$0x3F9B]  }
0x1a: {  	s8 =	sadd.s32 $0xFFFFE003, lr  }
0x1b: {  	s9 =	sadd.s32 $0xFFFFFEF7, lr;
	s5 =	simm.s32 $0xFFFFFFFF;
	p2 =	slt.u32 s8, $0xFFFFF086  }
0x1c: {  	p1 =	slt.u32 s9, $0xF7A;
	s5 =	simm.s32 @!p2 $0x0  }
0x1d: {  	s5 =	simm.s32 @p1 $0x1;
	p0 =	seq.s32 s7, s2  }
0x1e: {  	s7 =	smul.u32 @!p0 $0xF7A, s2;
	p2 =	seq.s32 @!p0 s5, $0x0  }
0x1f: {  	s9 =	smul.u32 $0xF7A, s1;
	s8 =	simm.s32 @!p0 $0x1BF5;
	p2 =	por !p2, p0  }
0x20: {  	[sflag:s8] =	ssyncset.s32 @!p0 $0xFFFFF086;
	s6 =	sadd.s32 @!p0 s3, s7;
	s7 =	simm.s32 @!p0 $0x108  }
0x21: {  	s3 =	sadd.s32 s3, s9;
	s6 =	sadd.s32 @!p0 $0x88, s6;
	s7 =	simm.s32 @p2 $0x1082  }
0x22: {  	[simem:s7], [sflag:s8] =	dma.local @!p0 [hbm:s6], $0xF7A  }
0x23: {  	s9 =	sor.u32 $0xD0000000, s2;
	s6 =	simm.s32 $0x108;
	_ =	swait.ge @!p0 [sflag:s8], $0x0  }
0x24: {  	s3 =	sadd.s32 $0x88, s3;
	s6 =	simm.s32 @!p1 $0x1082;
	[sflag:s4] =	ssyncset.s32 $0xFFFFF086  }
0x25: {  	[simem:s6], [sflag:s4] =	dma.local [hbm:s3], $0xF7A  }
0x26: {  	[smem:$0x3F9B] =	sst s1;
	(tag) =	ssettag s2;
	_ =	strace s9  }
0x27: {  	s1 =	sld [smem:$0x3FAB]  }
0x28: {  	s2 =	sld [smem:$0x3FAC]  }
0x29: {  	s4 =	sld [smem:$0x3FAE]  }
0x2a: {  	p0 =	seq.s32 s5, $0x0;
	s5 =	sld [smem:$0x3FAF]  }
0x2b: {  	s6 =	sld [smem:$0x3FB0]  }
0x2c: {  	s7 =	sld [smem:$0x3FB1]  }
0x2d: {  	s3 =	simm.s32 $0x108;
	s8 =	sld [smem:$0x3FB2]  }
0x2e: {  	s3 =	simm.s32 @!p0 $0x1082;
	s9 =	sld [smem:$0x3FB3]  }
0x2f: {  	lr =	sadd.s32 s0, s3;
	s0 =	sld [smem:$0x3FAA]  }
0x30: {  	s3 =	sld [smem:$0x3FAD]  }
0x31: {  	[smem:$0x3FB6] =	sst s10  }
0x32: {  	s10 =	sld [smem:$0x3FB4];
	_ =	sdelay $0x3  }
0x33: {  	p0 =	seq.s32 s10, $0x1;
	s10 =	sld [smem:$0x3FB6];
	_ =	sdelay $0x3  }
0x34: {  	[smem:$0x3FB6] =	sst s10  }
0x35: {  	s10 =	sld [smem:$0x3FB5];
	_ =	sdelay $0x3  }
0x36: {  	p1 =	seq.s32 s10, $0x1;
	s10 =	sld [smem:$0x3FB6];
	_ =	sdelay $0x3  }
0x37: {  	[smem:$0x3FB6] =	sst s10  }
0x38: {  	s10 =	sld [smem:$0x3FB7]  }
0x39: {  	_ = 	snop;
	(pc) =	sbr.ind lr, $3  }
0x3a: {  	_ = 	snop  }
0x3b: {  	_ = 	snop  }
0x3c: {  	p2 =	seq.s32 s10, $0x1;
	s10 =	sld [smem:$0x3FB6]  }
0x3d: {  	_ =	shalt  }
0x3e: {  	_ =	shalt  }
0x3f: {  	_ =	shalt  }
0x40: {  	_ =	shalt  }
0x41: {  	_ =	shalt  }
0x42: {  	_ =	shalt  }
0x43: {  	_ =	shalt  }
0x44: {  	_ =	shalt  }
0x45: {  	_ =	shalt  }
0x46: {  	_ =	shalt  }
0x47: {  	_ =	shalt  }
0x48: {  	_ =	shalt  }
0x49: {  	_ =	shalt  }
0x4a: {  	_ =	shalt  }
0x4b: {  	_ =	shalt  }
0x4c: {  	_ =	shalt  }
0x4d: {  	_ =	shalt  }
0x4e: {  	_ =	shalt  }
0x4f: {  	_ =	shalt  }
0x50: {  	_ =	shalt  }
0x51: {  	_ =	shalt  }
0x52: {  	_ =	shalt  }
0x53: {  	_ =	shalt  }
0x54: {  	_ =	shalt  }
0x55: {  	_ =	shalt  }
0x56: {  	_ =	shalt  }
0x57: {  	_ =	shalt  }
0x58: {  	_ =	shalt  }
0x59: {  	_ =	shalt  }
0x5a: {  	_ =	shalt  }
0x5b: {  	_ =	shalt  }
0x5c: {  	_ =	shalt  }
0x5d: {  	_ =	shalt  }
0x5e: {  	_ =	shalt  }
0x5f: {  	_ =	shalt  }
0x60: {  	_ =	shalt  }
0x61: {  	_ =	shalt  }
0x62: {  	_ =	shalt  }
0x63: {  	_ =	shalt  }
0x64: {  	_ =	shalt  }
0x65: {  	_ =	shalt  }
0x66: {  	_ =	shalt  }
0x67: {  	_ =	shalt  }
0x68: {  	_ =	shalt  }
0x69: {  	_ =	shalt  }
0x6a: {  	_ =	shalt  }
0x6b: {  	_ =	shalt  }
0x6c: {  	_ =	shalt  }
0x6d: {  	_ =	shalt  }
0x6e: {  	_ =	shalt  }
0x6f: {  	_ =	shalt  }
0x70: {  	_ =	shalt  }
0x71: {  	_ =	shalt  }
0x72: {  	_ =	shalt  }
0x73: {  	_ =	shalt  }
0x74: {  	_ =	shalt  }
0x75: {  	_ =	shalt  }
0x76: {  	_ =	shalt  }
0x77: {  	_ =	shalt  }
0x78: {  	_ =	shalt  }
0x79: {  	_ =	shalt  }
0x7a: {  	_ =	shalt  }
0x7b: {  	_ =	shalt  }
0x7c: {  	_ =	shalt  }
0x7d: {  	_ =	shalt  }
0x7e: {  	_ =	shalt  }
0x7f: {  	_ =	shalt  }
0x80: {  	_ =	shalt  }
0x81: {  	_ =	shalt  }
0x82: {  	_ =	shalt  }
0x83: {  	_ =	shalt  }
0x84: {  	_ =	shalt  }
0x85: {  	_ =	shalt  }
0x86: {  	_ =	shalt  }
0x87: {  	_ =	shalt  }
.Lfunc_end0:
.L_simem_size_0:
called_computation.6_lowered:
.L_overlay_start_0:
0x88: {  	s2 =	sld [smem:$0x3FD9]  }
0x89: {  	s3 =	sld [smem:$0x3FFE];
	_ =	sdelay $0x1  }
0x8a: {  	s1 =	srdreg.scid  }
0x8b: {  	s0 =	sand.u32 $0x1, s1  }
0x8c: {  	s17 =	sshll.u32 s0, $0xA;
	s2 =	sadd.s32 s3, s2  }
0x8d: {  	s2 =	sadd.s32 s2, s17  }
0x8e: {  	[smem:$0x3FC2] =	sst s2  }
0x8f: {  	_ = 	snop  }
0x90: {  	s2 =	sld [smem:$0x3FD0];
	(tm) =	ssettm $0x1  }
0x91: {  	s18 =	sld [smem:$0x3FFB];
	_ =	sdelay $0x3  }
0x92: {  	_ =	strace s18  }
0x93: {  	s3 =	sld [smem:$0x3FFC];
	_ =	sdelay $0x3  }
0x94: {  	_ =	strace s3  }
0x95: {  	s3 =	sld [smem:$0x3FFD];
	_ =	sdelay $0x3  }
0x96: {  	_ =	strace s3  }
0x97: {  	_ =	strace $0x8FFFFFFF  }
0x98: {  	s19 =	sld [smem:$0x3FDB];
	_ =	sdelay $0x1  }
0x99: {  	s4 =	simm.s32 $_scs_section_size  }
0x9a: {  	s5 =	simm.s32 $_size__tile_overlayer_lowered;
	s6 =	simm.s32 $_tile_overlayer_lowered  }
0x9b: {  	s22 =	simm.s32 $0x1BFF;
	s21 =	sshll.u32 s6, $0x1;
	s3 =	sadd.s32 s4, s19  }
0x9c: {  	s7 =	simm.s32 $0x0;
	s20 =	sshll.u32 s5, $0x1;
	s5 =	sadd.s32 s21, s3  }
0x9d: {  	[timem:s7], [sflag:s22] =	dma.local [hbm:s5], s20  }
0x9e: {  	_ =	swait.ge [sflag:s22], s20  }
0x9f: {  	s4 =	ssub.s32 $0x0, s20;
	[sflag:s22] =	ssyncset.done $0x0  }
0xa0: {  	[sflag:s22] =	ssyncadd.s32 s4;
	_ =	sdelay $0x1  }
0xa1: {  	s23 =	simm.s32 $0x1B8B  }
0xa2: {  	_ =	swait.ge [sflag:s23], $0x1  }
0xa3: {  	[sflag:s23] =	ssyncset.done $0x0  }
0xa4: {  	s25 =	simm.s32 $0x1B8E;
	s24 =	sld [smem:$0x3FFE];
	[sflag:s23] =	ssyncadd.s32 $0xFFFFFFFF  }
0xa5: {  	s26 =	simm.s32 $execute0_lowered;
	[smem:$0x3FD2] =	sst s25  }
0xa6: {  	s5 =	sshll.u32 s26, $0x1;
	_ =	strace $0x80000058;
	[dreg:$0x1] =	wrdreg $0xFFFFFFFF  }
0xa7: {  	s28 =	simm.s32 $_size_execute0_lowered;
	s3 =	sadd.s32 s3, s5;
	[dreg:$0x0] =	wrdreg $0x0  }
0xa8: {  	s5 =	sshll.u32 s28, $0x1;
	[dreg:$0x2] =	wrdreg s3  }
0xa9: {  	[dreg:$0x3] =	wrdreg s5  }
0xaa: {  	[dreg:$0x4] =	wrdreg $0xC0  }
0xab: {  	_ =	task [dreg:s7], $0x5FFFF  }
0xac: {  	[dreg:$0x1] =	wrdreg $0xFFFFFFFF  }
0xad: {  	[dreg:$0x0] =	wrdreg $0x60  }
0xae: {  	[dreg:$0x2] =	wrdreg s24  }
0xaf: {  	[dreg:$0x3] =	wrdreg s2  }
0xb0: {  	[dreg:$0x4] =	wrdreg $0x90000  }
0xb1: {  	[dreg:$0x5] =	wrdreg $0x9  }
0xb2: {  	_ =	task.clear_ibuf [dreg:s7], $0x6FFFF;
	_ =	strace $0x90000058  }
0xb3: {  	s29 =	simm.s32 $0x9;
	_ =	strace $0x8000005A  }
0xb4: {  	_ =	swait.ge [sflag:s29], $0x1  }
0xb5: {  	[sflag:s29] =	ssyncadd.s32 $0xFFFFFFFF  }
0xb6: {  	_ =	strace $0x9000005A  }
0xb7: {  	_ =	sfence  }
0xb8: {  	s30 =	sld [smem:$0x0];
	_ =	sdelay $0x2  }
0xb9: {  	s31 =	sshll.u32 s1, $0xD;
	s1 =	sshrl.u32 s1, $0x2  }
0xba: {  	s3 =	sand.u32 $0x4000, s31;
	s1 =	sadd.s32 s1, s30  }
0xbb: {  	s0 =	sor.u32 s3, s0;
	s1 =	sshll.u32 s1, $0x11  }
0xbc: {  	s0 =	sor.u32 s1, s0  }
0xbd: {  	s0 =	sadd.s32 $0x8F2B, s0  }
0xbe: {  	[sflag:s0] =	ssyncadd.remote.s32 $0x1  }
0xbf: {  	_ =	sfence.sel $0xFFFF  }
0xc0: {  	[dreg:$0x0] =	wrdreg $0xFFFFFFFF;
	(pc) =	sbr.abs _section_cstart, $3  }
0xc1: {  	[dreg:$0x1] =	wrdreg $0xFFFFFFFF  }
0xc2: {  	_ =	task.clear_ibuf [dreg:s7], $0x2FFFF;
	_ =	strace $0x9FFFFFFF  }
0xc3: {  	(tm) =	ssettm $0x7FFFFFFF  }
tec
execute0_lowered:
.L_overlay_start_1:
0x0: {  	(tag) =	ssettag $0x1  }
0x1: {  	s5 =	rddreg [dreg:$0x0]  }
0x2: {  	s0 =	srdreg.scid;
	s7 =	rddreg [dreg:$0x1]  }
0x3: {  	s2 =	rddreg [dreg:$0x2];
	s3 =	simm.s32 $0x0;
	s15 =	simm.s32 $0x5000  }
0x4: {  	s16 =	simm.s32 $0x1;
	s6 =	sand.u32 $0x1, s0;
	s0 =	stileid.u32  }
0x5: {  	s17 =	simm.s32 $0x0;
	[smem:$0x7FF] =	sst s3;
	s9 =	smul.u32 $0x14000, s0  }
0x6: {  	s1 =	sshll.u32 s6, $0x4;
	s10 =	smul.u32 $0x140000, s6;
	s6 =	ssub.s32 $0x2, s6  }
0x7: {  	s29 =	smul.u32 $0x50000, s0;
	s31 =	sshll.u32 s0, $0x6;
	s4 =	sor.u32 s0, s1  }
0x8: {  	s1 =	rddreg [dreg:$0x3];
	_ =	strace $0x80000059;
	s13 =	sshrl.u32 s6, $0x1  }
0x9: {  	s8 =	smul.u32 $0x500, s4;
	s4 =	sadd.s32 $0x60600, s5;
	s12 =	sshrl.u32 s9, $0x3  }
0xa: {  	s9 =	sadd.s32 s9, s10;
	s13 =	ssub.s32 s6, s13;
	s30 =	sshrl.u32 s29, $0x2  }
0xb: {  	s6 =	sor.u32 $0x1C02, s31;
	s12 =	sadd.s32 s12, s5;
	s9 =	sshrl.u32 s9, $0x3  }
0xc: {  	s14 =	sadd.s32 s30, s2;
	s10 =	smax.u32 s13, $0x1;
	s13 =	simm.s32 $0x2800  }
0xd: {  	s11 =	sadd.s32 s8, s5;
	s9 =	sadd.s32 s9, s5;
	s5 =	sadd.s32 $0x88600, s12  }
0xe: {  	s7 =	sadd.s32 s7, s8;
	s12 =	simm.s32 $0x2;
	s8 =	sadd.s32 $0x5600, s11  }
0xf: {  	s9 =	sadd.s32 $0xB0600, s9;
	s11 =	sshrl.u32 s14, $0x3;
	s14 =	simm.s32 $0x80  }
.LBB2_1:
0x10: {  	[spmem:s11], [sflag:s6] =	dma.local [hbm:s5], $0x2800  }
0x11: {  	_ =	swait.ge [sflag:s12], $0x2800  }
0x12: {  	[sflag:s12] =	ssyncset.done $0x0  }
0x13: {  	[sflag:s12] =	ssyncadd.s32 $0xFFFFD800  }
0x14: {  	[bflag:$0x0] =	sbarrier.arrive $0xFFFF  }
0x15: {  	[tilespmem:s3], [sflag:$0x2] =	stream.linear.gather [hbm4b:s7+s3], $0x2780, $0x38;
	[tilespmem:$0x1D000] =	vst v63  }
0x16: {  	_ =	swait.ge [sflag:s12], $0x2780  }
0x17: {  	[sflag:s12] =	ssyncset.done $0x0  }
0x18: {  	[sflag:s12] =	ssyncadd.s32 $0xFFFFD880  }
0x19: {  	[tilespmem:s13], [sflag:$0x2] =	stream.linear.gather [hbm4b:s8+s3], $0x2780, $0x38;
	[tilespmem:$0x1D000] =	vst v63  }
0x1a: {  	_ =	swait.ge [sflag:s12], $0x2780  }
0x1b: {  	[sflag:s12] =	ssyncset.done $0x0  }
0x1c: {  	s18 =	simm.s32 $0x0;
	[sflag:s12] =	ssyncadd.s32 $0xFFFFD880  }
0x1d: {  	[tilespmem:s15], [sflag:$0x1] =	stream.indirect.gather [hbm4b:s4+s14], $0x80, s18, s14, $0xb8;
	[tilespmem:$0x1D000] =	vst v63  }
0x1e: {  	_ =	swait.ge [sflag:s16], $0x4000  }
0x1f: {  	[sflag:s16] =	ssyncset.done $0x0  }
0x20: {  	s31 =	simm.s32 $0x2800;
	[sflag:s16] =	ssyncadd.s32 $0xFFFFC000  }
0x21: {  	[spmem:s2] =	stream.indirect.scatter.add.f32 [tilespmem:s15], [sflag:$0x2], $0x80, s31, s14, $0xb8;
	[tilespmem:$0x1D000] =	vst v63  }
0x22: {  	_ =	swait.ge [sflag:s12], $0x4000  }
0x23: {  	s19 =	simm.s32 $0x400;
	s18 =	simm.s32 $0x200;
	[sflag:s12] =	ssyncset.done $0x0  }
.LBB2_2:
0x24: {  	s20 =	sshra.s32 s18, $0x2  }
0x25: {  	[sflag:s12] =	ssyncadd.s32 $0xFFFFC000;
	s18 =	smov.u32 s19;
	s21 =	sadd.s32 $0x200, s19  }
0x26: {  	[tilespmem:s15], [sflag:$0x1] =	stream.indirect.gather [hbm4b:s4+s14], $0x80, s20, s14, $0xb8;
	[tilespmem:$0x1D000] =	vst v63  }
0x27: {  	p0 =	sne.s32 s19, $0x9C00;
	_ =	swait.ge [sflag:s16], $0x4000  }
.Ltmp0:
0x28: {  	[sflag:s16] =	ssyncset.done $0x0;
	(pc) =	sbr.rel @p0 .LBB2_2-.Ltmp0, $4  }
0x29: {  	s19 =	sadd.s32 $0x2800, s20;
	[sflag:s16] =	ssyncadd.s32 $0xFFFFC000  }
0x2a: {  	[spmem:s2] =	stream.indirect.scatter.add.f32 [tilespmem:s15], [sflag:$0x2], $0x80, s19, s14, $0xb8;
	[tilespmem:$0x1D000] =	vst v63  }
0x2b: {  	_ =	swait.ge [sflag:s12], $0x4000  }
0x2c: {  	s19 =	smov.u32 s21;
	[sflag:s12] =	ssyncset.done $0x0  }
0x2d: {  	s18 =	sshra.s32 s18, $0x2;
	[sflag:s12] =	ssyncadd.s32 $0xFFFFC000  }
0x2e: {  	[tilespmem:s15], [sflag:$0x1] =	stream.indirect.gather [hbm4b:s4+s14], $0x80, s18, s14, $0xb8;
	[tilespmem:$0x1D000] =	vst v63  }
0x2f: {  	_ =	swait.ge [sflag:s16], $0x4000  }
0x30: {  	[sflag:s16] =	ssyncset.done $0x0  }
0x31: {  	s18 =	sadd.s32 $0x2800, s18;
	[sflag:s16] =	ssyncadd.s32 $0xFFFFC000  }
0x32: {  	[spmem:s2] =	stream.indirect.scatter.add.f32 [tilespmem:s15], [sflag:$0x2], $0x80, s18, s14, $0xb8;
	[tilespmem:$0x1D000] =	vst v63  }
0x33: {  	_ =	swait.ge [sflag:s12], $0x4000  }
0x34: {  	s17 =	sadd.s32 $0x1, s17;
	[sflag:s12] =	ssyncset.done $0x0  }
0x35: {  	p0 =	sne.s32 s17, s10;
	[sflag:s12] =	ssyncadd.s32 $0xFFFFC000  }
.Ltmp1:
0x36: {  	[bflag:$0x0] =	sbarrier.arrive $0xFFFF;
	(pc) =	sbr.rel @p0 .LBB2_1-.Ltmp1, $4  }
0x37: {  	[hbm:s9], [sflag:s6] =	dma.local [spmem:s11], $0x2800  }
0x38: {  	_ =	swait.ge [sflag:s12], $0x2800  }
0x39: {  	[sflag:s12] =	ssyncset.done $0x0  }
0x3a: {  	[sflag:s12] =	ssyncadd.s32 $0xFFFFD800  }
0x3b: {  	_ =	sfence.sel $0x180000  }
0x3c: {  	[bflag:$0x0] =	sbarrier.arrive $0xFFFF  }
0x3d: {  	p0 =	sne.s32 s0, $0x0;
	_ =	strace $0x90000059  }
0x3e: {  	s0 =	sadd.s32 @!p0 $0x100000, s1;
	[bflag:$0x2] =	sbarrier.arrive $0xFFFF  }
0x3f: {  	[sflag:s0] =	ssyncadd.tile.s32 @!p0 $0x1;
	_ =	shalt  }
.Lfunc_end2:
_tile_overlayer_lowered:
.L_overlay_start_2:
0x40: {  	(tag) =	ssettag $0x2  }
0x41: {  	s0 =	rddreg [dreg:$0x0];
	s2 =	stileid.u32  }
0x42: {  	s1 =	rddreg [dreg:$0x1];
	p0 =	sne.s32 s2, $0x0  }
0x43: {  	s3 =	rddreg [dreg:$0x2];
	[bflag:$0x3] =	sbarrier.arrive $0xFFFF;
	s2 =	simm.s32 @!p0 $0x1C02  }
0x44: {  	[timem:s3], [sflag:s2] =	dma.local @!p0 [hbm:s0], s1  }
0x45: {  	s0 =	simm.s32 @!p0 $0x2  }
0x46: {  	_ =	swait.ge @!p0 [sflag:s0], s1  }
0x47: {  	s1 =	ssub.s32 @!p0 $0x0, s1;
	[sflag:s0] =	ssyncset.done @!p0 $0x0  }
0x48: {  	[sflag:s0] =	ssyncadd.s32 @!p0 s1  }
0x49: {  	[bflag:$0x3] =	sbarrier.arrive $0xFFFF  }
0x4a: {  	_ =	shalt  }

// kernel: kernel.42.cloned.1.call-start
scs
__scs_entry_jumppad:
0x0: {  	(pc) =	sbr.rel $0x88, $3  }
0x1: {  	(tag) =	ssettag $0x0;
	lr =	simm.s32 $0x1  }
0x2: {  	[smem:$0x3F9B] =	sst lr;
	_ =	strace $0xD0000000  }
0x3: {  	_ = 	snop  }
0x4: {  	_ = 	snop  }
0x5: {  	_ = 	snop  }
0x6: {  	_ = 	snop  }
0x7: {  	_ = 	snop  }
__scs_overlays_trampoline_lowered:
0x8: {  	[smem:$0x3FAA] =	sst s0  }
0x9: {  	[smem:$0x3FAB] =	sst s1  }
0xa: {  	[smem:$0x3FAC] =	sst s2  }
0xb: {  	[smem:$0x3FAD] =	sst s3  }
0xc: {  	[smem:$0x3FAE] =	sst s4  }
0xd: {  	[smem:$0x3FAF] =	sst s5  }
0xe: {  	[smem:$0x3FB0] =	sst s6  }
0xf: {  	[smem:$0x3FB1] =	sst s7  }
0x10: {  	[smem:$0x3FB2] =	sst s8  }
0x11: {  	[smem:$0x3FB3] =	sst s9;
	s0 =	simm.s32 @!p0 $0x0  }
0x12: {  	s1 =	sld [smem:$0x3F99];
	s0 =	simm.s32 @p0 $0x1  }
0x13: {  	[smem:$0x3FB4] =	sst s0;
	s0 =	simm.s32 @!p1 $0x0  }
0x14: {  	s2 =	sld [smem:$0x3F98];
	s0 =	simm.s32 @p1 $0x1  }
0x15: {  	[smem:$0x3FB5] =	sst s0;
	s0 =	simm.s32 @!p2 $0x0  }
0x16: {  	s3 =	sld [smem:$0x3FDB];
	s0 =	simm.s32 @p2 $0x1  }
0x17: {  	s4 =	simm.s32 $0x1BF5;
	[smem:$0x3FB7] =	sst s0  }
0x18: {  	s0 =	sld [smem:$0x3F9A];
	_ =	swait.ge [sflag:s4], $0x0  }
0x19: {  	s7 =	sld [smem:$0x3F9B]  }
0x1a: {  	s8 =	sadd.s32 $0xFFFFE003, lr  }
0x1b: {  	s9 =	sadd.s32 $0xFFFFFEF7, lr;
	s5 =	simm.s32 $0xFFFFFFFF;
	p2 =	slt.u32 s8, $0xFFFFF086  }
0x1c: {  	p1 =	slt.u32 s9, $0xF7A;
	s5 =	simm.s32 @!p2 $0x0  }
0x1d: {  	s5 =	simm.s32 @p1 $0x1;
	p0 =	seq.s32 s7, s2  }
0x1e: {  	s7 =	smul.u32 @!p0 $0xF7A, s2;
	p2 =	seq.s32 @!p0 s5, $0x0  }
0x1f: {  	s9 =	smul.u32 $0xF7A, s1;
	s8 =	simm.s32 @!p0 $0x1BF5;
	p2 =	por !p2, p0  }
0x20: {  	[sflag:s8] =	ssyncset.s32 @!p0 $0xFFFFF086;
	s6 =	sadd.s32 @!p0 s3, s7;
	s7 =	simm.s32 @!p0 $0x108  }
0x21: {  	s3 =	sadd.s32 s3, s9;
	s6 =	sadd.s32 @!p0 $0x88, s6;
	s7 =	simm.s32 @p2 $0x1082  }
0x22: {  	[simem:s7], [sflag:s8] =	dma.local @!p0 [hbm:s6], $0xF7A  }
0x23: {  	s9 =	sor.u32 $0xD0000000, s2;
	s6 =	simm.s32 $0x108;
	_ =	swait.ge @!p0 [sflag:s8], $0x0  }
0x24: {  	s3 =	sadd.s32 $0x88, s3;
	s6 =	simm.s32 @!p1 $0x1082;
	[sflag:s4] =	ssyncset.s32 $0xFFFFF086  }
0x25: {  	[simem:s6], [sflag:s4] =	dma.local [hbm:s3], $0xF7A  }
0x26: {  	[smem:$0x3F9B] =	sst s1;
	(tag) =	ssettag s2;
	_ =	strace s9  }
0x27: {  	s1 =	sld [smem:$0x3FAB]  }
0x28: {  	s2 =	sld [smem:$0x3FAC]  }
0x29: {  	s4 =	sld [smem:$0x3FAE]  }
0x2a: {  	p0 =	seq.s32 s5, $0x0;
	s5 =	sld [smem:$0x3FAF]  }
0x2b: {  	s6 =	sld [smem:$0x3FB0]  }
0x2c: {  	s7 =	sld [smem:$0x3FB1]  }
0x2d: {  	s3 =	simm.s32 $0x108;
	s8 =	sld [smem:$0x3FB2]  }
0x2e: {  	s3 =	simm.s32 @!p0 $0x1082;
	s9 =	sld [smem:$0x3FB3]  }
0x2f: {  	lr =	sadd.s32 s0, s3;
	s0 =	sld [smem:$0x3FAA]  }
0x30: {  	s3 =	sld [smem:$0x3FAD]  }
0x31: {  	[smem:$0x3FB6] =	sst s10  }
0x32: {  	s10 =	sld [smem:$0x3FB4];
	_ =	sdelay $0x3  }
0x33: {  	p0 =	seq.s32 s10, $0x1;
	s10 =	sld [smem:$0x3FB6];
	_ =	sdelay $0x3  }
0x34: {  	[smem:$0x3FB6] =	sst s10  }
0x35: {  	s10 =	sld [smem:$0x3FB5];
	_ =	sdelay $0x3  }
0x36: {  	p1 =	seq.s32 s10, $0x1;
	s10 =	sld [smem:$0x3FB6];
	_ =	sdelay $0x3  }
0x37: {  	[smem:$0x3FB6] =	sst s10  }
0x38: {  	s10 =	sld [smem:$0x3FB7]  }
0x39: {  	_ = 	snop;
	(pc) =	sbr.ind lr, $3  }
0x3a: {  	_ = 	snop  }
0x3b: {  	_ = 	snop  }
0x3c: {  	p2 =	seq.s32 s10, $0x1;
	s10 =	sld [smem:$0x3FB6]  }
0x3d: {  	_ =	shalt  }
0x3e: {  	_ =	shalt  }
0x3f: {  	_ =	shalt  }
0x40: {  	_ =	shalt  }
0x41: {  	_ =	shalt  }
0x42: {  	_ =	shalt  }
0x43: {  	_ =	shalt  }
0x44: {  	_ =	shalt  }
0x45: {  	_ =	shalt  }
0x46: {  	_ =	shalt  }
0x47: {  	_ =	shalt  }
0x48: {  	_ =	shalt  }
0x49: {  	_ =	shalt  }
0x4a: {  	_ =	shalt  }
0x4b: {  	_ =	shalt  }
0x4c: {  	_ =	shalt  }
0x4d: {  	_ =	shalt  }
0x4e: {  	_ =	shalt  }
0x4f: {  	_ =	shalt  }
0x50: {  	_ =	shalt  }
0x51: {  	_ =	shalt  }
0x52: {  	_ =	shalt  }
0x53: {  	_ =	shalt  }
0x54: {  	_ =	shalt  }
0x55: {  	_ =	shalt  }
0x56: {  	_ =	shalt  }
0x57: {  	_ =	shalt  }
0x58: {  	_ =	shalt  }
0x59: {  	_ =	shalt  }
0x5a: {  	_ =	shalt  }
0x5b: {  	_ =	shalt  }
0x5c: {  	_ =	shalt  }
0x5d: {  	_ =	shalt  }
0x5e: {  	_ =	shalt  }
0x5f: {  	_ =	shalt  }
0x60: {  	_ =	shalt  }
0x61: {  	_ =	shalt  }
0x62: {  	_ =	shalt  }
0x63: {  	_ =	shalt  }
0x64: {  	_ =	shalt  }
0x65: {  	_ =	shalt  }
0x66: {  	_ =	shalt  }
0x67: {  	_ =	shalt  }
0x68: {  	_ =	shalt  }
0x69: {  	_ =	shalt  }
0x6a: {  	_ =	shalt  }
0x6b: {  	_ =	shalt  }
0x6c: {  	_ =	shalt  }
0x6d: {  	_ =	shalt  }
0x6e: {  	_ =	shalt  }
0x6f: {  	_ =	shalt  }
0x70: {  	_ =	shalt  }
0x71: {  	_ =	shalt  }
0x72: {  	_ =	shalt  }
0x73: {  	_ =	shalt  }
0x74: {  	_ =	shalt  }
0x75: {  	_ =	shalt  }
0x76: {  	_ =	shalt  }
0x77: {  	_ =	shalt  }
0x78: {  	_ =	shalt  }
0x79: {  	_ =	shalt  }
0x7a: {  	_ =	shalt  }
0x7b: {  	_ =	shalt  }
0x7c: {  	_ =	shalt  }
0x7d: {  	_ =	shalt  }
0x7e: {  	_ =	shalt  }
0x7f: {  	_ =	shalt  }
0x80: {  	_ =	shalt  }
0x81: {  	_ =	shalt  }
0x82: {  	_ =	shalt  }
0x83: {  	_ =	shalt  }
0x84: {  	_ =	shalt  }
0x85: {  	_ =	shalt  }
0x86: {  	_ =	shalt  }
0x87: {  	_ =	shalt  }
.Lfunc_end0:
.L_simem_size_0:
called_computation.7_lowered:
.L_overlay_start_0:
0x88: {  	s2 =	sld [smem:$0x3FD9]  }
0x89: {  	s3 =	sld [smem:$0x3FFE];
	_ =	sdelay $0x1  }
0x8a: {  	s1 =	srdreg.scid  }
0x8b: {  	s0 =	sand.u32 $0x1, s1  }
0x8c: {  	s17 =	sshll.u32 s0, $0xA;
	s2 =	sadd.s32 s3, s2  }
0x8d: {  	s2 =	sadd.s32 s2, s17  }
0x8e: {  	[smem:$0x3FC2] =	sst s2  }
0x8f: {  	_ = 	snop  }
0x90: {  	s2 =	sld [smem:$0x3FD0];
	(tm) =	ssettm $0x1  }
0x91: {  	s18 =	sld [smem:$0x3FFB];
	_ =	sdelay $0x3  }
0x92: {  	_ =	strace s18  }
0x93: {  	s3 =	sld [smem:$0x3FFC];
	_ =	sdelay $0x3  }
0x94: {  	_ =	strace s3  }
0x95: {  	s3 =	sld [smem:$0x3FFD];
	_ =	sdelay $0x3  }
0x96: {  	_ =	strace s3  }
0x97: {  	_ =	strace $0x8FFFFFFF  }
0x98: {  	s19 =	sld [smem:$0x3FDB];
	_ =	sdelay $0x1  }
0x99: {  	s4 =	simm.s32 $_scs_section_size  }
0x9a: {  	s5 =	simm.s32 $_size__tile_overlayer_lowered;
	s6 =	simm.s32 $_tile_overlayer_lowered  }
0x9b: {  	s22 =	simm.s32 $0x1BFF;
	s21 =	sshll.u32 s6, $0x1;
	s3 =	sadd.s32 s4, s19  }
0x9c: {  	s7 =	simm.s32 $0x0;
	s20 =	sshll.u32 s5, $0x1;
	s5 =	sadd.s32 s21, s3  }
0x9d: {  	[timem:s7], [sflag:s22] =	dma.local [hbm:s5], s20  }
0x9e: {  	_ =	swait.ge [sflag:s22], s20  }
0x9f: {  	s4 =	ssub.s32 $0x0, s20;
	[sflag:s22] =	ssyncset.done $0x0  }
0xa0: {  	[sflag:s22] =	ssyncadd.s32 s4;
	_ =	sdelay $0x1  }
0xa1: {  	s23 =	simm.s32 $0x1B8B  }
0xa2: {  	_ =	swait.ge [sflag:s23], $0x1  }
0xa3: {  	[sflag:s23] =	ssyncset.done $0x0  }
0xa4: {  	s25 =	simm.s32 $0x1B8E;
	s24 =	sld [smem:$0x3FFE];
	[sflag:s23] =	ssyncadd.s32 $0xFFFFFFFF  }
0xa5: {  	s26 =	simm.s32 $execute0_lowered;
	[smem:$0x3FD2] =	sst s25  }
0xa6: {  	s5 =	sshll.u32 s26, $0x1;
	_ =	strace $0x8000005B;
	[dreg:$0x1] =	wrdreg $0xFFFFFFFF  }
0xa7: {  	s28 =	simm.s32 $_size_execute0_lowered;
	s3 =	sadd.s32 s3, s5;
	[dreg:$0x0] =	wrdreg $0x0  }
0xa8: {  	s5 =	sshll.u32 s28, $0x1;
	[dreg:$0x2] =	wrdreg s3  }
0xa9: {  	[dreg:$0x3] =	wrdreg s5  }
0xaa: {  	[dreg:$0x4] =	wrdreg $0xC0  }
0xab: {  	_ =	task [dreg:s7], $0x5FFFF  }
0xac: {  	[dreg:$0x1] =	wrdreg $0xFFFFFFFF  }
0xad: {  	[dreg:$0x0] =	wrdreg $0x60  }
0xae: {  	[dreg:$0x2] =	wrdreg s24  }
0xaf: {  	[dreg:$0x3] =	wrdreg s2  }
0xb0: {  	[dreg:$0x4] =	wrdreg $0x90000  }
0xb1: {  	[dreg:$0x5] =	wrdreg $0x9  }
0xb2: {  	_ =	task.clear_ibuf [dreg:s7], $0x6FFFF;
	_ =	strace $0x9000005B  }
0xb3: {  	s29 =	simm.s32 $0x9;
	_ =	strace $0x8000005D  }
0xb4: {  	_ =	swait.ge [sflag:s29], $0x1  }
0xb5: {  	[sflag:s29] =	ssyncadd.s32 $0xFFFFFFFF  }
0xb6: {  	_ =	strace $0x9000005D  }
0xb7: {  	_ =	sfence  }
0xb8: {  	s30 =	sld [smem:$0x0];
	_ =	sdelay $0x2  }
0xb9: {  	s31 =	sshll.u32 s1, $0xD;
	s1 =	sshrl.u32 s1, $0x2  }
0xba: {  	s3 =	sand.u32 $0x4000, s31;
	s1 =	sadd.s32 s1, s30  }
0xbb: {  	s0 =	sor.u32 s3, s0;
	s1 =	sshll.u32 s1, $0x11  }
0xbc: {  	s0 =	sor.u32 s1, s0  }
0xbd: {  	s0 =	sadd.s32 $0x8F2B, s0  }
0xbe: {  	[sflag:s0] =	ssyncadd.remote.s32 $0x1  }
0xbf: {  	_ =	sfence.sel $0xFFFF  }
0xc0: {  	[dreg:$0x0] =	wrdreg $0xFFFFFFFF;
	(pc) =	sbr.abs _section_cstart, $3  }
0xc1: {  	[dreg:$0x1] =	wrdreg $0xFFFFFFFF  }
0xc2: {  	_ =	task.clear_ibuf [dreg:s7], $0x2FFFF;
	_ =	strace $0x9FFFFFFF  }
0xc3: {  	(tm) =	ssettm $0x7FFFFFFF  }
tec
execute0_lowered:
.L_overlay_start_1:
0x0: {  	(tag) =	ssettag $0x1  }
0x1: {  	s5 =	rddreg [dreg:$0x0]  }
0x2: {  	s0 =	srdreg.scid;
	s7 =	rddreg [dreg:$0x1]  }
0x3: {  	s2 =	rddreg [dreg:$0x2];
	s3 =	simm.s32 $0x0;
	s15 =	simm.s32 $0x5000  }
0x4: {  	s16 =	simm.s32 $0x1;
	s6 =	sand.u32 $0x1, s0;
	s0 =	stileid.u32  }
0x5: {  	s17 =	simm.s32 $0x0;
	[smem:$0x7FF] =	sst s3;
	s9 =	smul.u32 $0x14000, s0  }
0x6: {  	s1 =	sshll.u32 s6, $0x4;
	s10 =	smul.u32 $0x140000, s6;
	s6 =	ssub.s32 $0x2, s6  }
0x7: {  	s29 =	smul.u32 $0x50000, s0;
	s31 =	sshll.u32 s0, $0x6;
	s4 =	sor.u32 s0, s1  }
0x8: {  	s1 =	rddreg [dreg:$0x3];
	_ =	strace $0x8000005C;
	s13 =	sshrl.u32 s6, $0x1  }
0x9: {  	s8 =	smul.u32 $0x500, s4;
	s4 =	sadd.s32 $0x60600, s5;
	s12 =	sshrl.u32 s9, $0x3  }
0xa: {  	s9 =	sadd.s32 s9, s10;
	s13 =	ssub.s32 s6, s13;
	s30 =	sshrl.u32 s29, $0x2  }
0xb: {  	s6 =	sor.u32 $0x1C02, s31;
	s12 =	sadd.s32 s12, s5;
	s9 =	sshrl.u32 s9, $0x3  }
0xc: {  	s14 =	sadd.s32 s30, s2;
	s10 =	smax.u32 s13, $0x1;
	s13 =	simm.s32 $0x2800  }
0xd: {  	s11 =	sadd.s32 s8, s5;
	s9 =	sadd.s32 s9, s5;
	s5 =	sadd.s32 $0x88600, s12  }
0xe: {  	s7 =	sadd.s32 s7, s8;
	s12 =	simm.s32 $0x2;
	s8 =	sadd.s32 $0x5600, s11  }
0xf: {  	s9 =	sadd.s32 $0xB0600, s9;
	s11 =	sshrl.u32 s14, $0x3;
	s14 =	simm.s32 $0x80  }
.LBB2_1:
0x10: {  	[spmem:s11], [sflag:s6] =	dma.local [hbm:s5], $0x2800  }
0x11: {  	_ =	swait.ge [sflag:s12], $0x2800  }
0x12: {  	[sflag:s12] =	ssyncset.done $0x0  }
0x13: {  	[sflag:s12] =	ssyncadd.s32 $0xFFFFD800  }
0x14: {  	[bflag:$0x0] =	sbarrier.arrive $0xFFFF  }
0x15: {  	[tilespmem:s3], [sflag:$0x2] =	stream.linear.gather [hbm4b:s7+s3], $0x2780, $0x38;
	[tilespmem:$0x1D000] =	vst v63  }
0x16: {  	_ =	swait.ge [sflag:s12], $0x2780  }
0x17: {  	[sflag:s12] =	ssyncset.done $0x0  }
0x18: {  	[sflag:s12] =	ssyncadd.s32 $0xFFFFD880  }
0x19: {  	[tilespmem:s13], [sflag:$0x2] =	stream.linear.gather [hbm4b:s8+s3], $0x2780, $0x38;
	[tilespmem:$0x1D000] =	vst v63  }
0x1a: {  	_ =	swait.ge [sflag:s12], $0x2780  }
0x1b: {  	[sflag:s12] =	ssyncset.done $0x0  }
0x1c: {  	s18 =	simm.s32 $0x0;
	[sflag:s12] =	ssyncadd.s32 $0xFFFFD880  }
0x1d: {  	[tilespmem:s15], [sflag:$0x1] =	stream.indirect.gather [hbm4b:s4+s14], $0x80, s18, s14, $0xb8;
	[tilespmem:$0x1D000] =	vst v63  }
0x1e: {  	_ =	swait.ge [sflag:s16], $0x4000  }
0x1f: {  	[sflag:s16] =	ssyncset.done $0x0  }
0x20: {  	s31 =	simm.s32 $0x2800;
	[sflag:s16] =	ssyncadd.s32 $0xFFFFC000  }
0x21: {  	[spmem:s2] =	stream.indirect.scatter.add.f32 [tilespmem:s15], [sflag:$0x2], $0x80, s31, s14, $0xb8;
	[tilespmem:$0x1D000] =	vst v63  }
0x22: {  	_ =	swait.ge [sflag:s12], $0x4000  }
0x23: {  	s19 =	simm.s32 $0x400;
	s18 =	simm.s32 $0x200;
	[sflag:s12] =	ssyncset.done $0x0  }
.LBB2_2:
0x24: {  	s20 =	sshra.s32 s18, $0x2  }
0x25: {  	[sflag:s12] =	ssyncadd.s32 $0xFFFFC000;
	s18 =	smov.u32 s19;
	s21 =	sadd.s32 $0x200, s19  }
0x26: {  	[tilespmem:s15], [sflag:$0x1] =	stream.indirect.gather [hbm4b:s4+s14], $0x80, s20, s14, $0xb8;
	[tilespmem:$0x1D000] =	vst v63  }
0x27: {  	p0 =	sne.s32 s19, $0x9C00;
	_ =	swait.ge [sflag:s16], $0x4000  }
.Ltmp0:
0x28: {  	[sflag:s16] =	ssyncset.done $0x0;
	(pc) =	sbr.rel @p0 .LBB2_2-.Ltmp0, $4  }
0x29: {  	s19 =	sadd.s32 $0x2800, s20;
	[sflag:s16] =	ssyncadd.s32 $0xFFFFC000  }
0x2a: {  	[spmem:s2] =	stream.indirect.scatter.add.f32 [tilespmem:s15], [sflag:$0x2], $0x80, s19, s14, $0xb8;
	[tilespmem:$0x1D000] =	vst v63  }
0x2b: {  	_ =	swait.ge [sflag:s12], $0x4000  }
0x2c: {  	s19 =	smov.u32 s21;
	[sflag:s12] =	ssyncset.done $0x0  }
0x2d: {  	s18 =	sshra.s32 s18, $0x2;
	[sflag:s12] =	ssyncadd.s32 $0xFFFFC000  }
0x2e: {  	[tilespmem:s15], [sflag:$0x1] =	stream.indirect.gather [hbm4b:s4+s14], $0x80, s18, s14, $0xb8;
	[tilespmem:$0x1D000] =	vst v63  }
0x2f: {  	_ =	swait.ge [sflag:s16], $0x4000  }
0x30: {  	[sflag:s16] =	ssyncset.done $0x0  }
0x31: {  	s18 =	sadd.s32 $0x2800, s18;
	[sflag:s16] =	ssyncadd.s32 $0xFFFFC000  }
0x32: {  	[spmem:s2] =	stream.indirect.scatter.add.f32 [tilespmem:s15], [sflag:$0x2], $0x80, s18, s14, $0xb8;
	[tilespmem:$0x1D000] =	vst v63  }
0x33: {  	_ =	swait.ge [sflag:s12], $0x4000  }
0x34: {  	s17 =	sadd.s32 $0x1, s17;
	[sflag:s12] =	ssyncset.done $0x0  }
0x35: {  	p0 =	sne.s32 s17, s10;
	[sflag:s12] =	ssyncadd.s32 $0xFFFFC000  }
.Ltmp1:
0x36: {  	[bflag:$0x0] =	sbarrier.arrive $0xFFFF;
	(pc) =	sbr.rel @p0 .LBB2_1-.Ltmp1, $4  }
0x37: {  	[hbm:s9], [sflag:s6] =	dma.local [spmem:s11], $0x2800  }
0x38: {  	_ =	swait.ge [sflag:s12], $0x2800  }
0x39: {  	[sflag:s12] =	ssyncset.done $0x0  }
0x3a: {  	[sflag:s12] =	ssyncadd.s32 $0xFFFFD800  }
0x3b: {  	_ =	sfence.sel $0x180000  }
0x3c: {  	[bflag:$0x0] =	sbarrier.arrive $0xFFFF  }
0x3d: {  	p0 =	sne.s32 s0, $0x0;
	_ =	strace $0x9000005C  }
0x3e: {  	s0 =	sadd.s32 @!p0 $0x100000, s1;
	[bflag:$0x2] =	sbarrier.arrive $0xFFFF  }
0x3f: {  	[sflag:s0] =	ssyncadd.tile.s32 @!p0 $0x1;
	_ =	shalt  }
.Lfunc_end2:
_tile_overlayer_lowered:
.L_overlay_start_2:
0x40: {  	(tag) =	ssettag $0x2  }
0x41: {  	s0 =	rddreg [dreg:$0x0];
	s2 =	stileid.u32  }
0x42: {  	s1 =	rddreg [dreg:$0x1];
	p0 =	sne.s32 s2, $0x0  }
0x43: {  	s3 =	rddreg [dreg:$0x2];
	[bflag:$0x3] =	sbarrier.arrive $0xFFFF;
	s2 =	simm.s32 @!p0 $0x1C02  }
0x44: {  	[timem:s3], [sflag:s2] =	dma.local @!p0 [hbm:s0], s1  }
0x45: {  	s0 =	simm.s32 @!p0 $0x2  }
0x46: {  	_ =	swait.ge @!p0 [sflag:s0], s1  }
0x47: {  	s1 =	ssub.s32 @!p0 $0x0, s1;
	[sflag:s0] =	ssyncset.done @!p0 $0x0  }
0x48: {  	[sflag:s0] =	ssyncadd.s32 @!p0 s1  }
0x49: {  	[bflag:$0x3] =	sbarrier.arrive $0xFFFF  }
0x4a: {  	_ =	shalt  }

// kernel: kernel.45.cloned.1.call-start
scs
__scs_entry_jumppad:
0x0: {  	(pc) =	sbr.rel $0x88, $3  }
0x1: {  	(tag) =	ssettag $0x0;
	lr =	simm.s32 $0x1  }
0x2: {  	[smem:$0x3F9B] =	sst lr;
	_ =	strace $0xD0000000  }
0x3: {  	_ = 	snop  }
0x4: {  	_ = 	snop  }
0x5: {  	_ = 	snop  }
0x6: {  	_ = 	snop  }
0x7: {  	_ = 	snop  }
__scs_overlays_trampoline_lowered:
0x8: {  	[smem:$0x3FAA] =	sst s0  }
0x9: {  	[smem:$0x3FAB] =	sst s1  }
0xa: {  	[smem:$0x3FAC] =	sst s2  }
0xb: {  	[smem:$0x3FAD] =	sst s3  }
0xc: {  	[smem:$0x3FAE] =	sst s4  }
0xd: {  	[smem:$0x3FAF] =	sst s5  }
0xe: {  	[smem:$0x3FB0] =	sst s6  }
0xf: {  	[smem:$0x3FB1] =	sst s7  }
0x10: {  	[smem:$0x3FB2] =	sst s8  }
0x11: {  	[smem:$0x3FB3] =	sst s9;
	s0 =	simm.s32 @!p0 $0x0  }
0x12: {  	s1 =	sld [smem:$0x3F99];
	s0 =	simm.s32 @p0 $0x1  }
0x13: {  	[smem:$0x3FB4] =	sst s0;
	s0 =	simm.s32 @!p1 $0x0  }
0x14: {  	s2 =	sld [smem:$0x3F98];
	s0 =	simm.s32 @p1 $0x1  }
0x15: {  	[smem:$0x3FB5] =	sst s0;
	s0 =	simm.s32 @!p2 $0x0  }
0x16: {  	s3 =	sld [smem:$0x3FDB];
	s0 =	simm.s32 @p2 $0x1  }
0x17: {  	s4 =	simm.s32 $0x1BF5;
	[smem:$0x3FB7] =	sst s0  }
0x18: {  	s0 =	sld [smem:$0x3F9A];
	_ =	swait.ge [sflag:s4], $0x0  }
0x19: {  	s7 =	sld [smem:$0x3F9B]  }
0x1a: {  	s8 =	sadd.s32 $0xFFFFE003, lr  }
0x1b: {  	s9 =	sadd.s32 $0xFFFFFEF7, lr;
	s5 =	simm.s32 $0xFFFFFFFF;
	p2 =	slt.u32 s8, $0xFFFFF086  }
0x1c: {  	p1 =	slt.u32 s9, $0xF7A;
	s5 =	simm.s32 @!p2 $0x0  }
0x1d: {  	s5 =	simm.s32 @p1 $0x1;
	p0 =	seq.s32 s7, s2  }
0x1e: {  	s7 =	smul.u32 @!p0 $0xF7A, s2;
	p2 =	seq.s32 @!p0 s5, $0x0  }
0x1f: {  	s9 =	smul.u32 $0xF7A, s1;
	s8 =	simm.s32 @!p0 $0x1BF5;
	p2 =	por !p2, p0  }
0x20: {  	[sflag:s8] =	ssyncset.s32 @!p0 $0xFFFFF086;
	s6 =	sadd.s32 @!p0 s3, s7;
	s7 =	simm.s32 @!p0 $0x108  }
0x21: {  	s3 =	sadd.s32 s3, s9;
	s6 =	sadd.s32 @!p0 $0x88, s6;
	s7 =	simm.s32 @p2 $0x1082  }
0x22: {  	[simem:s7], [sflag:s8] =	dma.local @!p0 [hbm:s6], $0xF7A  }
0x23: {  	s9 =	sor.u32 $0xD0000000, s2;
	s6 =	simm.s32 $0x108;
	_ =	swait.ge @!p0 [sflag:s8], $0x0  }
0x24: {  	s3 =	sadd.s32 $0x88, s3;
	s6 =	simm.s32 @!p1 $0x1082;
	[sflag:s4] =	ssyncset.s32 $0xFFFFF086  }
0x25: {  	[simem:s6], [sflag:s4] =	dma.local [hbm:s3], $0xF7A  }
0x26: {  	[smem:$0x3F9B] =	sst s1;
	(tag) =	ssettag s2;
	_ =	strace s9  }
0x27: {  	s1 =	sld [smem:$0x3FAB]  }
0x28: {  	s2 =	sld [smem:$0x3FAC]  }
0x29: {  	s4 =	sld [smem:$0x3FAE]  }
0x2a: {  	p0 =	seq.s32 s5, $0x0;
	s5 =	sld [smem:$0x3FAF]  }
0x2b: {  	s6 =	sld [smem:$0x3FB0]  }
0x2c: {  	s7 =	sld [smem:$0x3FB1]  }
0x2d: {  	s3 =	simm.s32 $0x108;
	s8 =	sld [smem:$0x3FB2]  }
0x2e: {  	s3 =	simm.s32 @!p0 $0x1082;
	s9 =	sld [smem:$0x3FB3]  }
0x2f: {  	lr =	sadd.s32 s0, s3;
	s0 =	sld [smem:$0x3FAA]  }
0x30: {  	s3 =	sld [smem:$0x3FAD]  }
0x31: {  	[smem:$0x3FB6] =	sst s10  }
0x32: {  	s10 =	sld [smem:$0x3FB4];
	_ =	sdelay $0x3  }
0x33: {  	p0 =	seq.s32 s10, $0x1;
	s10 =	sld [smem:$0x3FB6];
	_ =	sdelay $0x3  }
0x34: {  	[smem:$0x3FB6] =	sst s10  }
0x35: {  	s10 =	sld [smem:$0x3FB5];
	_ =	sdelay $0x3  }
0x36: {  	p1 =	seq.s32 s10, $0x1;
	s10 =	sld [smem:$0x3FB6];
	_ =	sdelay $0x3  }
0x37: {  	[smem:$0x3FB6] =	sst s10  }
0x38: {  	s10 =	sld [smem:$0x3FB7]  }
0x39: {  	_ = 	snop;
	(pc) =	sbr.ind lr, $3  }
0x3a: {  	_ = 	snop  }
0x3b: {  	_ = 	snop  }
0x3c: {  	p2 =	seq.s32 s10, $0x1;
	s10 =	sld [smem:$0x3FB6]  }
0x3d: {  	_ =	shalt  }
0x3e: {  	_ =	shalt  }
0x3f: {  	_ =	shalt  }
0x40: {  	_ =	shalt  }
0x41: {  	_ =	shalt  }
0x42: {  	_ =	shalt  }
0x43: {  	_ =	shalt  }
0x44: {  	_ =	shalt  }
0x45: {  	_ =	shalt  }
0x46: {  	_ =	shalt  }
0x47: {  	_ =	shalt  }
0x48: {  	_ =	shalt  }
0x49: {  	_ =	shalt  }
0x4a: {  	_ =	shalt  }
0x4b: {  	_ =	shalt  }
0x4c: {  	_ =	shalt  }
0x4d: {  	_ =	shalt  }
0x4e: {  	_ =	shalt  }
0x4f: {  	_ =	shalt  }
0x50: {  	_ =	shalt  }
0x51: {  	_ =	shalt  }
0x52: {  	_ =	shalt  }
0x53: {  	_ =	shalt  }
0x54: {  	_ =	shalt  }
0x55: {  	_ =	shalt  }
0x56: {  	_ =	shalt  }
0x57: {  	_ =	shalt  }
0x58: {  	_ =	shalt  }
0x59: {  	_ =	shalt  }
0x5a: {  	_ =	shalt  }
0x5b: {  	_ =	shalt  }
0x5c: {  	_ =	shalt  }
0x5d: {  	_ =	shalt  }
0x5e: {  	_ =	shalt  }
0x5f: {  	_ =	shalt  }
0x60: {  	_ =	shalt  }
0x61: {  	_ =	shalt  }
0x62: {  	_ =	shalt  }
0x63: {  	_ =	shalt  }
0x64: {  	_ =	shalt  }
0x65: {  	_ =	shalt  }
0x66: {  	_ =	shalt  }
0x67: {  	_ =	shalt  }
0x68: {  	_ =	shalt  }
0x69: {  	_ =	shalt  }
0x6a: {  	_ =	shalt  }
0x6b: {  	_ =	shalt  }
0x6c: {  	_ =	shalt  }
0x6d: {  	_ =	shalt  }
0x6e: {  	_ =	shalt  }
0x6f: {  	_ =	shalt  }
0x70: {  	_ =	shalt  }
0x71: {  	_ =	shalt  }
0x72: {  	_ =	shalt  }
0x73: {  	_ =	shalt  }
0x74: {  	_ =	shalt  }
0x75: {  	_ =	shalt  }
0x76: {  	_ =	shalt  }
0x77: {  	_ =	shalt  }
0x78: {  	_ =	shalt  }
0x79: {  	_ =	shalt  }
0x7a: {  	_ =	shalt  }
0x7b: {  	_ =	shalt  }
0x7c: {  	_ =	shalt  }
0x7d: {  	_ =	shalt  }
0x7e: {  	_ =	shalt  }
0x7f: {  	_ =	shalt  }
0x80: {  	_ =	shalt  }
0x81: {  	_ =	shalt  }
0x82: {  	_ =	shalt  }
0x83: {  	_ =	shalt  }
0x84: {  	_ =	shalt  }
0x85: {  	_ =	shalt  }
0x86: {  	_ =	shalt  }
0x87: {  	_ =	shalt  }
.Lfunc_end0:
.L_simem_size_0:
called_computation.8_lowered:
.L_overlay_start_0:
0x88: {  	s2 =	sld [smem:$0x3FD9]  }
0x89: {  	s3 =	sld [smem:$0x3FFE];
	_ =	sdelay $0x1  }
0x8a: {  	s1 =	srdreg.scid  }
0x8b: {  	s0 =	sand.u32 $0x1, s1  }
0x8c: {  	s17 =	sshll.u32 s0, $0xA;
	s2 =	sadd.s32 s3, s2  }
0x8d: {  	s2 =	sadd.s32 s2, s17  }
0x8e: {  	[smem:$0x3FC2] =	sst s2  }
0x8f: {  	_ = 	snop  }
0x90: {  	s2 =	sld [smem:$0x3FD0];
	(tm) =	ssettm $0x1  }
0x91: {  	s18 =	sld [smem:$0x3FFB];
	_ =	sdelay $0x3  }
0x92: {  	_ =	strace s18  }
0x93: {  	s3 =	sld [smem:$0x3FFC];
	_ =	sdelay $0x3  }
0x94: {  	_ =	strace s3  }
0x95: {  	s3 =	sld [smem:$0x3FFD];
	_ =	sdelay $0x3  }
0x96: {  	_ =	strace s3  }
0x97: {  	_ =	strace $0x8FFFFFFF  }
0x98: {  	s19 =	sld [smem:$0x3FDB];
	_ =	sdelay $0x1  }
0x99: {  	s4 =	simm.s32 $_scs_section_size  }
0x9a: {  	s5 =	simm.s32 $_size__tile_overlayer_lowered;
	s6 =	simm.s32 $_tile_overlayer_lowered  }
0x9b: {  	s22 =	simm.s32 $0x1BFF;
	s21 =	sshll.u32 s6, $0x1;
	s3 =	sadd.s32 s4, s19  }
0x9c: {  	s7 =	simm.s32 $0x0;
	s20 =	sshll.u32 s5, $0x1;
	s5 =	sadd.s32 s21, s3  }
0x9d: {  	[timem:s7], [sflag:s22] =	dma.local [hbm:s5], s20  }
0x9e: {  	_ =	swait.ge [sflag:s22], s20  }
0x9f: {  	s4 =	ssub.s32 $0x0, s20;
	[sflag:s22] =	ssyncset.done $0x0  }
0xa0: {  	[sflag:s22] =	ssyncadd.s32 s4;
	_ =	sdelay $0x1  }
0xa1: {  	s23 =	simm.s32 $0x1B8B  }
0xa2: {  	_ =	swait.ge [sflag:s23], $0x1  }
0xa3: {  	[sflag:s23] =	ssyncset.done $0x0  }
0xa4: {  	s25 =	simm.s32 $0x1B8E;
	s24 =	sld [smem:$0x3FFE];
	[sflag:s23] =	ssyncadd.s32 $0xFFFFFFFF  }
0xa5: {  	s26 =	simm.s32 $execute0_lowered;
	[smem:$0x3FD2] =	sst s25  }
0xa6: {  	s5 =	sshll.u32 s26, $0x1;
	_ =	strace $0x8000005E;
	[dreg:$0x1] =	wrdreg $0xFFFFFFFF  }
0xa7: {  	s28 =	simm.s32 $_size_execute0_lowered;
	s3 =	sadd.s32 s3, s5;
	[dreg:$0x0] =	wrdreg $0x0  }
0xa8: {  	s5 =	sshll.u32 s28, $0x1;
	[dreg:$0x2] =	wrdreg s3  }
0xa9: {  	[dreg:$0x3] =	wrdreg s5  }
0xaa: {  	[dreg:$0x4] =	wrdreg $0xC0  }
0xab: {  	_ =	task [dreg:s7], $0x5FFFF  }
0xac: {  	[dreg:$0x1] =	wrdreg $0xFFFFFFFF  }
0xad: {  	[dreg:$0x0] =	wrdreg $0x60  }
0xae: {  	[dreg:$0x2] =	wrdreg s24  }
0xaf: {  	[dreg:$0x3] =	wrdreg s2  }
0xb0: {  	[dreg:$0x4] =	wrdreg $0x90000  }
0xb1: {  	[dreg:$0x5] =	wrdreg $0x9  }
0xb2: {  	_ =	task.clear_ibuf [dreg:s7], $0x6FFFF;
	_ =	strace $0x9000005E  }
0xb3: {  	s29 =	simm.s32 $0x9;
	_ =	strace $0x80000060  }
0xb4: {  	_ =	swait.ge [sflag:s29], $0x1  }
0xb5: {  	[sflag:s29] =	ssyncadd.s32 $0xFFFFFFFF  }
0xb6: {  	_ =	strace $0x90000060  }
0xb7: {  	_ =	sfence  }
0xb8: {  	s30 =	sld [smem:$0x0];
	_ =	sdelay $0x2  }
0xb9: {  	s31 =	sshll.u32 s1, $0xD;
	s1 =	sshrl.u32 s1, $0x2  }
0xba: {  	s3 =	sand.u32 $0x4000, s31;
	s1 =	sadd.s32 s1, s30  }
0xbb: {  	s0 =	sor.u32 s3, s0;
	s1 =	sshll.u32 s1, $0x11  }
0xbc: {  	s0 =	sor.u32 s1, s0  }
0xbd: {  	s0 =	sadd.s32 $0x8F2B, s0  }
0xbe: {  	[sflag:s0] =	ssyncadd.remote.s32 $0x1  }
0xbf: {  	_ =	sfence.sel $0xFFFF  }
0xc0: {  	[dreg:$0x0] =	wrdreg $0xFFFFFFFF;
	(pc) =	sbr.abs _section_cstart, $3  }
0xc1: {  	[dreg:$0x1] =	wrdreg $0xFFFFFFFF  }
0xc2: {  	_ =	task.clear_ibuf [dreg:s7], $0x2FFFF;
	_ =	strace $0x9FFFFFFF  }
0xc3: {  	(tm) =	ssettm $0x7FFFFFFF  }
tec
execute0_lowered:
.L_overlay_start_1:
0x0: {  	(tag) =	ssettag $0x1  }
0x1: {  	s5 =	rddreg [dreg:$0x0]  }
0x2: {  	s0 =	srdreg.scid;
	s7 =	rddreg [dreg:$0x1]  }
0x3: {  	s2 =	rddreg [dreg:$0x2];
	s3 =	simm.s32 $0x0;
	s15 =	simm.s32 $0x5000  }
0x4: {  	s16 =	simm.s32 $0x1;
	s6 =	sand.u32 $0x1, s0;
	s0 =	stileid.u32  }
0x5: {  	s17 =	simm.s32 $0x0;
	[smem:$0x7FF] =	sst s3;
	s9 =	smul.u32 $0x14000, s0  }
0x6: {  	s1 =	sshll.u32 s6, $0x4;
	s10 =	smul.u32 $0x140000, s6;
	s6 =	ssub.s32 $0x2, s6  }
0x7: {  	s29 =	smul.u32 $0x50000, s0;
	s31 =	sshll.u32 s0, $0x6;
	s4 =	sor.u32 s0, s1  }
0x8: {  	s1 =	rddreg [dreg:$0x3];
	_ =	strace $0x8000005F;
	s13 =	sshrl.u32 s6, $0x1  }
0x9: {  	s8 =	smul.u32 $0x500, s4;
	s4 =	sadd.s32 $0x60600, s5;
	s12 =	sshrl.u32 s9, $0x3  }
0xa: {  	s9 =	sadd.s32 s9, s10;
	s13 =	ssub.s32 s6, s13;
	s30 =	sshrl.u32 s29, $0x2  }
0xb: {  	s6 =	sor.u32 $0x1C02, s31;
	s12 =	sadd.s32 s12, s5;
	s9 =	sshrl.u32 s9, $0x3  }
0xc: {  	s14 =	sadd.s32 s30, s2;
	s10 =	smax.u32 s13, $0x1;
	s13 =	simm.s32 $0x2800  }
0xd: {  	s11 =	sadd.s32 s8, s5;
	s9 =	sadd.s32 s9, s5;
	s5 =	sadd.s32 $0x88600, s12  }
0xe: {  	s7 =	sadd.s32 s7, s8;
	s12 =	simm.s32 $0x2;
	s8 =	sadd.s32 $0x5600, s11  }
0xf: {  	s9 =	sadd.s32 $0xB0600, s9;
	s11 =	sshrl.u32 s14, $0x3;
	s14 =	simm.s32 $0x80  }
.LBB2_1:
0x10: {  	[spmem:s11], [sflag:s6] =	dma.local [hbm:s5], $0x2800  }
0x11: {  	_ =	swait.ge [sflag:s12], $0x2800  }
0x12: {  	[sflag:s12] =	ssyncset.done $0x0  }
0x13: {  	[sflag:s12] =	ssyncadd.s32 $0xFFFFD800  }
0x14: {  	[bflag:$0x0] =	sbarrier.arrive $0xFFFF  }
0x15: {  	[tilespmem:s3], [sflag:$0x2] =	stream.linear.gather [hbm4b:s7+s3], $0x2780, $0x38;
	[tilespmem:$0x1D000] =	vst v63  }
0x16: {  	_ =	swait.ge [sflag:s12], $0x2780  }
0x17: {  	[sflag:s12] =	ssyncset.done $0x0  }
0x18: {  	[sflag:s12] =	ssyncadd.s32 $0xFFFFD880  }
0x19: {  	[tilespmem:s13], [sflag:$0x2] =	stream.linear.gather [hbm4b:s8+s3], $0x2780, $0x38;
	[tilespmem:$0x1D000] =	vst v63  }
0x1a: {  	_ =	swait.ge [sflag:s12], $0x2780  }
0x1b: {  	[sflag:s12] =	ssyncset.done $0x0  }
0x1c: {  	s18 =	simm.s32 $0x0;
	[sflag:s12] =	ssyncadd.s32 $0xFFFFD880  }
0x1d: {  	[tilespmem:s15], [sflag:$0x1] =	stream.indirect.gather [hbm4b:s4+s14], $0x80, s18, s14, $0xb8;
	[tilespmem:$0x1D000] =	vst v63  }
0x1e: {  	_ =	swait.ge [sflag:s16], $0x4000  }
0x1f: {  	[sflag:s16] =	ssyncset.done $0x0  }
0x20: {  	s31 =	simm.s32 $0x2800;
	[sflag:s16] =	ssyncadd.s32 $0xFFFFC000  }
0x21: {  	[spmem:s2] =	stream.indirect.scatter.add.f32 [tilespmem:s15], [sflag:$0x2], $0x80, s31, s14, $0xb8;
	[tilespmem:$0x1D000] =	vst v63  }
0x22: {  	_ =	swait.ge [sflag:s12], $0x4000  }
0x23: {  	s19 =	simm.s32 $0x400;
	s18 =	simm.s32 $0x200;
	[sflag:s12] =	ssyncset.done $0x0  }
.LBB2_2:
0x24: {  	s20 =	sshra.s32 s18, $0x2  }
0x25: {  	[sflag:s12] =	ssyncadd.s32 $0xFFFFC000;
	s18 =	smov.u32 s19;
	s21 =	sadd.s32 $0x200, s19  }
0x26: {  	[tilespmem:s15], [sflag:$0x1] =	stream.indirect.gather [hbm4b:s4+s14], $0x80, s20, s14, $0xb8;
	[tilespmem:$0x1D000] =	vst v63  }
0x27: {  	p0 =	sne.s32 s19, $0x9C00;
	_ =	swait.ge [sflag:s16], $0x4000  }
.Ltmp0:
0x28: {  	[sflag:s16] =	ssyncset.done $0x0;
	(pc) =	sbr.rel @p0 .LBB2_2-.Ltmp0, $4  }
0x29: {  	s19 =	sadd.s32 $0x2800, s20;
	[sflag:s16] =	ssyncadd.s32 $0xFFFFC000  }
0x2a: {  	[spmem:s2] =	stream.indirect.scatter.add.f32 [tilespmem:s15], [sflag:$0x2], $0x80, s19, s14, $0xb8;
	[tilespmem:$0x1D000] =	vst v63  }
0x2b: {  	_ =	swait.ge [sflag:s12], $0x4000  }
0x2c: {  	s19 =	smov.u32 s21;
	[sflag:s12] =	ssyncset.done $0x0  }
0x2d: {  	s18 =	sshra.s32 s18, $0x2;
	[sflag:s12] =	ssyncadd.s32 $0xFFFFC000  }
0x2e: {  	[tilespmem:s15], [sflag:$0x1] =	stream.indirect.gather [hbm4b:s4+s14], $0x80, s18, s14, $0xb8;
	[tilespmem:$0x1D000] =	vst v63  }
0x2f: {  	_ =	swait.ge [sflag:s16], $0x4000  }
0x30: {  	[sflag:s16] =	ssyncset.done $0x0  }
0x31: {  	s18 =	sadd.s32 $0x2800, s18;
	[sflag:s16] =	ssyncadd.s32 $0xFFFFC000  }
0x32: {  	[spmem:s2] =	stream.indirect.scatter.add.f32 [tilespmem:s15], [sflag:$0x2], $0x80, s18, s14, $0xb8;
	[tilespmem:$0x1D000] =	vst v63  }
0x33: {  	_ =	swait.ge [sflag:s12], $0x4000  }
0x34: {  	s17 =	sadd.s32 $0x1, s17;
	[sflag:s12] =	ssyncset.done $0x0  }
0x35: {  	p0 =	sne.s32 s17, s10;
	[sflag:s12] =	ssyncadd.s32 $0xFFFFC000  }
.Ltmp1:
0x36: {  	[bflag:$0x0] =	sbarrier.arrive $0xFFFF;
	(pc) =	sbr.rel @p0 .LBB2_1-.Ltmp1, $4  }
0x37: {  	[hbm:s9], [sflag:s6] =	dma.local [spmem:s11], $0x2800  }
0x38: {  	_ =	swait.ge [sflag:s12], $0x2800  }
0x39: {  	[sflag:s12] =	ssyncset.done $0x0  }
0x3a: {  	[sflag:s12] =	ssyncadd.s32 $0xFFFFD800  }
0x3b: {  	_ =	sfence.sel $0x180000  }
0x3c: {  	[bflag:$0x0] =	sbarrier.arrive $0xFFFF  }
0x3d: {  	p0 =	sne.s32 s0, $0x0;
	_ =	strace $0x9000005F  }
0x3e: {  	s0 =	sadd.s32 @!p0 $0x100000, s1;
	[bflag:$0x2] =	sbarrier.arrive $0xFFFF  }
0x3f: {  	[sflag:s0] =	ssyncadd.tile.s32 @!p0 $0x1;
	_ =	shalt  }
.Lfunc_end2:
_tile_overlayer_lowered:
.L_overlay_start_2:
0x40: {  	(tag) =	ssettag $0x2  }
0x41: {  	s0 =	rddreg [dreg:$0x0];
	s2 =	stileid.u32  }
0x42: {  	s1 =	rddreg [dreg:$0x1];
	p0 =	sne.s32 s2, $0x0  }
0x43: {  	s3 =	rddreg [dreg:$0x2];
	[bflag:$0x3] =	sbarrier.arrive $0xFFFF;
	s2 =	simm.s32 @!p0 $0x1C02  }
0x44: {  	[timem:s3], [sflag:s2] =	dma.local @!p0 [hbm:s0], s1  }
0x45: {  	s0 =	simm.s32 @!p0 $0x2  }
0x46: {  	_ =	swait.ge @!p0 [sflag:s0], s1  }
0x47: {  	s1 =	ssub.s32 @!p0 $0x0, s1;
	[sflag:s0] =	ssyncset.done @!p0 $0x0  }
0x48: {  	[sflag:s0] =	ssyncadd.s32 @!p0 s1  }
0x49: {  	[bflag:$0x3] =	sbarrier.arrive $0xFFFF  }
0x4a: {  	_ =	shalt  }

</sc_bundles>
